<compile_context>
chip_gen: v7x
topology: tpu7x:2x2x1
jax: 0.10.2.dev20260603
libtpu: 0.0.44.dev20260713+nightly
codegen_flags: <defaults>
</compile_context>

<pallas_src>
import functools
import jax
import jax.numpy as jnp
from jax import lax
from jax.experimental import pallas as pl
from jax.experimental.pallas import tpu as pltpu
from jax.experimental.pallas import tpu_sc as plsc

DH = 128
DE = 16
DM = 64
P = 128
NC = 2
NS = 16
NW = NC * NS
K = 128

_f32 = jnp.float32


def _pre_body(h_ref, x_ref, wa_ref, wb_ref, a_ref, b_ref):
    h = h_ref[...]
    x = x_ref[...]
    n = h.shape[0]
    pad = jnp.zeros((n, P - DM - 3), _f32)
    a = jnp.dot(h, wa_ref[...], preferred_element_type=_f32)
    b = jnp.dot(h, wb_ref[...], preferred_element_type=_f32)
    a_ref[...] = jnp.concatenate([a, x, pad], axis=1)
    b_ref[...] = jnp.concatenate([b, -x, pad], axis=1)


def _pre(h2, x2, w1a, w1b):
    n = h2.shape[0]
    return pl.pallas_call(
        _pre_body,
        out_shape=[jax.ShapeDtypeStruct((n, P), _f32)] * 2,
    )(h2, x2, w1a, w1b)


def _sc_gather(a_ext, b_ext, src, dst):
    e = src.shape[0]
    nblk = e // K
    bpw = (nblk + NW - 1) // NW
    npair = (bpw + 2) // 2
    mesh = plsc.VectorSubcoreMesh(core_axis_name="c", subcore_axis_name="s")

    @functools.partial(
        pl.kernel,
        out_type=[jax.ShapeDtypeStruct((e, P), _f32)] * 2,
        mesh=mesh,
        scratch_types=[
            pltpu.VMEM((K,), jnp.int32), pltpu.VMEM((K,), jnp.int32),
            pltpu.VMEM((K,), jnp.int32), pltpu.VMEM((K,), jnp.int32),
            pltpu.VMEM((K, P), _f32), pltpu.VMEM((K, P), _f32),
            pltpu.VMEM((K, P), _f32), pltpu.VMEM((K, P), _f32),
            pltpu.SemaphoreType.DMA, pltpu.SemaphoreType.DMA,
            pltpu.SemaphoreType.DMA, pltpu.SemaphoreType.DMA,
        ],
    )
    def k(a_hbm, b_hbm, src_hbm, dst_hbm, ga_hbm, gb_hbm,
          is0, id0, is1, id1, ba0, bb0, ba1, bb1,
          sg0, sg1, so0, so1):
        c = lax.axis_index("c")
        s = lax.axis_index("s")
        wid = s * NC + c
        nv = (nblk - wid + NW - 1) // NW
        idx_s = (is0, is1)
        idx_d = (id0, id1)
        buf_a = (ba0, ba1)
        buf_b = (bb0, bb1)
        sem_g = (sg0, sg1)
        sem_o = (so0, so1)

        def drain_out(b):
            pltpu.make_async_copy(buf_a[b], ga_hbm.at[pl.ds(0, K)],
                                  sem_o[b]).wait()
            pltpu.make_async_copy(buf_b[b], gb_hbm.at[pl.ds(0, K)],
                                  sem_o[b]).wait()

        @pl.loop(0, npair)
        def _(tt):
            for b in (0, 1):
                t = tt * 2 + b
                o = 1 - b

                @pl.when(t < nv)
                def _():
                    base = (t * NW + wid) * K

                    @pl.when(t >= 2)
                    def _():
                        drain_out(b)
                    pltpu.sync_copy(src_hbm.at[pl.ds(base, K)], idx_s[b])
                    pltpu.sync_copy(dst_hbm.at[pl.ds(base, K)], idx_d[b])
                    pltpu.async_copy(a_hbm.at[idx_s[b]], buf_a[b], sem_g[b])
                    pltpu.async_copy(b_hbm.at[idx_d[b]], buf_b[b], sem_g[b])

                @pl.when((t >= 1) & (t - 1 < nv))
                def _():
                    basep = ((t - 1) * NW + wid) * K
                    pltpu.make_async_copy(a_hbm.at[idx_s[o]], buf_a[o],
                                          sem_g[o]).wait()
                    pltpu.make_async_copy(b_hbm.at[idx_d[o]], buf_b[o],
                                          sem_g[o]).wait()
                    pltpu.async_copy(buf_a[o], ga_hbm.at[pl.ds(basep, K)],
                                     sem_o[o])
                    pltpu.async_copy(buf_b[o], gb_hbm.at[pl.ds(basep, K)],
                                     sem_o[o])

        for b in (0, 1):
            @pl.when((nv >= 1) & ((nv - 1) % 2 == b))
            def _():
                drain_out(b)

            @pl.when((nv >= 2) & ((nv - 2) % 2 == b))
            def _():
                drain_out(b)

    return k(a_ext, b_ext, src, dst)


def _edge_body(ga_ref, gb_ref, ea_ref, w1ep_ref, b1p_ref, wdp_ref, sd_ref,
               w2_ref, b2_ref, tsel_ref, wx3_ref, out_ref):
    s = ga_ref[...] + gb_ref[...]
    d2 = jnp.clip(jnp.dot(s * s, sd_ref[...], preferred_element_type=_f32),
                  1e-12, None)
    u = (s + d2 * wdp_ref[...] + b1p_ref[...]
         + jnp.dot(ea_ref[...], w1ep_ref[...], preferred_element_type=_f32))
    m1 = jax.nn.silu(u[:, :DM])
    m2 = jax.nn.silu(jnp.dot(m1, w2_ref[...], preferred_element_type=_f32)
                     + b2_ref[...])
    inv = 1.0 / (jnp.sqrt(d2) + 1e-8)
    dx3 = jnp.dot(m2, wx3_ref[...], preferred_element_type=_f32) * inv * s
    out_ref[...] = jnp.dot(m2, tsel_ref[...],
                           preferred_element_type=_f32) + dx3


def _edge(ga, gb, ea, w1e, b1, wd, w2, b2, wx):
    e = ga.shape[0]
    blk = 2000
    grid = (e // blk,)
    w1ep = jnp.zeros((DE, P), _f32).at[:, :DM].set(w1e)
    b1p = jnp.zeros((1, P), _f32).at[:, :DM].set(b1)
    wdp = jnp.zeros((1, P), _f32).at[:, :DM].set(wd)
    sd = jnp.zeros((P, P), _f32).at[DM:DM + 3, :].set(1.0)
    tsel = jnp.zeros((DM, P), _f32).at[:, :DM].set(jnp.eye(DM, dtype=_f32))
    wx3 = jnp.zeros((DM, P), _f32).at[:, DM:DM + 3].set(
        jnp.broadcast_to(wx.T, (DM, 3)))
    rep = lambda shape: pl.BlockSpec(shape, lambda i: (0, 0))
    return pl.pallas_call(
        _edge_body,
        grid=grid,
        in_specs=[
            pl.BlockSpec((blk, P), lambda i: (i, 0)),
            pl.BlockSpec((blk, P), lambda i: (i, 0)),
            pl.BlockSpec((blk, DE), lambda i: (i, 0)),
            rep((DE, P)), rep((1, P)), rep((1, P)), rep((P, P)),
            rep((DM, DM)), rep((1, DM)), rep((DM, P)), rep((DM, P)),
        ],
        out_specs=pl.BlockSpec((blk, P), lambda i: (i, 0)),
        out_shape=jax.ShapeDtypeStruct((e, P), _f32),
    )(ga, gb, ea, w1ep, b1p, wdp, sd, w2, b2, tsel, wx3)


def _sc_scatter(vals, src, acc_in):
    e = src.shape[0]
    n = acc_in.shape[1]
    nblk = e // K
    bpw = (nblk + NW - 1) // NW
    npair = (bpw + 2) // 2
    rps = n // NS
    mesh = plsc.VectorSubcoreMesh(core_axis_name="c", subcore_axis_name="s")

    @functools.partial(
        pl.kernel,
        out_type=jax.ShapeDtypeStruct((NC, n, P), _f32),
        mesh=mesh,
        scratch_types=[
            pltpu.VMEM((K,), jnp.int32), pltpu.VMEM((K,), jnp.int32),
            pltpu.VMEM((K, P), _f32), pltpu.VMEM((K, P), _f32),
            pltpu.VMEM_SHARED((n, P), _f32),
            pltpu.SemaphoreType.DMA, pltpu.SemaphoreType.DMA,
        ],
    )
    def k(vals_hbm, src_hbm, z_hbm, out_hbm,
          iv0, iv1, vb0, vb1, acc, sl0, sl1):
        c = lax.axis_index("c")
        s = lax.axis_index("s")
        wid = s * NC + c
        nv = (nblk - wid + NW - 1) // NW
        row0 = s * rps
        idx_v = (iv0, iv1)
        vbuf = (vb0, vb1)
        sem_l = (sl0, sl1)

        pltpu.sync_copy(z_hbm.at[c, pl.ds(row0, rps)],
                        acc.at[pl.ds(row0, rps)])
        plsc.subcore_barrier()

        @pl.loop(0, npair)
        def _(tt):
            for b in (0, 1):
                t = tt * 2 + b
                o = 1 - b

                @pl.when(t < nv)
                def _():
                    base = (t * NW + wid) * K
                    pltpu.async_copy(src_hbm.at[pl.ds(base, K)], idx_v[b],
                                     sem_l[b])
                    pltpu.async_copy(vals_hbm.at[pl.ds(base, K)], vbuf[b],
                                     sem_l[b])

                @pl.when((t >= 1) & (t - 1 < nv))
                def _():
                    basep = ((t - 1) * NW + wid) * K
                    pltpu.make_async_copy(src_hbm.at[pl.ds(basep, K)],
                                          idx_v[o], sem_l[o]).wait()
                    pltpu.make_async_copy(vals_hbm.at[pl.ds(basep, K)],
                                          vbuf[o], sem_l[o]).wait()
                    pltpu.sync_copy(vbuf[o], acc.at[idx_v[o]], add=True)

        plsc.subcore_barrier()
        pltpu.sync_copy(acc.at[pl.ds(row0, rps)],
                        out_hbm.at[c, pl.ds(row0, rps)])

    return k(vals, src, acc_in)


def _node_body(h_ref, x_ref, acc_ref, wh1a_ref, wh1b_ref, bh1_ref, wh2_ref,
               bh2_ref, hn_ref, xn_ref):
    h = h_ref[...]
    n = h.shape[0]
    dh = acc_ref[0, :n, :DM] + acc_ref[1, :n, :DM]
    dx = acc_ref[0, :n, DM:DM + 3] + acc_ref[1, :n, DM:DM + 3]
    t = (jnp.dot(h, wh1a_ref[...], preferred_element_type=_f32)
         + jnp.dot(dh, wh1b_ref[...], preferred_element_type=_f32)
         + bh1_ref[...])
    g = jax.nn.silu(t)
    hn_ref[...] = h + jnp.dot(g, wh2_ref[...], preferred_element_type=_f32) \
        + bh2_ref[...]
    xn_ref[...] = x_ref[...] + dx


def _node(h2, x2, acc, wh1a, wh1b, bh1, wh2, bh2):
    n = h2.shape[0]
    return pl.pallas_call(
        _node_body,
        out_shape=[jax.ShapeDtypeStruct((n, DH), _f32),
                   jax.ShapeDtypeStruct((n, 3), _f32)],
    )(h2, x2, acc, wh1a, wh1b, bh1, wh2, bh2)


def kernel(x, h, edge_index, edge_attr,
           W_e1, b_e1, W_e2, b_e2, W_x, W_h1, b_h1, W_h2, b_h2):
    x2 = x[0]
    h2 = h[0]
    ea = edge_attr[0]
    n = h2.shape[0]
    ei = edge_index.astype(jnp.int32).T
    src = ei[0]
    dst = ei[1]

    w1a = W_e1[:DH]
    w1b = W_e1[DH:2 * DH]
    wd = W_e1[2 * DH:2 * DH + 1]
    w1e = W_e1[2 * DH + 1:]

    a_ext, b_ext = _pre(h2, x2, w1a, w1b)
    npad = ((n + NW * 8 - 1) // (NW * 8)) * (NW * 8)
    acc = jnp.zeros((NC, npad, P), _f32)
    e = src.shape[0]
    nchunk = 2
    ec = e // nchunk
    assert ec * nchunk == e and ec % K == 0
    for i in range(nchunk):
        sl = slice(i * ec, (i + 1) * ec)
        ga, gb = _sc_gather(a_ext, b_ext, src[sl], dst[sl])
        vals = _edge(ga, gb, ea[sl], w1e, b_e1[None], wd, W_e2, b_e2[None],
                     W_x.T)
        acc = _sc_scatter(vals, src[sl], acc)
    hn, xn = _node(h2, x2, acc, W_h1[:DH], W_h1[DH:], b_h1[None],
                   W_h2, b_h2[None])
    return xn[None], hn[None]

# --- scband reference (transcript-rebuilt; emitter-appended) ---
"""Pipeline reference for scband-egnnlayer-77884936946197 (READ-ONLY COPY).

The authoritative reference and input builder live on the scoring server;
editing this copy changes nothing except your own understanding.
"""

import jax, jax.numpy as jnp
import numpy as np

B, N, E, DH, DE, DM = 1, 10000, 320000, 128, 16, 64


def _lin(k, fi, fo, bias=True):
    k1, k2 = jax.random.split(k)
    bound = 1.0 / np.sqrt(fi)
    W = jax.random.uniform(k1, (fi, fo), minval=-bound, maxval=bound, dtype=jnp.float32)
    if bias:
        b = jax.random.uniform(k2, (fo,), minval=-bound, maxval=bound, dtype=jnp.float32)
        return W, b
    return W, None


def setup_inputs(seed: int = 0) -> dict:
    key = jax.random.key(seed)
    ks = jax.random.split(key, 10)
    x = jax.random.normal(ks[0], (B, N, 3), dtype=jnp.float32)
    h = jax.random.normal(ks[1], (B, N, DH), dtype=jnp.float32)
    edge_index = jax.random.randint(ks[2], (E, 2), 0, N, dtype=jnp.int64 if jax.config.jax_enable_x64 else jnp.int32)
    edge_attr = jax.random.normal(ks[3], (B, E, DE), dtype=jnp.float32)
    d_in = 2 * DH + 1 + DE
    W_e1, b_e1 = _lin(ks[4], d_in, DM)
    W_e2, b_e2 = _lin(ks[5], DM, DM)
    W_x, _ = _lin(ks[6], DM, 1, bias=False)
    W_h1, b_h1 = _lin(ks[7], DH + DM, DH)
    W_h2, b_h2 = _lin(ks[8], DH, DH)
    return {"x": x, "h": h, "edge_index": edge_index, "edge_attr": edge_attr,
            "W_e1": W_e1, "b_e1": b_e1, "W_e2": W_e2, "b_e2": b_e2,
            "W_x": W_x, "W_h1": W_h1, "b_h1": b_h1, "W_h2": W_h2, "b_h2": b_h2}


def _ntn(a):
    return jnp.nan_to_num(a, nan=0.0, posinf=10000.0, neginf=-10000.0)


def reference(x, h, edge_index, edge_attr, W_e1, b_e1, W_e2, b_e2, W_x, W_h1, b_h1, W_h2, b_h2):
    src = edge_index[:, 0]
    dst = edge_index[:, 1]
    x_i = x[:, src]
    x_j = x[:, dst]
    h_i = h[:, src]
    h_j = h[:, dst]
    diff = x_i - x_j
    dist2 = jnp.clip(jnp.sum(diff ** 2, axis=-1, keepdims=True), 1e-12, None)
    edge_input = jnp.concatenate([h_i, h_j, dist2, edge_attr], axis=-1)
    edge_input = _ntn(edge_input)
    m_ij = jax.nn.silu(edge_input @ W_e1 + b_e1)
    m_ij = jax.nn.silu(m_ij @ W_e2 + b_e2)
    m_ij = _ntn(m_ij)
    m_x = m_ij @ W_x
    inv_d = 1.0 / (jnp.sqrt(dist2) + 1e-08)
    direction = diff * inv_d
    delta_x_ij = _ntn(m_x * direction)
    delta_x = jnp.zeros_like(x).at[:, src].add(delta_x_ij)
    delta_h_msg = jnp.zeros((x.shape[0], x.shape[1], m_ij.shape[-1]), dtype=h.dtype).at[:, src].add(m_ij)
    h_input = jnp.concatenate([h, delta_h_msg], axis=-1)
    h_new = h + (jax.nn.silu(h_input @ W_h1 + b_h1) @ W_h2 + b_h2)
    x_new = x + delta_x
    h_new = _ntn(h_new)
    x_new = _ntn(x_new)
    return (x_new, h_new)

if __name__ == "__main__":
    import jax
    _d = setup_inputs()
    print(jax.jit(kernel)(*tuple(_d.values())))

</pallas_src>

<mosaic_0001>
#map = affine_map<(d0, d1) -> (0, 0)>
#map1 = affine_map<(d0, d1) -> (0)>
#map2 = affine_map<(d0, d1) -> (0, 0, 0)>
module attributes {stable_mosaic.version = 14 : i64} {
  func.func @k(%arg0: i32, %arg1: i32, %arg2: memref<160000x128xf32, #tpu.memory_space<hbm>>, %arg3: memref<160000xi32, #tpu.memory_space<hbm>>, %arg4: memref<2x10240x128xf32, #tpu.memory_space<hbm>>, %arg5: memref<2x10240x128xf32, #tpu.memory_space<hbm>>, %arg6: memref<128xi32, #tpu.memory_space<vmem>>, %arg7: memref<128xi32, #tpu.memory_space<vmem>>, %arg8: memref<128x128xf32, #tpu.memory_space<vmem>>, %arg9: memref<128x128xf32, #tpu.memory_space<vmem>>, %arg10: memref<10240x128xf32, #tpu.memory_space<vmem_shared>>, %arg11: memref<!tpu.dma_semaphore, #tpu.memory_space<semaphore_mem>>, %arg12: memref<!tpu.dma_semaphore, #tpu.memory_space<semaphore_mem>>) attributes {dimension_semantics = [#tpu.dimension_semantics<core_parallel>, #tpu.dimension_semantics<subcore_parallel>], iteration_bounds = array<i64: 2, 16>, scalar_prefetch = 0 : i64, scratch_operands = 7 : i64, tpu.core_type = #tpu.core_type<sc_vector_subcore>, window_params = [{transform_indices = #map}, {transform_indices = #map1}, {transform_indices = #map2}, {transform_indices = #map2}]} {
    %mul3A = arith.constant 2 : i32
    %mul3A_0 = arith.muli %arg1, %mul3A : i32
    %add3A = arith.addi %mul3A_0, %arg0 : i32
    %sub3A = arith.constant 1250 : i32
    %sub3A_1 = arith.subi %sub3A, %add3A : i32
    %add3A_2 = arith.constant 32 : i32
    %add3A_3 = arith.addi %sub3A_1, %add3A_2 : i32
    %sub3A_4 = arith.constant 1 : i32
    %sub3A_5 = arith.subi %add3A_3, %sub3A_4 : i32
    %jit3A = arith.constant 32 : i32
    %div3A = arith.divsi %sub3A_5, %jit3A : i32
    %sign3A = arith.constant 0 : i32
    %sign3A_6 = arith.cmpi sgt, %sub3A_5, %sign3A : i32
    %sign3A_7 = arith.extui %sign3A_6 : i1 to i32
    %sign3A_8 = arith.constant 0 : i32
    %sign3A_9 = arith.cmpi slt, %sub3A_5, %sign3A_8 : i32
    %sign3A_10 = arith.extui %sign3A_9 : i1 to i32
    %sign3A_11 = arith.subi %sign3A_7, %sign3A_10 : i32
    %sign3A_12 = arith.constant 0 : i32
    %sign3A_13 = arith.cmpi sgt, %jit3A, %sign3A_12 : i32
    %sign3A_14 = arith.extui %sign3A_13 : i1 to i32
    %sign3A_15 = arith.constant 0 : i32
    %sign3A_16 = arith.cmpi slt, %jit3A, %sign3A_15 : i32
    %sign3A_17 = arith.extui %sign3A_16 : i1 to i32
    %sign3A_18 = arith.subi %sign3A_14, %sign3A_17 : i32
    %ne3A = arith.cmpi ne, %sign3A_11, %sign3A_18 : i32
    %rem3A = arith.remsi %sub3A_5, %jit3A : i32
    %ne3A_19 = arith.constant 0 : i32
    %ne3A_20 = arith.cmpi ne, %rem3A, %ne3A_19 : i32
    %and3A = arith.andi %ne3A, %ne3A_20 : i1
    %sub3A_21 = arith.constant 1 : i32
    %sub3A_22 = arith.subi %div3A, %sub3A_21 : i32
    %select_n3A = arith.select %and3A, %sub3A_22, %div3A : i32
    %mul3A_23 = arith.constant 640 : i32
    %mul3A_24 = arith.muli %arg1, %mul3A_23 : i32
    "tpu.region"() ({
      %run_scoped3A = tpu.sem_alloc : memref<!tpu.dma_semaphore, #tpu.memory_space<semaphore_mem>>
      %dma_start3A = arith.constant 0 : i32
      %dma_start3A_30 = tpu.memref_slice %arg10[%mul3A_24, %dma_start3A] : memref<10240x128xf32, #tpu.memory_space<vmem_shared>> -> memref<640x128xf32, #tpu.memory_space<vmem_shared>>
      %dma_start3A_31 = arith.constant 0 : i32
      %dma_start3A_32 = tpu.memref_slice %arg4[%arg0, %mul3A_24, %dma_start3A_31] : memref<2x10240x128xf32, #tpu.memory_space<hbm>> -> memref<1x640x128xf32, #tpu.memory_space<hbm>>
      %dma_start3A_33 = tpu.memref_squeeze %dma_start3A_32 : memref<1x640x128xf32, #tpu.memory_space<hbm>> -> memref<640x128xf32, #tpu.memory_space<hbm>>
      tpu.enqueue_dma source(%dma_start3A_33 : memref<640x128xf32, #tpu.memory_space<hbm>>) target(%dma_start3A_30 : memref<640x128xf32, #tpu.memory_space<vmem_shared>>) target_semaphore(%run_scoped3A : memref<!tpu.dma_semaphore, #tpu.memory_space<semaphore_mem>>)
      %dma_wait3A = arith.constant 0 : i32
      %dma_wait3A_34 = tpu.memref_slice %arg10[%mul3A_24, %dma_wait3A] : memref<10240x128xf32, #tpu.memory_space<vmem_shared>> -> memref<640x128xf32, #tpu.memory_space<vmem_shared>>
      %dma_wait3A_35 = arith.constant 0 : i32
      %dma_wait3A_36 = tpu.memref_slice %arg4[%arg0, %mul3A_24, %dma_wait3A_35] : memref<2x10240x128xf32, #tpu.memory_space<hbm>> -> memref<1x640x128xf32, #tpu.memory_space<hbm>>
      %dma_wait3A_37 = tpu.memref_squeeze %dma_wait3A_36 : memref<1x640x128xf32, #tpu.memory_space<hbm>> -> memref<640x128xf32, #tpu.memory_space<hbm>>
      tpu.wait_dma2 semaphore(%run_scoped3A : memref<!tpu.dma_semaphore, #tpu.memory_space<semaphore_mem>>) src(%dma_wait3A_37 : memref<640x128xf32, #tpu.memory_space<hbm>>) dst(%dma_wait3A_34 : memref<640x128xf32, #tpu.memory_space<vmem_shared>>)
      tpu.yield
    }) : () -> ()
    %barrier3A = arith.constant 0 : index
    tpu.barrier barrier_id(%barrier3A)
    %scan3A = arith.constant 0 : i32
    %scan3A_25 = arith.constant 21 : i32
    %scan3A_26 = arith.addi %scan3A, %scan3A_25 : i32
    %scan3A_27 = arith.constant 1 : i32
    scf.for %scan3A_30 = %scan3A to %scan3A_26 step %scan3A_27  : i32 {
      %mul3A_31 = arith.constant 1 : i32
      %mul3A_32 = arith.muli %scan3A_30, %mul3A_31 : i32
      %add3A_33 = arith.constant 0 : i32
      %add3A_34 = arith.addi %add3A_33, %mul3A_32 : i32
      %mul3A_35 = arith.constant 2 : i32
      %mul3A_36 = arith.muli %add3A_34, %mul3A_35 : i32
      %add3A_37 = arith.constant 0 : i32
      %add3A_38 = arith.addi %mul3A_36, %add3A_37 : i32
      %lt3A = arith.cmpi slt, %add3A_38, %select_n3A : i32
      %convert_element_type3A = arith.extui %lt3A : i1 to i32
      %cond3A = arith.constant 0 : i32
      %cond3A_39 = arith.cmpi ne, %convert_element_type3A, %cond3A : i32
      scf.if %cond3A_39 {
        %mul3A_65 = arith.constant 32 : i32
        %mul3A_66 = arith.muli %add3A_38, %mul3A_65 : i32
        %add3A_67 = arith.addi %mul3A_66, %add3A : i32
        %mul3A_68 = arith.constant 128 : i32
        %mul3A_69 = arith.muli %add3A_67, %mul3A_68 : i32
        %dma_start3A = tpu.memref_slice %arg3[%mul3A_69] : memref<160000xi32, #tpu.memory_space<hbm>> -> memref<128xi32, #tpu.memory_space<hbm>>
        %dma_start3A_70 = tpu.memref_slice %arg3[%mul3A_69] : memref<160000xi32, #tpu.memory_space<hbm>> -> memref<128xi32, #tpu.memory_space<hbm>>
        tpu.enqueue_dma source(%dma_start3A_70 : memref<128xi32, #tpu.memory_space<hbm>>) target(%arg6 : memref<128xi32, #tpu.memory_space<vmem>>) target_semaphore(%arg11 : memref<!tpu.dma_semaphore, #tpu.memory_space<semaphore_mem>>)
        %dma_start3A_71 = arith.constant 0 : i32
        %dma_start3A_72 = tpu.memref_slice %arg2[%mul3A_69, %dma_start3A_71] : memref<160000x128xf32, #tpu.memory_space<hbm>> -> memref<128x128xf32, #tpu.memory_space<hbm>>
        %dma_start3A_73 = arith.constant 0 : i32
        %dma_start3A_74 = tpu.memref_slice %arg2[%mul3A_69, %dma_start3A_73] : memref<160000x128xf32, #tpu.memory_space<hbm>> -> memref<128x128xf32, #tpu.memory_space<hbm>>
        tpu.enqueue_dma source(%dma_start3A_74 : memref<128x128xf32, #tpu.memory_space<hbm>>) target(%arg8 : memref<128x128xf32, #tpu.memory_space<vmem>>) target_semaphore(%arg11 : memref<!tpu.dma_semaphore, #tpu.memory_space<semaphore_mem>>)
      } else {
      }
      %ge3A = arith.constant 1 : i32
      %ge3A_40 = arith.cmpi sge, %add3A_38, %ge3A : i32
      %sub3A_41 = arith.constant 1 : i32
      %sub3A_42 = arith.subi %add3A_38, %sub3A_41 : i32
      %lt3A_43 = arith.cmpi slt, %sub3A_42, %select_n3A : i32
      %and3A_44 = arith.andi %ge3A_40, %lt3A_43 : i1
      %convert_element_type3A_45 = arith.extui %and3A_44 : i1 to i32
      %cond3A_46 = arith.constant 0 : i32
      %cond3A_47 = arith.cmpi ne, %convert_element_type3A_45, %cond3A_46 : i32
      scf.if %cond3A_47 {
        %sub3A_65 = arith.constant 1 : i32
        %sub3A_66 = arith.subi %add3A_38, %sub3A_65 : i32
        %mul3A_67 = arith.constant 32 : i32
        %mul3A_68 = arith.muli %sub3A_66, %mul3A_67 : i32
        %add3A_69 = arith.addi %mul3A_68, %add3A : i32
        %mul3A_70 = arith.constant 128 : i32
        %mul3A_71 = arith.muli %add3A_69, %mul3A_70 : i32
        %dma_wait3A = tpu.memref_slice %arg3[%mul3A_71] : memref<160000xi32, #tpu.memory_space<hbm>> -> memref<128xi32, #tpu.memory_space<hbm>>
        %dma_wait3A_72 = tpu.memref_slice %arg3[%mul3A_71] : memref<160000xi32, #tpu.memory_space<hbm>> -> memref<128xi32, #tpu.memory_space<hbm>>
        tpu.wait_dma2 semaphore(%arg12 : memref<!tpu.dma_semaphore, #tpu.memory_space<semaphore_mem>>) src(%dma_wait3A_72 : memref<128xi32, #tpu.memory_space<hbm>>) dst(%arg7 : memref<128xi32, #tpu.memory_space<vmem>>)
        %dma_wait3A_73 = arith.constant 0 : i32
        %dma_wait3A_74 = tpu.memref_slice %arg2[%mul3A_71, %dma_wait3A_73] : memref<160000x128xf32, #tpu.memory_space<hbm>> -> memref<128x128xf32, #tpu.memory_space<hbm>>
        %dma_wait3A_75 = arith.constant 0 : i32
        %dma_wait3A_76 = tpu.memref_slice %arg2[%mul3A_71, %dma_wait3A_75] : memref<160000x128xf32, #tpu.memory_space<hbm>> -> memref<128x128xf32, #tpu.memory_space<hbm>>
        tpu.wait_dma2 semaphore(%arg12 : memref<!tpu.dma_semaphore, #tpu.memory_space<semaphore_mem>>) src(%dma_wait3A_76 : memref<128x128xf32, #tpu.memory_space<hbm>>) dst(%arg9 : memref<128x128xf32, #tpu.memory_space<vmem>>)
        "tpu.region"() ({
          %run_scoped3A = tpu.sem_alloc : memref<!tpu.dma_semaphore, #tpu.memory_space<semaphore_mem>>
          %dma_start3A = arith.constant 0 : i32
          %dma_start3A_77 = arith.constant 0 : i32
          %dma_start3A_78 = tpu.memref_slice %arg10[%dma_start3A, %dma_start3A_77] : memref<10240x128xf32, #tpu.memory_space<vmem_shared>> -> memref<10240x128xf32, #tpu.memory_space<vmem_shared>>
          tpu.enqueue_indirect_dma source(%arg9 : memref<128x128xf32, #tpu.memory_space<vmem>>) target(%dma_start3A_78 : memref<10240x128xf32, #tpu.memory_space<vmem_shared>>) offsets(%arg7 : memref<128xi32, #tpu.memory_space<vmem>>) semaphore(%run_scoped3A : memref<!tpu.dma_semaphore, #tpu.memory_space<semaphore_mem>>) {add = true}
          %dma_wait3A_79 = arith.constant 0 : i32
          %dma_wait3A_80 = arith.constant 0 : i32
          %dma_wait3A_81 = tpu.memref_slice %arg10[%dma_wait3A_79, %dma_wait3A_80] : memref<10240x128xf32, #tpu.memory_space<vmem_shared>> -> memref<10240x128xf32, #tpu.memory_space<vmem_shared>>
          tpu.wait_indirect_dma semaphore(%run_scoped3A : memref<!tpu.dma_semaphore, #tpu.memory_space<semaphore_mem>>) src(%arg9 : memref<128x128xf32, #tpu.memory_space<vmem>>) dst(%dma_wait3A_81 : memref<10240x128xf32, #tpu.memory_space<vmem_shared>>)
          tpu.yield
        }) : () -> ()
      } else {
      }
      %mul3A_48 = arith.constant 2 : i32
      %mul3A_49 = arith.muli %add3A_34, %mul3A_48 : i32
      %add3A_50 = arith.constant 1 : i32
      %add3A_51 = arith.addi %mul3A_49, %add3A_50 : i32
      %lt3A_52 = arith.cmpi slt, %add3A_51, %select_n3A : i32
      %convert_element_type3A_53 = arith.extui %lt3A_52 : i1 to i32
      %cond3A_54 = arith.constant 0 : i32
      %cond3A_55 = arith.cmpi ne, %convert_element_type3A_53, %cond3A_54 : i32
      scf.if %cond3A_55 {
        %mul3A_65 = arith.constant 32 : i32
        %mul3A_66 = arith.muli %add3A_51, %mul3A_65 : i32
        %add3A_67 = arith.addi %mul3A_66, %add3A : i32
        %mul3A_68 = arith.constant 128 : i32
        %mul3A_69 = arith.muli %add3A_67, %mul3A_68 : i32
        %dma_start3A = tpu.memref_slice %arg3[%mul3A_69] : memref<160000xi32, #tpu.memory_space<hbm>> -> memref<128xi32, #tpu.memory_space<hbm>>
        %dma_start3A_70 = tpu.memref_slice %arg3[%mul3A_69] : memref<160000xi32, #tpu.memory_space<hbm>> -> memref<128xi32, #tpu.memory_space<hbm>>
        tpu.enqueue_dma source(%dma_start3A_70 : memref<128xi32, #tpu.memory_space<hbm>>) target(%arg7 : memref<128xi32, #tpu.memory_space<vmem>>) target_semaphore(%arg12 : memref<!tpu.dma_semaphore, #tpu.memory_space<semaphore_mem>>)
        %dma_start3A_71 = arith.constant 0 : i32
        %dma_start3A_72 = tpu.memref_slice %arg2[%mul3A_69, %dma_start3A_71] : memref<160000x128xf32, #tpu.memory_space<hbm>> -> memref<128x128xf32, #tpu.memory_space<hbm>>
        %dma_start3A_73 = arith.constant 0 : i32
        %dma_start3A_74 = tpu.memref_slice %arg2[%mul3A_69, %dma_start3A_73] : memref<160000x128xf32, #tpu.memory_space<hbm>> -> memref<128x128xf32, #tpu.memory_space<hbm>>
        tpu.enqueue_dma source(%dma_start3A_74 : memref<128x128xf32, #tpu.memory_space<hbm>>) target(%arg9 : memref<128x128xf32, #tpu.memory_space<vmem>>) target_semaphore(%arg12 : memref<!tpu.dma_semaphore, #tpu.memory_space<semaphore_mem>>)
      } else {
      }
      %ge3A_56 = arith.constant 1 : i32
      %ge3A_57 = arith.cmpi sge, %add3A_51, %ge3A_56 : i32
      %sub3A_58 = arith.constant 1 : i32
      %sub3A_59 = arith.subi %add3A_51, %sub3A_58 : i32
      %lt3A_60 = arith.cmpi slt, %sub3A_59, %select_n3A : i32
      %and3A_61 = arith.andi %ge3A_57, %lt3A_60 : i1
      %convert_element_type3A_62 = arith.extui %and3A_61 : i1 to i32
      %cond3A_63 = arith.constant 0 : i32
      %cond3A_64 = arith.cmpi ne, %convert_element_type3A_62, %cond3A_63 : i32
      scf.if %cond3A_64 {
        %sub3A_65 = arith.constant 1 : i32
        %sub3A_66 = arith.subi %add3A_51, %sub3A_65 : i32
        %mul3A_67 = arith.constant 32 : i32
        %mul3A_68 = arith.muli %sub3A_66, %mul3A_67 : i32
        %add3A_69 = arith.addi %mul3A_68, %add3A : i32
        %mul3A_70 = arith.constant 128 : i32
        %mul3A_71 = arith.muli %add3A_69, %mul3A_70 : i32
        %dma_wait3A = tpu.memref_slice %arg3[%mul3A_71] : memref<160000xi32, #tpu.memory_space<hbm>> -> memref<128xi32, #tpu.memory_space<hbm>>
        %dma_wait3A_72 = tpu.memref_slice %arg3[%mul3A_71] : memref<160000xi32, #tpu.memory_space<hbm>> -> memref<128xi32, #tpu.memory_space<hbm>>
        tpu.wait_dma2 semaphore(%arg11 : memref<!tpu.dma_semaphore, #tpu.memory_space<semaphore_mem>>) src(%dma_wait3A_72 : memref<128xi32, #tpu.memory_space<hbm>>) dst(%arg6 : memref<128xi32, #tpu.memory_space<vmem>>)
        %dma_wait3A_73 = arith.constant 0 : i32
        %dma_wait3A_74 = tpu.memref_slice %arg2[%mul3A_71, %dma_wait3A_73] : memref<160000x128xf32, #tpu.memory_space<hbm>> -> memref<128x128xf32, #tpu.memory_space<hbm>>
        %dma_wait3A_75 = arith.constant 0 : i32
        %dma_wait3A_76 = tpu.memref_slice %arg2[%mul3A_71, %dma_wait3A_75] : memref<160000x128xf32, #tpu.memory_space<hbm>> -> memref<128x128xf32, #tpu.memory_space<hbm>>
        tpu.wait_dma2 semaphore(%arg11 : memref<!tpu.dma_semaphore, #tpu.memory_space<semaphore_mem>>) src(%dma_wait3A_76 : memref<128x128xf32, #tpu.memory_space<hbm>>) dst(%arg8 : memref<128x128xf32, #tpu.memory_space<vmem>>)
        "tpu.region"() ({
          %run_scoped3A = tpu.sem_alloc : memref<!tpu.dma_semaphore, #tpu.memory_space<semaphore_mem>>
          %dma_start3A = arith.constant 0 : i32
          %dma_start3A_77 = arith.constant 0 : i32
          %dma_start3A_78 = tpu.memref_slice %arg10[%dma_start3A, %dma_start3A_77] : memref<10240x128xf32, #tpu.memory_space<vmem_shared>> -> memref<10240x128xf32, #tpu.memory_space<vmem_shared>>
          tpu.enqueue_indirect_dma source(%arg8 : memref<128x128xf32, #tpu.memory_space<vmem>>) target(%dma_start3A_78 : memref<10240x128xf32, #tpu.memory_space<vmem_shared>>) offsets(%arg6 : memref<128xi32, #tpu.memory_space<vmem>>) semaphore(%run_scoped3A : memref<!tpu.dma_semaphore, #tpu.memory_space<semaphore_mem>>) {add = true}
          %dma_wait3A_79 = arith.constant 0 : i32
          %dma_wait3A_80 = arith.constant 0 : i32
          %dma_wait3A_81 = tpu.memref_slice %arg10[%dma_wait3A_79, %dma_wait3A_80] : memref<10240x128xf32, #tpu.memory_space<vmem_shared>> -> memref<10240x128xf32, #tpu.memory_space<vmem_shared>>
          tpu.wait_indirect_dma semaphore(%run_scoped3A : memref<!tpu.dma_semaphore, #tpu.memory_space<semaphore_mem>>) src(%arg8 : memref<128x128xf32, #tpu.memory_space<vmem>>) dst(%dma_wait3A_81 : memref<10240x128xf32, #tpu.memory_space<vmem_shared>>)
          tpu.yield
        }) : () -> ()
      } else {
      }
    }
    %scan3A_28 = arith.constant 21 : i32
    %barrier3A_29 = arith.constant 0 : index
    tpu.barrier barrier_id(%barrier3A_29)
    "tpu.region"() ({
      %run_scoped3A = tpu.sem_alloc : memref<!tpu.dma_semaphore, #tpu.memory_space<semaphore_mem>>
      %dma_start3A = arith.constant 0 : i32
      %dma_start3A_30 = tpu.memref_slice %arg5[%arg0, %mul3A_24, %dma_start3A] : memref<2x10240x128xf32, #tpu.memory_space<hbm>> -> memref<1x640x128xf32, #tpu.memory_space<hbm>>
      %dma_start3A_31 = tpu.memref_squeeze %dma_start3A_30 : memref<1x640x128xf32, #tpu.memory_space<hbm>> -> memref<640x128xf32, #tpu.memory_space<hbm>>
      %dma_start3A_32 = arith.constant 0 : i32
      %dma_start3A_33 = tpu.memref_slice %arg10[%mul3A_24, %dma_start3A_32] : memref<10240x128xf32, #tpu.memory_space<vmem_shared>> -> memref<640x128xf32, #tpu.memory_space<vmem_shared>>
      tpu.enqueue_dma source(%dma_start3A_33 : memref<640x128xf32, #tpu.memory_space<vmem_shared>>) target(%dma_start3A_31 : memref<640x128xf32, #tpu.memory_space<hbm>>) target_semaphore(%run_scoped3A : memref<!tpu.dma_semaphore, #tpu.memory_space<semaphore_mem>>)
      %dma_wait3A = arith.constant 0 : i32
      %dma_wait3A_34 = tpu.memref_slice %arg5[%arg0, %mul3A_24, %dma_wait3A] : memref<2x10240x128xf32, #tpu.memory_space<hbm>> -> memref<1x640x128xf32, #tpu.memory_space<hbm>>
      %dma_wait3A_35 = tpu.memref_squeeze %dma_wait3A_34 : memref<1x640x128xf32, #tpu.memory_space<hbm>> -> memref<640x128xf32, #tpu.memory_space<hbm>>
      %dma_wait3A_36 = arith.constant 0 : i32
      %dma_wait3A_37 = tpu.memref_slice %arg10[%mul3A_24, %dma_wait3A_36] : memref<10240x128xf32, #tpu.memory_space<vmem_shared>> -> memref<640x128xf32, #tpu.memory_space<vmem_shared>>
      tpu.wait_dma2 semaphore(%run_scoped3A : memref<!tpu.dma_semaphore, #tpu.memory_space<semaphore_mem>>) src(%dma_wait3A_37 : memref<640x128xf32, #tpu.memory_space<vmem_shared>>) dst(%dma_wait3A_35 : memref<640x128xf32, #tpu.memory_space<hbm>>)
      tpu.yield
    }) : () -> ()
    return
  }
}

#map = affine_map<(d0, d1) -> (0, 0)>
#map1 = affine_map<(d0, d1) -> (0)>
module attributes {stable_mosaic.version = 14 : i64} {
  func.func @k(%arg0: i32, %arg1: i32, %arg2: memref<10000x128xf32, #tpu.memory_space<hbm>>, %arg3: memref<10000x128xf32, #tpu.memory_space<hbm>>, %arg4: memref<160000xi32, #tpu.memory_space<hbm>>, %arg5: memref<160000xi32, #tpu.memory_space<hbm>>, %arg6: memref<160000x128xf32, #tpu.memory_space<hbm>>, %arg7: memref<160000x128xf32, #tpu.memory_space<hbm>>, %arg8: memref<128xi32, #tpu.memory_space<vmem>>, %arg9: memref<128xi32, #tpu.memory_space<vmem>>, %arg10: memref<128xi32, #tpu.memory_space<vmem>>, %arg11: memref<128xi32, #tpu.memory_space<vmem>>, %arg12: memref<128x128xf32, #tpu.memory_space<vmem>>, %arg13: memref<128x128xf32, #tpu.memory_space<vmem>>, %arg14: memref<128x128xf32, #tpu.memory_space<vmem>>, %arg15: memref<128x128xf32, #tpu.memory_space<vmem>>, %arg16: memref<!tpu.dma_semaphore, #tpu.memory_space<semaphore_mem>>, %arg17: memref<!tpu.dma_semaphore, #tpu.memory_space<semaphore_mem>>, %arg18: memref<!tpu.dma_semaphore, #tpu.memory_space<semaphore_mem>>, %arg19: memref<!tpu.dma_semaphore, #tpu.memory_space<semaphore_mem>>) attributes {dimension_semantics = [#tpu.dimension_semantics<core_parallel>, #tpu.dimension_semantics<subcore_parallel>], iteration_bounds = array<i64: 2, 16>, scalar_prefetch = 0 : i64, scratch_operands = 12 : i64, tpu.core_type = #tpu.core_type<sc_vector_subcore>, window_params = [{transform_indices = #map}, {transform_indices = #map}, {transform_indices = #map1}, {transform_indices = #map1}, {transform_indices = #map}, {transform_indices = #map}]} {
    %mul3A = arith.constant 2 : i32
    %mul3A_0 = arith.muli %arg1, %mul3A : i32
    %add3A = arith.addi %mul3A_0, %arg0 : i32
    %sub3A = arith.constant 1250 : i32
    %sub3A_1 = arith.subi %sub3A, %add3A : i32
    %add3A_2 = arith.constant 32 : i32
    %add3A_3 = arith.addi %sub3A_1, %add3A_2 : i32
    %sub3A_4 = arith.constant 1 : i32
    %sub3A_5 = arith.subi %add3A_3, %sub3A_4 : i32
    %jit3A = arith.constant 32 : i32
    %div3A = arith.divsi %sub3A_5, %jit3A : i32
    %sign3A = arith.constant 0 : i32
    %sign3A_6 = arith.cmpi sgt, %sub3A_5, %sign3A : i32
    %sign3A_7 = arith.extui %sign3A_6 : i1 to i32
    %sign3A_8 = arith.constant 0 : i32
    %sign3A_9 = arith.cmpi slt, %sub3A_5, %sign3A_8 : i32
    %sign3A_10 = arith.extui %sign3A_9 : i1 to i32
    %sign3A_11 = arith.subi %sign3A_7, %sign3A_10 : i32
    %sign3A_12 = arith.constant 0 : i32
    %sign3A_13 = arith.cmpi sgt, %jit3A, %sign3A_12 : i32
    %sign3A_14 = arith.extui %sign3A_13 : i1 to i32
    %sign3A_15 = arith.constant 0 : i32
    %sign3A_16 = arith.cmpi slt, %jit3A, %sign3A_15 : i32
    %sign3A_17 = arith.extui %sign3A_16 : i1 to i32
    %sign3A_18 = arith.subi %sign3A_14, %sign3A_17 : i32
    %ne3A = arith.cmpi ne, %sign3A_11, %sign3A_18 : i32
    %rem3A = arith.remsi %sub3A_5, %jit3A : i32
    %ne3A_19 = arith.constant 0 : i32
    %ne3A_20 = arith.cmpi ne, %rem3A, %ne3A_19 : i32
    %and3A = arith.andi %ne3A, %ne3A_20 : i1
    %sub3A_21 = arith.constant 1 : i32
    %sub3A_22 = arith.subi %div3A, %sub3A_21 : i32
    %select_n3A = arith.select %and3A, %sub3A_22, %div3A : i32
    %scan3A = arith.constant 0 : i32
    %scan3A_23 = arith.constant 21 : i32
    %scan3A_24 = arith.addi %scan3A, %scan3A_23 : i32
    %scan3A_25 = arith.constant 1 : i32
    scf.for %scan3A_126 = %scan3A to %scan3A_24 step %scan3A_25  : i32 {
      %mul3A_127 = arith.constant 1 : i32
      %mul3A_128 = arith.muli %scan3A_126, %mul3A_127 : i32
      %add3A_129 = arith.constant 0 : i32
      %add3A_130 = arith.addi %add3A_129, %mul3A_128 : i32
      %mul3A_131 = arith.constant 2 : i32
      %mul3A_132 = arith.muli %add3A_130, %mul3A_131 : i32
      %add3A_133 = arith.constant 0 : i32
      %add3A_134 = arith.addi %mul3A_132, %add3A_133 : i32
      %lt3A_135 = arith.cmpi slt, %add3A_134, %select_n3A : i32
      %convert_element_type3A_136 = arith.extui %lt3A_135 : i1 to i32
      %cond3A_137 = arith.constant 0 : i32
      %cond3A_138 = arith.cmpi ne, %convert_element_type3A_136, %cond3A_137 : i32
      scf.if %cond3A_138 {
        %mul3A_165 = arith.constant 32 : i32
        %mul3A_166 = arith.muli %add3A_134, %mul3A_165 : i32
        %add3A_167 = arith.addi %mul3A_166, %add3A : i32
        %mul3A_168 = arith.constant 128 : i32
        %mul3A_169 = arith.muli %add3A_167, %mul3A_168 : i32
        %ge3A_170 = arith.constant 2 : i32
        %ge3A_171 = arith.cmpi sge, %add3A_134, %ge3A_170 : i32
        %convert_element_type3A_172 = arith.extui %ge3A_171 : i1 to i32
        %cond3A_173 = arith.constant 0 : i32
        %cond3A_174 = arith.cmpi ne, %convert_element_type3A_172, %cond3A_173 : i32
        scf.if %cond3A_174 {
          %dma_wait3A = arith.constant 0 : i32
          %dma_wait3A_180 = arith.constant 0 : i32
          %dma_wait3A_181 = tpu.memref_slice %arg6[%dma_wait3A, %dma_wait3A_180] : memref<160000x128xf32, #tpu.memory_space<hbm>> -> memref<128x128xf32, #tpu.memory_space<hbm>>
          %dma_wait3A_182 = arith.constant 0 : i32
          %dma_wait3A_183 = arith.constant 0 : i32
          %dma_wait3A_184 = tpu.memref_slice %arg6[%dma_wait3A_182, %dma_wait3A_183] : memref<160000x128xf32, #tpu.memory_space<hbm>> -> memref<128x128xf32, #tpu.memory_space<hbm>>
          tpu.wait_dma2 semaphore(%arg18 : memref<!tpu.dma_semaphore, #tpu.memory_space<semaphore_mem>>) src(%arg12 : memref<128x128xf32, #tpu.memory_space<vmem>>) dst(%dma_wait3A_184 : memref<128x128xf32, #tpu.memory_space<hbm>>)
          %dma_wait3A_185 = arith.constant 0 : i32
          %dma_wait3A_186 = arith.constant 0 : i32
          %dma_wait3A_187 = tpu.memref_slice %arg7[%dma_wait3A_185, %dma_wait3A_186] : memref<160000x128xf32, #tpu.memory_space<hbm>> -> memref<128x128xf32, #tpu.memory_space<hbm>>
          %dma_wait3A_188 = arith.constant 0 : i32
          %dma_wait3A_189 = arith.constant 0 : i32
          %dma_wait3A_190 = tpu.memref_slice %arg7[%dma_wait3A_188, %dma_wait3A_189] : memref<160000x128xf32, #tpu.memory_space<hbm>> -> memref<128x128xf32, #tpu.memory_space<hbm>>
          tpu.wait_dma2 semaphore(%arg18 : memref<!tpu.dma_semaphore, #tpu.memory_space<semaphore_mem>>) src(%arg13 : memref<128x128xf32, #tpu.memory_space<vmem>>) dst(%dma_wait3A_190 : memref<128x128xf32, #tpu.memory_space<hbm>>)
        } else {
        }
        "tpu.region"() ({
          %run_scoped3A = tpu.sem_alloc : memref<!tpu.dma_semaphore, #tpu.memory_space<semaphore_mem>>
          %dma_start3A_180 = tpu.memref_slice %arg4[%mul3A_169] : memref<160000xi32, #tpu.memory_space<hbm>> -> memref<128xi32, #tpu.memory_space<hbm>>
          %dma_start3A_181 = tpu.memref_slice %arg4[%mul3A_169] : memref<160000xi32, #tpu.memory_space<hbm>> -> memref<128xi32, #tpu.memory_space<hbm>>
          tpu.enqueue_dma source(%dma_start3A_181 : memref<128xi32, #tpu.memory_space<hbm>>) target(%arg8 : memref<128xi32, #tpu.memory_space<vmem>>) target_semaphore(%run_scoped3A : memref<!tpu.dma_semaphore, #tpu.memory_space<semaphore_mem>>)
          %dma_wait3A = tpu.memref_slice %arg4[%mul3A_169] : memref<160000xi32, #tpu.memory_space<hbm>> -> memref<128xi32, #tpu.memory_space<hbm>>
          %dma_wait3A_182 = tpu.memref_slice %arg4[%mul3A_169] : memref<160000xi32, #tpu.memory_space<hbm>> -> memref<128xi32, #tpu.memory_space<hbm>>
          tpu.wait_dma2 semaphore(%run_scoped3A : memref<!tpu.dma_semaphore, #tpu.memory_space<semaphore_mem>>) src(%dma_wait3A_182 : memref<128xi32, #tpu.memory_space<hbm>>) dst(%arg8 : memref<128xi32, #tpu.memory_space<vmem>>)
          tpu.yield
        }) : () -> ()
        "tpu.region"() ({
          %run_scoped3A = tpu.sem_alloc : memref<!tpu.dma_semaphore, #tpu.memory_space<semaphore_mem>>
          %dma_start3A_180 = tpu.memref_slice %arg5[%mul3A_169] : memref<160000xi32, #tpu.memory_space<hbm>> -> memref<128xi32, #tpu.memory_space<hbm>>
          %dma_start3A_181 = tpu.memref_slice %arg5[%mul3A_169] : memref<160000xi32, #tpu.memory_space<hbm>> -> memref<128xi32, #tpu.memory_space<hbm>>
          tpu.enqueue_dma source(%dma_start3A_181 : memref<128xi32, #tpu.memory_space<hbm>>) target(%arg9 : memref<128xi32, #tpu.memory_space<vmem>>) target_semaphore(%run_scoped3A : memref<!tpu.dma_semaphore, #tpu.memory_space<semaphore_mem>>)
          %dma_wait3A = tpu.memref_slice %arg5[%mul3A_169] : memref<160000xi32, #tpu.memory_space<hbm>> -> memref<128xi32, #tpu.memory_space<hbm>>
          %dma_wait3A_182 = tpu.memref_slice %arg5[%mul3A_169] : memref<160000xi32, #tpu.memory_space<hbm>> -> memref<128xi32, #tpu.memory_space<hbm>>
          tpu.wait_dma2 semaphore(%run_scoped3A : memref<!tpu.dma_semaphore, #tpu.memory_space<semaphore_mem>>) src(%dma_wait3A_182 : memref<128xi32, #tpu.memory_space<hbm>>) dst(%arg9 : memref<128xi32, #tpu.memory_space<vmem>>)
          tpu.yield
        }) : () -> ()
        %dma_start3A = arith.constant 0 : i32
        %dma_start3A_175 = arith.constant 0 : i32
        %dma_start3A_176 = tpu.memref_slice %arg2[%dma_start3A, %dma_start3A_175] : memref<10000x128xf32, #tpu.memory_space<hbm>> -> memref<10000x128xf32, #tpu.memory_space<hbm>>
        tpu.enqueue_indirect_dma source(%dma_start3A_176 : memref<10000x128xf32, #tpu.memory_space<hbm>>) target(%arg12 : memref<128x128xf32, #tpu.memory_space<vmem>>) offsets(%arg8 : memref<128xi32, #tpu.memory_space<vmem>>) semaphore(%arg16 : memref<!tpu.dma_semaphore, #tpu.memory_space<semaphore_mem>>)
        %dma_start3A_177 = arith.constant 0 : i32
        %dma_start3A_178 = arith.constant 0 : i32
        %dma_start3A_179 = tpu.memref_slice %arg3[%dma_start3A_177, %dma_start3A_178] : memref<10000x128xf32, #tpu.memory_space<hbm>> -> memref<10000x128xf32, #tpu.memory_space<hbm>>
        tpu.enqueue_indirect_dma source(%dma_start3A_179 : memref<10000x128xf32, #tpu.memory_space<hbm>>) target(%arg13 : memref<128x128xf32, #tpu.memory_space<vmem>>) offsets(%arg9 : memref<128xi32, #tpu.memory_space<vmem>>) semaphore(%arg16 : memref<!tpu.dma_semaphore, #tpu.memory_space<semaphore_mem>>)
      } else {
      }
      %ge3A_139 = arith.constant 1 : i32
      %ge3A_140 = arith.cmpi sge, %add3A_134, %ge3A_139 : i32
      %sub3A_141 = arith.constant 1 : i32
      %sub3A_142 = arith.subi %add3A_134, %sub3A_141 : i32
      %lt3A_143 = arith.cmpi slt, %sub3A_142, %select_n3A : i32
      %and3A_144 = arith.andi %ge3A_140, %lt3A_143 : i1
      %convert_element_type3A_145 = arith.extui %and3A_144 : i1 to i32
      %cond3A_146 = arith.constant 0 : i32
      %cond3A_147 = arith.cmpi ne, %convert_element_type3A_145, %cond3A_146 : i32
      scf.if %cond3A_147 {
        %sub3A_165 = arith.constant 1 : i32
        %sub3A_166 = arith.subi %add3A_134, %sub3A_165 : i32
        %mul3A_167 = arith.constant 32 : i32
        %mul3A_168 = arith.muli %sub3A_166, %mul3A_167 : i32
        %add3A_169 = arith.addi %mul3A_168, %add3A : i32
        %mul3A_170 = arith.constant 128 : i32
        %mul3A_171 = arith.muli %add3A_169, %mul3A_170 : i32
        %dma_wait3A = arith.constant 0 : i32
        %dma_wait3A_172 = arith.constant 0 : i32
        %dma_wait3A_173 = tpu.memref_slice %arg2[%dma_wait3A, %dma_wait3A_172] : memref<10000x128xf32, #tpu.memory_space<hbm>> -> memref<10000x128xf32, #tpu.memory_space<hbm>>
        tpu.wait_indirect_dma semaphore(%arg17 : memref<!tpu.dma_semaphore, #tpu.memory_space<semaphore_mem>>) src(%dma_wait3A_173 : memref<10000x128xf32, #tpu.memory_space<hbm>>) dst(%arg14 : memref<128x128xf32, #tpu.memory_space<vmem>>)
        %dma_wait3A_174 = arith.constant 0 : i32
        %dma_wait3A_175 = arith.constant 0 : i32
        %dma_wait3A_176 = tpu.memref_slice %arg3[%dma_wait3A_174, %dma_wait3A_175] : memref<10000x128xf32, #tpu.memory_space<hbm>> -> memref<10000x128xf32, #tpu.memory_space<hbm>>
        tpu.wait_indirect_dma semaphore(%arg17 : memref<!tpu.dma_semaphore, #tpu.memory_space<semaphore_mem>>) src(%dma_wait3A_176 : memref<10000x128xf32, #tpu.memory_space<hbm>>) dst(%arg15 : memref<128x128xf32, #tpu.memory_space<vmem>>)
        %dma_start3A = arith.constant 0 : i32
        %dma_start3A_177 = tpu.memref_slice %arg6[%mul3A_171, %dma_start3A] : memref<160000x128xf32, #tpu.memory_space<hbm>> -> memref<128x128xf32, #tpu.memory_space<hbm>>
        %dma_start3A_178 = arith.constant 0 : i32
        %dma_start3A_179 = tpu.memref_slice %arg6[%mul3A_171, %dma_start3A_178] : memref<160000x128xf32, #tpu.memory_space<hbm>> -> memref<128x128xf32, #tpu.memory_space<hbm>>
        tpu.enqueue_dma source(%arg14 : memref<128x128xf32, #tpu.memory_space<vmem>>) target(%dma_start3A_179 : memref<128x128xf32, #tpu.memory_space<hbm>>) target_semaphore(%arg19 : memref<!tpu.dma_semaphore, #tpu.memory_space<semaphore_mem>>)
        %dma_start3A_180 = arith.constant 0 : i32
        %dma_start3A_181 = tpu.memref_slice %arg7[%mul3A_171, %dma_start3A_180] : memref<160000x128xf32, #tpu.memory_space<hbm>> -> memref<128x128xf32, #tpu.memory_space<hbm>>
        %dma_start3A_182 = arith.constant 0 : i32
        %dma_start3A_183 = tpu.memref_slice %arg7[%mul3A_171, %dma_start3A_182] : memref<160000x128xf32, #tpu.memory_space<hbm>> -> memref<128x128xf32, #tpu.memory_space<hbm>>
        tpu.enqueue_dma source(%arg15 : memref<128x128xf32, #tpu.memory_space<vmem>>) target(%dma_start3A_183 : memref<128x128xf32, #tpu.memory_space<hbm>>) target_semaphore(%arg19 : memref<!tpu.dma_semaphore, #tpu.memory_space<semaphore_mem>>)
      } else {
      }
      %mul3A_148 = arith.constant 2 : i32
      %mul3A_149 = arith.muli %add3A_130, %mul3A_148 : i32
      %add3A_150 = arith.constant 1 : i32
      %add3A_151 = arith.addi %mul3A_149, %add3A_150 : i32
      %lt3A_152 = arith.cmpi slt, %add3A_151, %select_n3A : i32
      %convert_element_type3A_153 = arith.extui %lt3A_152 : i1 to i32
      %cond3A_154 = arith.constant 0 : i32
      %cond3A_155 = arith.cmpi ne, %convert_element_type3A_153, %cond3A_154 : i32
      scf.if %cond3A_155 {
        %mul3A_165 = arith.constant 32 : i32
        %mul3A_166 = arith.muli %add3A_151, %mul3A_165 : i32
        %add3A_167 = arith.addi %mul3A_166, %add3A : i32
        %mul3A_168 = arith.constant 128 : i32
        %mul3A_169 = arith.muli %add3A_167, %mul3A_168 : i32
        %ge3A_170 = arith.constant 2 : i32
        %ge3A_171 = arith.cmpi sge, %add3A_151, %ge3A_170 : i32
        %convert_element_type3A_172 = arith.extui %ge3A_171 : i1 to i32
        %cond3A_173 = arith.constant 0 : i32
        %cond3A_174 = arith.cmpi ne, %convert_element_type3A_172, %cond3A_173 : i32
        scf.if %cond3A_174 {
          %dma_wait3A = arith.constant 0 : i32
          %dma_wait3A_180 = arith.constant 0 : i32
          %dma_wait3A_181 = tpu.memref_slice %arg6[%dma_wait3A, %dma_wait3A_180] : memref<160000x128xf32, #tpu.memory_space<hbm>> -> memref<128x128xf32, #tpu.memory_space<hbm>>
          %dma_wait3A_182 = arith.constant 0 : i32
          %dma_wait3A_183 = arith.constant 0 : i32
          %dma_wait3A_184 = tpu.memref_slice %arg6[%dma_wait3A_182, %dma_wait3A_183] : memref<160000x128xf32, #tpu.memory_space<hbm>> -> memref<128x128xf32, #tpu.memory_space<hbm>>
          tpu.wait_dma2 semaphore(%arg19 : memref<!tpu.dma_semaphore, #tpu.memory_space<semaphore_mem>>) src(%arg14 : memref<128x128xf32, #tpu.memory_space<vmem>>) dst(%dma_wait3A_184 : memref<128x128xf32, #tpu.memory_space<hbm>>)
          %dma_wait3A_185 = arith.constant 0 : i32
          %dma_wait3A_186 = arith.constant 0 : i32
          %dma_wait3A_187 = tpu.memref_slice %arg7[%dma_wait3A_185, %dma_wait3A_186] : memref<160000x128xf32, #tpu.memory_space<hbm>> -> memref<128x128xf32, #tpu.memory_space<hbm>>
          %dma_wait3A_188 = arith.constant 0 : i32
          %dma_wait3A_189 = arith.constant 0 : i32
          %dma_wait3A_190 = tpu.memref_slice %arg7[%dma_wait3A_188, %dma_wait3A_189] : memref<160000x128xf32, #tpu.memory_space<hbm>> -> memref<128x128xf32, #tpu.memory_space<hbm>>
          tpu.wait_dma2 semaphore(%arg19 : memref<!tpu.dma_semaphore, #tpu.memory_space<semaphore_mem>>) src(%arg15 : memref<128x128xf32, #tpu.memory_space<vmem>>) dst(%dma_wait3A_190 : memref<128x128xf32, #tpu.memory_space<hbm>>)
        } else {
        }
        "tpu.region"() ({
          %run_scoped3A = tpu.sem_alloc : memref<!tpu.dma_semaphore, #tpu.memory_space<semaphore_mem>>
          %dma_start3A_180 = tpu.memref_slice %arg4[%mul3A_169] : memref<160000xi32, #tpu.memory_space<hbm>> -> memref<128xi32, #tpu.memory_space<hbm>>
          %dma_start3A_181 = tpu.memref_slice %arg4[%mul3A_169] : memref<160000xi32, #tpu.memory_space<hbm>> -> memref<128xi32, #tpu.memory_space<hbm>>
          tpu.enqueue_dma source(%dma_start3A_181 : memref<128xi32, #tpu.memory_space<hbm>>) target(%arg10 : memref<128xi32, #tpu.memory_space<vmem>>) target_semaphore(%run_scoped3A : memref<!tpu.dma_semaphore, #tpu.memory_space<semaphore_mem>>)
          %dma_wait3A = tpu.memref_slice %arg4[%mul3A_169] : memref<160000xi32, #tpu.memory_space<hbm>> -> memref<128xi32, #tpu.memory_space<hbm>>
          %dma_wait3A_182 = tpu.memref_slice %arg4[%mul3A_169] : memref<160000xi32, #tpu.memory_space<hbm>> -> memref<128xi32, #tpu.memory_space<hbm>>
          tpu.wait_dma2 semaphore(%run_scoped3A : memref<!tpu.dma_semaphore, #tpu.memory_space<semaphore_mem>>) src(%dma_wait3A_182 : memref<128xi32, #tpu.memory_space<hbm>>) dst(%arg10 : memref<128xi32, #tpu.memory_space<vmem>>)
          tpu.yield
        }) : () -> ()
        "tpu.region"() ({
          %run_scoped3A = tpu.sem_alloc : memref<!tpu.dma_semaphore, #tpu.memory_space<semaphore_mem>>
          %dma_start3A_180 = tpu.memref_slice %arg5[%mul3A_169] : memref<160000xi32, #tpu.memory_space<hbm>> -> memref<128xi32, #tpu.memory_space<hbm>>
          %dma_start3A_181 = tpu.memref_slice %arg5[%mul3A_169] : memref<160000xi32, #tpu.memory_space<hbm>> -> memref<128xi32, #tpu.memory_space<hbm>>
          tpu.enqueue_dma source(%dma_start3A_181 : memref<128xi32, #tpu.memory_space<hbm>>) target(%arg11 : memref<128xi32, #tpu.memory_space<vmem>>) target_semaphore(%run_scoped3A : memref<!tpu.dma_semaphore, #tpu.memory_space<semaphore_mem>>)
          %dma_wait3A = tpu.memref_slice %arg5[%mul3A_169] : memref<160000xi32, #tpu.memory_space<hbm>> -> memref<128xi32, #tpu.memory_space<hbm>>
          %dma_wait3A_182 = tpu.memref_slice %arg5[%mul3A_169] : memref<160000xi32, #tpu.memory_space<hbm>> -> memref<128xi32, #tpu.memory_space<hbm>>
          tpu.wait_dma2 semaphore(%run_scoped3A : memref<!tpu.dma_semaphore, #tpu.memory_space<semaphore_mem>>) src(%dma_wait3A_182 : memref<128xi32, #tpu.memory_space<hbm>>) dst(%arg11 : memref<128xi32, #tpu.memory_space<vmem>>)
          tpu.yield
        }) : () -> ()
        %dma_start3A = arith.constant 0 : i32
        %dma_start3A_175 = arith.constant 0 : i32
        %dma_start3A_176 = tpu.memref_slice %arg2[%dma_start3A, %dma_start3A_175] : memref<10000x128xf32, #tpu.memory_space<hbm>> -> memref<10000x128xf32, #tpu.memory_space<hbm>>
        tpu.enqueue_indirect_dma source(%dma_start3A_176 : memref<10000x128xf32, #tpu.memory_space<hbm>>) target(%arg14 : memref<128x128xf32, #tpu.memory_space<vmem>>) offsets(%arg10 : memref<128xi32, #tpu.memory_space<vmem>>) semaphore(%arg17 : memref<!tpu.dma_semaphore, #tpu.memory_space<semaphore_mem>>)
        %dma_start3A_177 = arith.constant 0 : i32
        %dma_start3A_178 = arith.constant 0 : i32
        %dma_start3A_179 = tpu.memref_slice %arg3[%dma_start3A_177, %dma_start3A_178] : memref<10000x128xf32, #tpu.memory_space<hbm>> -> memref<10000x128xf32, #tpu.memory_space<hbm>>
        tpu.enqueue_indirect_dma source(%dma_start3A_179 : memref<10000x128xf32, #tpu.memory_space<hbm>>) target(%arg15 : memref<128x128xf32, #tpu.memory_space<vmem>>) offsets(%arg11 : memref<128xi32, #tpu.memory_space<vmem>>) semaphore(%arg17 : memref<!tpu.dma_semaphore, #tpu.memory_space<semaphore_mem>>)
      } else {
      }
      %ge3A_156 = arith.constant 1 : i32
      %ge3A_157 = arith.cmpi sge, %add3A_151, %ge3A_156 : i32
      %sub3A_158 = arith.constant 1 : i32
      %sub3A_159 = arith.subi %add3A_151, %sub3A_158 : i32
      %lt3A_160 = arith.cmpi slt, %sub3A_159, %select_n3A : i32
      %and3A_161 = arith.andi %ge3A_157, %lt3A_160 : i1
      %convert_element_type3A_162 = arith.extui %and3A_161 : i1 to i32
      %cond3A_163 = arith.constant 0 : i32
      %cond3A_164 = arith.cmpi ne, %convert_element_type3A_162, %cond3A_163 : i32
      scf.if %cond3A_164 {
        %sub3A_165 = arith.constant 1 : i32
        %sub3A_166 = arith.subi %add3A_151, %sub3A_165 : i32
        %mul3A_167 = arith.constant 32 : i32
        %mul3A_168 = arith.muli %sub3A_166, %mul3A_167 : i32
        %add3A_169 = arith.addi %mul3A_168, %add3A : i32
        %mul3A_170 = arith.constant 128 : i32
        %mul3A_171 = arith.muli %add3A_169, %mul3A_170 : i32
        %dma_wait3A = arith.constant 0 : i32
        %dma_wait3A_172 = arith.constant 0 : i32
        %dma_wait3A_173 = tpu.memref_slice %arg2[%dma_wait3A, %dma_wait3A_172] : memref<10000x128xf32, #tpu.memory_space<hbm>> -> memref<10000x128xf32, #tpu.memory_space<hbm>>
        tpu.wait_indirect_dma semaphore(%arg16 : memref<!tpu.dma_semaphore, #tpu.memory_space<semaphore_mem>>) src(%dma_wait3A_173 : memref<10000x128xf32, #tpu.memory_space<hbm>>) dst(%arg12 : memref<128x128xf32, #tpu.memory_space<vmem>>)
        %dma_wait3A_174 = arith.constant 0 : i32
        %dma_wait3A_175 = arith.constant 0 : i32
        %dma_wait3A_176 = tpu.memref_slice %arg3[%dma_wait3A_174, %dma_wait3A_175] : memref<10000x128xf32, #tpu.memory_space<hbm>> -> memref<10000x128xf32, #tpu.memory_space<hbm>>
        tpu.wait_indirect_dma semaphore(%arg16 : memref<!tpu.dma_semaphore, #tpu.memory_space<semaphore_mem>>) src(%dma_wait3A_176 : memref<10000x128xf32, #tpu.memory_space<hbm>>) dst(%arg13 : memref<128x128xf32, #tpu.memory_space<vmem>>)
        %dma_start3A = arith.constant 0 : i32
        %dma_start3A_177 = tpu.memref_slice %arg6[%mul3A_171, %dma_start3A] : memref<160000x128xf32, #tpu.memory_space<hbm>> -> memref<128x128xf32, #tpu.memory_space<hbm>>
        %dma_start3A_178 = arith.constant 0 : i32
        %dma_start3A_179 = tpu.memref_slice %arg6[%mul3A_171, %dma_start3A_178] : memref<160000x128xf32, #tpu.memory_space<hbm>> -> memref<128x128xf32, #tpu.memory_space<hbm>>
        tpu.enqueue_dma source(%arg12 : memref<128x128xf32, #tpu.memory_space<vmem>>) target(%dma_start3A_179 : memref<128x128xf32, #tpu.memory_space<hbm>>) target_semaphore(%arg18 : memref<!tpu.dma_semaphore, #tpu.memory_space<semaphore_mem>>)
        %dma_start3A_180 = arith.constant 0 : i32
        %dma_start3A_181 = tpu.memref_slice %arg7[%mul3A_171, %dma_start3A_180] : memref<160000x128xf32, #tpu.memory_space<hbm>> -> memref<128x128xf32, #tpu.memory_space<hbm>>
        %dma_start3A_182 = arith.constant 0 : i32
        %dma_start3A_183 = tpu.memref_slice %arg7[%mul3A_171, %dma_start3A_182] : memref<160000x128xf32, #tpu.memory_space<hbm>> -> memref<128x128xf32, #tpu.memory_space<hbm>>
        tpu.enqueue_dma source(%arg13 : memref<128x128xf32, #tpu.memory_space<vmem>>) target(%dma_start3A_183 : memref<128x128xf32, #tpu.memory_space<hbm>>) target_semaphore(%arg18 : memref<!tpu.dma_semaphore, #tpu.memory_space<semaphore_mem>>)
      } else {
      }
    }
    %scan3A_26 = arith.constant 21 : i32
    %ge3A = arith.constant 1 : i32
    %ge3A_27 = arith.cmpi sge, %select_n3A, %ge3A : i32
    %sub3A_28 = arith.constant 1 : i32
    %sub3A_29 = arith.subi %select_n3A, %sub3A_28 : i32
    %jit3A_30 = arith.constant 2 : i32
    %eq3A = arith.constant 0 : i32
    %eq3A_31 = arith.cmpi eq, %jit3A_30, %eq3A : i32
    %jit3A_32 = arith.constant 1 : i32
    %select_n3A_33 = arith.select %eq3A_31, %jit3A_32, %jit3A_30 : i32
    %rem3A_34 = arith.remsi %sub3A_29, %select_n3A_33 : i32
    %ne3A_35 = arith.constant 0 : i32
    %ne3A_36 = arith.cmpi ne, %rem3A_34, %ne3A_35 : i32
    %lt3A = arith.constant 0 : i32
    %lt3A_37 = arith.cmpi slt, %rem3A_34, %lt3A : i32
    %lt3A_38 = arith.constant 0 : i32
    %lt3A_39 = arith.cmpi slt, %select_n3A_33, %lt3A_38 : i32
    %ne3A_40 = arith.xori %lt3A_37, %lt3A_39 : i1
    %and3A_41 = arith.andi %ne3A_40, %ne3A_36 : i1
    %add3A_42 = arith.addi %rem3A_34, %select_n3A_33 : i32
    %select_n3A_43 = arith.select %and3A_41, %add3A_42, %rem3A_34 : i32
    %eq3A_44 = arith.constant 0 : i32
    %eq3A_45 = arith.cmpi eq, %select_n3A_43, %eq3A_44 : i32
    %and3A_46 = arith.andi %ge3A_27, %eq3A_45 : i1
    %convert_element_type3A = arith.extui %and3A_46 : i1 to i32
    %cond3A = arith.constant 0 : i32
    %cond3A_47 = arith.cmpi ne, %convert_element_type3A, %cond3A : i32
    scf.if %cond3A_47 {
      %dma_wait3A = arith.constant 0 : i32
      %dma_wait3A_126 = arith.constant 0 : i32
      %dma_wait3A_127 = tpu.memref_slice %arg6[%dma_wait3A, %dma_wait3A_126] : memref<160000x128xf32, #tpu.memory_space<hbm>> -> memref<128x128xf32, #tpu.memory_space<hbm>>
      %dma_wait3A_128 = arith.constant 0 : i32
      %dma_wait3A_129 = arith.constant 0 : i32
      %dma_wait3A_130 = tpu.memref_slice %arg6[%dma_wait3A_128, %dma_wait3A_129] : memref<160000x128xf32, #tpu.memory_space<hbm>> -> memref<128x128xf32, #tpu.memory_space<hbm>>
      tpu.wait_dma2 semaphore(%arg18 : memref<!tpu.dma_semaphore, #tpu.memory_space<semaphore_mem>>) src(%arg12 : memref<128x128xf32, #tpu.memory_space<vmem>>) dst(%dma_wait3A_130 : memref<128x128xf32, #tpu.memory_space<hbm>>)
      %dma_wait3A_131 = arith.constant 0 : i32
      %dma_wait3A_132 = arith.constant 0 : i32
      %dma_wait3A_133 = tpu.memref_slice %arg7[%dma_wait3A_131, %dma_wait3A_132] : memref<160000x128xf32, #tpu.memory_space<hbm>> -> memref<128x128xf32, #tpu.memory_space<hbm>>
      %dma_wait3A_134 = arith.constant 0 : i32
      %dma_wait3A_135 = arith.constant 0 : i32
      %dma_wait3A_136 = tpu.memref_slice %arg7[%dma_wait3A_134, %dma_wait3A_135] : memref<160000x128xf32, #tpu.memory_space<hbm>> -> memref<128x128xf32, #tpu.memory_space<hbm>>
      tpu.wait_dma2 semaphore(%arg18 : memref<!tpu.dma_semaphore, #tpu.memory_space<semaphore_mem>>) src(%arg13 : memref<128x128xf32, #tpu.memory_space<vmem>>) dst(%dma_wait3A_136 : memref<128x128xf32, #tpu.memory_space<hbm>>)
    } else {
    }
    %ge3A_48 = arith.constant 2 : i32
    %ge3A_49 = arith.cmpi sge, %select_n3A, %ge3A_48 : i32
    %sub3A_50 = arith.constant 2 : i32
    %sub3A_51 = arith.subi %select_n3A, %sub3A_50 : i32
    %jit3A_52 = arith.constant 2 : i32
    %eq3A_53 = arith.constant 0 : i32
    %eq3A_54 = arith.cmpi eq, %jit3A_52, %eq3A_53 : i32
    %jit3A_55 = arith.constant 1 : i32
    %select_n3A_56 = arith.select %eq3A_54, %jit3A_55, %jit3A_52 : i32
    %rem3A_57 = arith.remsi %sub3A_51, %select_n3A_56 : i32
    %ne3A_58 = arith.constant 0 : i32
    %ne3A_59 = arith.cmpi ne, %rem3A_57, %ne3A_58 : i32
    %lt3A_60 = arith.constant 0 : i32
    %lt3A_61 = arith.cmpi slt, %rem3A_57, %lt3A_60 : i32
    %lt3A_62 = arith.constant 0 : i32
    %lt3A_63 = arith.cmpi slt, %select_n3A_56, %lt3A_62 : i32
    %ne3A_64 = arith.xori %lt3A_61, %lt3A_63 : i1
    %and3A_65 = arith.andi %ne3A_64, %ne3A_59 : i1
    %add3A_66 = arith.addi %rem3A_57, %select_n3A_56 : i32
    %select_n3A_67 = arith.select %and3A_65, %add3A_66, %rem3A_57 : i32
    %eq3A_68 = arith.constant 0 : i32
    %eq3A_69 = arith.cmpi eq, %select_n3A_67, %eq3A_68 : i32
    %and3A_70 = arith.andi %ge3A_49, %eq3A_69 : i1
    %convert_element_type3A_71 = arith.extui %and3A_70 : i1 to i32
    %cond3A_72 = arith.constant 0 : i32
    %cond3A_73 = arith.cmpi ne, %convert_element_type3A_71, %cond3A_72 : i32
    scf.if %cond3A_73 {
      %dma_wait3A = arith.constant 0 : i32
      %dma_wait3A_126 = arith.constant 0 : i32
      %dma_wait3A_127 = tpu.memref_slice %arg6[%dma_wait3A, %dma_wait3A_126] : memref<160000x128xf32, #tpu.memory_space<hbm>> -> memref<128x128xf32, #tpu.memory_space<hbm>>
      %dma_wait3A_128 = arith.constant 0 : i32
      %dma_wait3A_129 = arith.constant 0 : i32
      %dma_wait3A_130 = tpu.memref_slice %arg6[%dma_wait3A_128, %dma_wait3A_129] : memref<160000x128xf32, #tpu.memory_space<hbm>> -> memref<128x128xf32, #tpu.memory_space<hbm>>
      tpu.wait_dma2 semaphore(%arg18 : memref<!tpu.dma_semaphore, #tpu.memory_space<semaphore_mem>>) src(%arg12 : memref<128x128xf32, #tpu.memory_space<vmem>>) dst(%dma_wait3A_130 : memref<128x128xf32, #tpu.memory_space<hbm>>)
      %dma_wait3A_131 = arith.constant 0 : i32
      %dma_wait3A_132 = arith.constant 0 : i32
      %dma_wait3A_133 = tpu.memref_slice %arg7[%dma_wait3A_131, %dma_wait3A_132] : memref<160000x128xf32, #tpu.memory_space<hbm>> -> memref<128x128xf32, #tpu.memory_space<hbm>>
      %dma_wait3A_134 = arith.constant 0 : i32
      %dma_wait3A_135 = arith.constant 0 : i32
      %dma_wait3A_136 = tpu.memref_slice %arg7[%dma_wait3A_134, %dma_wait3A_135] : memref<160000x128xf32, #tpu.memory_space<hbm>> -> memref<128x128xf32, #tpu.memory_space<hbm>>
      tpu.wait_dma2 semaphore(%arg18 : memref<!tpu.dma_semaphore, #tpu.memory_space<semaphore_mem>>) src(%arg13 : memref<128x128xf32, #tpu.memory_space<vmem>>) dst(%dma_wait3A_136 : memref<128x128xf32, #tpu.memory_space<hbm>>)
    } else {
    }
    %ge3A_74 = arith.constant 1 : i32
    %ge3A_75 = arith.cmpi sge, %select_n3A, %ge3A_74 : i32
    %sub3A_76 = arith.constant 1 : i32
    %sub3A_77 = arith.subi %select_n3A, %sub3A_76 : i32
    %jit3A_78 = arith.constant 2 : i32
    %eq3A_79 = arith.constant 0 : i32
    %eq3A_80 = arith.cmpi eq, %jit3A_78, %eq3A_79 : i32
    %jit3A_81 = arith.constant 1 : i32
    %select_n3A_82 = arith.select %eq3A_80, %jit3A_81, %jit3A_78 : i32
    %rem3A_83 = arith.remsi %sub3A_77, %select_n3A_82 : i32
    %ne3A_84 = arith.constant 0 : i32
    %ne3A_85 = arith.cmpi ne, %rem3A_83, %ne3A_84 : i32
    %lt3A_86 = arith.constant 0 : i32
    %lt3A_87 = arith.cmpi slt, %rem3A_83, %lt3A_86 : i32
    %lt3A_88 = arith.constant 0 : i32
    %lt3A_89 = arith.cmpi slt, %select_n3A_82, %lt3A_88 : i32
    %ne3A_90 = arith.xori %lt3A_87, %lt3A_89 : i1
    %and3A_91 = arith.andi %ne3A_90, %ne3A_85 : i1
    %add3A_92 = arith.addi %rem3A_83, %select_n3A_82 : i32
    %select_n3A_93 = arith.select %and3A_91, %add3A_92, %rem3A_83 : i32
    %eq3A_94 = arith.constant 1 : i32
    %eq3A_95 = arith.cmpi eq, %select_n3A_93, %eq3A_94 : i32
    %and3A_96 = arith.andi %ge3A_75, %eq3A_95 : i1
    %convert_element_type3A_97 = arith.extui %and3A_96 : i1 to i32
    %cond3A_98 = arith.constant 0 : i32
    %cond3A_99 = arith.cmpi ne, %convert_element_type3A_97, %cond3A_98 : i32
    scf.if %cond3A_99 {
      %dma_wait3A = arith.constant 0 : i32
      %dma_wait3A_126 = arith.constant 0 : i32
      %dma_wait3A_127 = tpu.memref_slice %arg6[%dma_wait3A, %dma_wait3A_126] : memref<160000x128xf32, #tpu.memory_space<hbm>> -> memref<128x128xf32, #tpu.memory_space<hbm>>
      %dma_wait3A_128 = arith.constant 0 : i32
      %dma_wait3A_129 = arith.constant 0 : i32
      %dma_wait3A_130 = tpu.memref_slice %arg6[%dma_wait3A_128, %dma_wait3A_129] : memref<160000x128xf32, #tpu.memory_space<hbm>> -> memref<128x128xf32, #tpu.memory_space<hbm>>
      tpu.wait_dma2 semaphore(%arg19 : memref<!tpu.dma_semaphore, #tpu.memory_space<semaphore_mem>>) src(%arg14 : memref<128x128xf32, #tpu.memory_space<vmem>>) dst(%dma_wait3A_130 : memref<128x128xf32, #tpu.memory_space<hbm>>)
      %dma_wait3A_131 = arith.constant 0 : i32
      %dma_wait3A_132 = arith.constant 0 : i32
      %dma_wait3A_133 = tpu.memref_slice %arg7[%dma_wait3A_131, %dma_wait3A_132] : memref<160000x128xf32, #tpu.memory_space<hbm>> -> memref<128x128xf32, #tpu.memory_space<hbm>>
      %dma_wait3A_134 = arith.constant 0 : i32
      %dma_wait3A_135 = arith.constant 0 : i32
      %dma_wait3A_136 = tpu.memref_slice %arg7[%dma_wait3A_134, %dma_wait3A_135] : memref<160000x128xf32, #tpu.memory_space<hbm>> -> memref<128x128xf32, #tpu.memory_space<hbm>>
      tpu.wait_dma2 semaphore(%arg19 : memref<!tpu.dma_semaphore, #tpu.memory_space<semaphore_mem>>) src(%arg15 : memref<128x128xf32, #tpu.memory_space<vmem>>) dst(%dma_wait3A_136 : memref<128x128xf32, #tpu.memory_space<hbm>>)
    } else {
    }
    %ge3A_100 = arith.constant 2 : i32
    %ge3A_101 = arith.cmpi sge, %select_n3A, %ge3A_100 : i32
    %sub3A_102 = arith.constant 2 : i32
    %sub3A_103 = arith.subi %select_n3A, %sub3A_102 : i32
    %jit3A_104 = arith.constant 2 : i32
    %eq3A_105 = arith.constant 0 : i32
    %eq3A_106 = arith.cmpi eq, %jit3A_104, %eq3A_105 : i32
    %jit3A_107 = arith.constant 1 : i32
    %select_n3A_108 = arith.select %eq3A_106, %jit3A_107, %jit3A_104 : i32
    %rem3A_109 = arith.remsi %sub3A_103, %select_n3A_108 : i32
    %ne3A_110 = arith.constant 0 : i32
    %ne3A_111 = arith.cmpi ne, %rem3A_109, %ne3A_110 : i32
    %lt3A_112 = arith.constant 0 : i32
    %lt3A_113 = arith.cmpi slt, %rem3A_109, %lt3A_112 : i32
    %lt3A_114 = arith.constant 0 : i32
    %lt3A_115 = arith.cmpi slt, %select_n3A_108, %lt3A_114 : i32
    %ne3A_116 = arith.xori %lt3A_113, %lt3A_115 : i1
    %and3A_117 = arith.andi %ne3A_116, %ne3A_111 : i1
    %add3A_118 = arith.addi %rem3A_109, %select_n3A_108 : i32
    %select_n3A_119 = arith.select %and3A_117, %add3A_118, %rem3A_109 : i32
    %eq3A_120 = arith.constant 1 : i32
    %eq3A_121 = arith.cmpi eq, %select_n3A_119, %eq3A_120 : i32
    %and3A_122 = arith.andi %ge3A_101, %eq3A_121 : i1
    %convert_element_type3A_123 = arith.extui %and3A_122 : i1 to i32
    %cond3A_124 = arith.constant 0 : i32
    %cond3A_125 = arith.cmpi ne, %convert_element_type3A_123, %cond3A_124 : i32
    scf.if %cond3A_125 {
      %dma_wait3A = arith.constant 0 : i32
      %dma_wait3A_126 = arith.constant 0 : i32
      %dma_wait3A_127 = tpu.memref_slice %arg6[%dma_wait3A, %dma_wait3A_126] : memref<160000x128xf32, #tpu.memory_space<hbm>> -> memref<128x128xf32, #tpu.memory_space<hbm>>
      %dma_wait3A_128 = arith.constant 0 : i32
      %dma_wait3A_129 = arith.constant 0 : i32
      %dma_wait3A_130 = tpu.memref_slice %arg6[%dma_wait3A_128, %dma_wait3A_129] : memref<160000x128xf32, #tpu.memory_space<hbm>> -> memref<128x128xf32, #tpu.memory_space<hbm>>
      tpu.wait_dma2 semaphore(%arg19 : memref<!tpu.dma_semaphore, #tpu.memory_space<semaphore_mem>>) src(%arg14 : memref<128x128xf32, #tpu.memory_space<vmem>>) dst(%dma_wait3A_130 : memref<128x128xf32, #tpu.memory_space<hbm>>)
      %dma_wait3A_131 = arith.constant 0 : i32
      %dma_wait3A_132 = arith.constant 0 : i32
      %dma_wait3A_133 = tpu.memref_slice %arg7[%dma_wait3A_131, %dma_wait3A_132] : memref<160000x128xf32, #tpu.memory_space<hbm>> -> memref<128x128xf32, #tpu.memory_space<hbm>>
      %dma_wait3A_134 = arith.constant 0 : i32
      %dma_wait3A_135 = arith.constant 0 : i32
      %dma_wait3A_136 = tpu.memref_slice %arg7[%dma_wait3A_134, %dma_wait3A_135] : memref<160000x128xf32, #tpu.memory_space<hbm>> -> memref<128x128xf32, #tpu.memory_space<hbm>>
      tpu.wait_dma2 semaphore(%arg19 : memref<!tpu.dma_semaphore, #tpu.memory_space<semaphore_mem>>) src(%arg15 : memref<128x128xf32, #tpu.memory_space<vmem>>) dst(%dma_wait3A_136 : memref<128x128xf32, #tpu.memory_space<hbm>>)
    } else {
    }
    return
  }
}

#map = affine_map<(d0, d1) -> (0, 0)>
#map1 = affine_map<(d0, d1) -> (0)>
#map2 = affine_map<(d0, d1) -> (0, 0, 0)>
module attributes {stable_mosaic.version = 14 : i64} {
  func.func @k(%arg0: i32, %arg1: i32, %arg2: memref<160000x128xf32, #tpu.memory_space<hbm>>, %arg3: memref<160000xi32, #tpu.memory_space<hbm>>, %arg4: memref<2x10240x128xf32, #tpu.memory_space<hbm>>, %arg5: memref<2x10240x128xf32, #tpu.memory_space<hbm>>, %arg6: memref<128xi32, #tpu.memory_space<vmem>>, %arg7: memref<128xi32, #tpu.memory_space<vmem>>, %arg8: memref<128x128xf32, #tpu.memory_space<vmem>>, %arg9: memref<128x128xf32, #tpu.memory_space<vmem>>, %arg10: memref<10240x128xf32, #tpu.memory_space<vmem_shared>>, %arg11: memref<!tpu.dma_semaphore, #tpu.memory_space<semaphore_mem>>, %arg12: memref<!tpu.dma_semaphore, #tpu.memory_space<semaphore_mem>>) attributes {dimension_semantics = [#tpu.dimension_semantics<core_parallel>, #tpu.dimension_semantics<subcore_parallel>], iteration_bounds = array<i64: 2, 16>, scalar_prefetch = 0 : i64, scratch_operands = 7 : i64, tpu.core_type = #tpu.core_type<sc_vector_subcore>, window_params = [{transform_indices = #map}, {transform_indices = #map1}, {transform_indices = #map2}, {transform_indices = #map2}]} {
    %mul3A = arith.constant 2 : i32
    %mul3A_0 = arith.muli %arg1, %mul3A : i32
    %add3A = arith.addi %mul3A_0, %arg0 : i32
    %sub3A = arith.constant 1250 : i32
    %sub3A_1 = arith.subi %sub3A, %add3A : i32
    %add3A_2 = arith.constant 32 : i32
    %add3A_3 = arith.addi %sub3A_1, %add3A_2 : i32
    %sub3A_4 = arith.constant 1 : i32
    %sub3A_5 = arith.subi %add3A_3, %sub3A_4 : i32
    %jit3A = arith.constant 32 : i32
    %div3A = arith.divsi %sub3A_5, %jit3A : i32
    %sign3A = arith.constant 0 : i32
    %sign3A_6 = arith.cmpi sgt, %sub3A_5, %sign3A : i32
    %sign3A_7 = arith.extui %sign3A_6 : i1 to i32
    %sign3A_8 = arith.constant 0 : i32
    %sign3A_9 = arith.cmpi slt, %sub3A_5, %sign3A_8 : i32
    %sign3A_10 = arith.extui %sign3A_9 : i1 to i32
    %sign3A_11 = arith.subi %sign3A_7, %sign3A_10 : i32
    %sign3A_12 = arith.constant 0 : i32
    %sign3A_13 = arith.cmpi sgt, %jit3A, %sign3A_12 : i32
    %sign3A_14 = arith.extui %sign3A_13 : i1 to i32
    %sign3A_15 = arith.constant 0 : i32
    %sign3A_16 = arith.cmpi slt, %jit3A, %sign3A_15 : i32
    %sign3A_17 = arith.extui %sign3A_16 : i1 to i32
    %sign3A_18 = arith.subi %sign3A_14, %sign3A_17 : i32
    %ne3A = arith.cmpi ne, %sign3A_11, %sign3A_18 : i32
    %rem3A = arith.remsi %sub3A_5, %jit3A : i32
    %ne3A_19 = arith.constant 0 : i32
    %ne3A_20 = arith.cmpi ne, %rem3A, %ne3A_19 : i32
    %and3A = arith.andi %ne3A, %ne3A_20 : i1
    %sub3A_21 = arith.constant 1 : i32
    %sub3A_22 = arith.subi %div3A, %sub3A_21 : i32
    %select_n3A = arith.select %and3A, %sub3A_22, %div3A : i32
    %mul3A_23 = arith.constant 640 : i32
    %mul3A_24 = arith.muli %arg1, %mul3A_23 : i32
    "tpu.region"() ({
      %run_scoped3A = tpu.sem_alloc : memref<!tpu.dma_semaphore, #tpu.memory_space<semaphore_mem>>
      %dma_start3A = arith.constant 0 : i32
      %dma_start3A_30 = tpu.memref_slice %arg10[%mul3A_24, %dma_start3A] : memref<10240x128xf32, #tpu.memory_space<vmem_shared>> -> memref<640x128xf32, #tpu.memory_space<vmem_shared>>
      %dma_start3A_31 = arith.constant 0 : i32
      %dma_start3A_32 = tpu.memref_slice %arg4[%arg0, %mul3A_24, %dma_start3A_31] : memref<2x10240x128xf32, #tpu.memory_space<hbm>> -> memref<1x640x128xf32, #tpu.memory_space<hbm>>
      %dma_start3A_33 = tpu.memref_squeeze %dma_start3A_32 : memref<1x640x128xf32, #tpu.memory_space<hbm>> -> memref<640x128xf32, #tpu.memory_space<hbm>>
      tpu.enqueue_dma source(%dma_start3A_33 : memref<640x128xf32, #tpu.memory_space<hbm>>) target(%dma_start3A_30 : memref<640x128xf32, #tpu.memory_space<vmem_shared>>) target_semaphore(%run_scoped3A : memref<!tpu.dma_semaphore, #tpu.memory_space<semaphore_mem>>)
      %dma_wait3A = arith.constant 0 : i32
      %dma_wait3A_34 = tpu.memref_slice %arg10[%mul3A_24, %dma_wait3A] : memref<10240x128xf32, #tpu.memory_space<vmem_shared>> -> memref<640x128xf32, #tpu.memory_space<vmem_shared>>
      %dma_wait3A_35 = arith.constant 0 : i32
      %dma_wait3A_36 = tpu.memref_slice %arg4[%arg0, %mul3A_24, %dma_wait3A_35] : memref<2x10240x128xf32, #tpu.memory_space<hbm>> -> memref<1x640x128xf32, #tpu.memory_space<hbm>>
      %dma_wait3A_37 = tpu.memref_squeeze %dma_wait3A_36 : memref<1x640x128xf32, #tpu.memory_space<hbm>> -> memref<640x128xf32, #tpu.memory_space<hbm>>
      tpu.wait_dma2 semaphore(%run_scoped3A : memref<!tpu.dma_semaphore, #tpu.memory_space<semaphore_mem>>) src(%dma_wait3A_37 : memref<640x128xf32, #tpu.memory_space<hbm>>) dst(%dma_wait3A_34 : memref<640x128xf32, #tpu.memory_space<vmem_shared>>)
      tpu.yield
    }) : () -> ()
    %barrier3A = arith.constant 0 : index
    tpu.barrier barrier_id(%barrier3A)
    %scan3A = arith.constant 0 : i32
    %scan3A_25 = arith.constant 21 : i32
    %scan3A_26 = arith.addi %scan3A, %scan3A_25 : i32
    %scan3A_27 = arith.constant 1 : i32
    scf.for %scan3A_30 = %scan3A to %scan3A_26 step %scan3A_27  : i32 {
      %mul3A_31 = arith.constant 1 : i32
      %mul3A_32 = arith.muli %scan3A_30, %mul3A_31 : i32
      %add3A_33 = arith.constant 0 : i32
      %add3A_34 = arith.addi %add3A_33, %mul3A_32 : i32
      %mul3A_35 = arith.constant 2 : i32
      %mul3A_36 = arith.muli %add3A_34, %mul3A_35 : i32
      %add3A_37 = arith.constant 0 : i32
      %add3A_38 = arith.addi %mul3A_36, %add3A_37 : i32
      %lt3A = arith.cmpi slt, %add3A_38, %select_n3A : i32
      %convert_element_type3A = arith.extui %lt3A : i1 to i32
      %cond3A = arith.constant 0 : i32
      %cond3A_39 = arith.cmpi ne, %convert_element_type3A, %cond3A : i32
      scf.if %cond3A_39 {
        %mul3A_65 = arith.constant 32 : i32
        %mul3A_66 = arith.muli %add3A_38, %mul3A_65 : i32
        %add3A_67 = arith.addi %mul3A_66, %add3A : i32
        %mul3A_68 = arith.constant 128 : i32
        %mul3A_69 = arith.muli %add3A_67, %mul3A_68 : i32
        %dma_start3A = tpu.memref_slice %arg3[%mul3A_69] : memref<160000xi32, #tpu.memory_space<hbm>> -> memref<128xi32, #tpu.memory_space<hbm>>
        %dma_start3A_70 = tpu.memref_slice %arg3[%mul3A_69] : memref<160000xi32, #tpu.memory_space<hbm>> -> memref<128xi32, #tpu.memory_space<hbm>>
        tpu.enqueue_dma source(%dma_start3A_70 : memref<128xi32, #tpu.memory_space<hbm>>) target(%arg6 : memref<128xi32, #tpu.memory_space<vmem>>) target_semaphore(%arg11 : memref<!tpu.dma_semaphore, #tpu.memory_space<semaphore_mem>>)
        %dma_start3A_71 = arith.constant 0 : i32
        %dma_start3A_72 = tpu.memref_slice %arg2[%mul3A_69, %dma_start3A_71] : memref<160000x128xf32, #tpu.memory_space<hbm>> -> memref<128x128xf32, #tpu.memory_space<hbm>>
        %dma_start3A_73 = arith.constant 0 : i32
        %dma_start3A_74 = tpu.memref_slice %arg2[%mul3A_69, %dma_start3A_73] : memref<160000x128xf32, #tpu.memory_space<hbm>> -> memref<128x128xf32, #tpu.memory_space<hbm>>
        tpu.enqueue_dma source(%dma_start3A_74 : memref<128x128xf32, #tpu.memory_space<hbm>>) target(%arg8 : memref<128x128xf32, #tpu.memory_space<vmem>>) target_semaphore(%arg11 : memref<!tpu.dma_semaphore, #tpu.memory_space<semaphore_mem>>)
      } else {
      }
      %ge3A = arith.constant 1 : i32
      %ge3A_40 = arith.cmpi sge, %add3A_38, %ge3A : i32
      %sub3A_41 = arith.constant 1 : i32
      %sub3A_42 = arith.subi %add3A_38, %sub3A_41 : i32
      %lt3A_43 = arith.cmpi slt, %sub3A_42, %select_n3A : i32
      %and3A_44 = arith.andi %ge3A_40, %lt3A_43 : i1
      %convert_element_type3A_45 = arith.extui %and3A_44 : i1 to i32
      %cond3A_46 = arith.constant 0 : i32
      %cond3A_47 = arith.cmpi ne, %convert_element_type3A_45, %cond3A_46 : i32
      scf.if %cond3A_47 {
        %sub3A_65 = arith.constant 1 : i32
        %sub3A_66 = arith.subi %add3A_38, %sub3A_65 : i32
        %mul3A_67 = arith.constant 32 : i32
        %mul3A_68 = arith.muli %sub3A_66, %mul3A_67 : i32
        %add3A_69 = arith.addi %mul3A_68, %add3A : i32
        %mul3A_70 = arith.constant 128 : i32
        %mul3A_71 = arith.muli %add3A_69, %mul3A_70 : i32
        %dma_wait3A = tpu.memref_slice %arg3[%mul3A_71] : memref<160000xi32, #tpu.memory_space<hbm>> -> memref<128xi32, #tpu.memory_space<hbm>>
        %dma_wait3A_72 = tpu.memref_slice %arg3[%mul3A_71] : memref<160000xi32, #tpu.memory_space<hbm>> -> memref<128xi32, #tpu.memory_space<hbm>>
        tpu.wait_dma2 semaphore(%arg12 : memref<!tpu.dma_semaphore, #tpu.memory_space<semaphore_mem>>) src(%dma_wait3A_72 : memref<128xi32, #tpu.memory_space<hbm>>) dst(%arg7 : memref<128xi32, #tpu.memory_space<vmem>>)
        %dma_wait3A_73 = arith.constant 0 : i32
        %dma_wait3A_74 = tpu.memref_slice %arg2[%mul3A_71, %dma_wait3A_73] : memref<160000x128xf32, #tpu.memory_space<hbm>> -> memref<128x128xf32, #tpu.memory_space<hbm>>
        %dma_wait3A_75 = arith.constant 0 : i32
        %dma_wait3A_76 = tpu.memref_slice %arg2[%mul3A_71, %dma_wait3A_75] : memref<160000x128xf32, #tpu.memory_space<hbm>> -> memref<128x128xf32, #tpu.memory_space<hbm>>
        tpu.wait_dma2 semaphore(%arg12 : memref<!tpu.dma_semaphore, #tpu.memory_space<semaphore_mem>>) src(%dma_wait3A_76 : memref<128x128xf32, #tpu.memory_space<hbm>>) dst(%arg9 : memref<128x128xf32, #tpu.memory_space<vmem>>)
        "tpu.region"() ({
          %run_scoped3A = tpu.sem_alloc : memref<!tpu.dma_semaphore, #tpu.memory_space<semaphore_mem>>
          %dma_start3A = arith.constant 0 : i32
          %dma_start3A_77 = arith.constant 0 : i32
          %dma_start3A_78 = tpu.memref_slice %arg10[%dma_start3A, %dma_start3A_77] : memref<10240x128xf32, #tpu.memory_space<vmem_shared>> -> memref<10240x128xf32, #tpu.memory_space<vmem_shared>>
          tpu.enqueue_indirect_dma source(%arg9 : memref<128x128xf32, #tpu.memory_space<vmem>>) target(%dma_start3A_78 : memref<10240x128xf32, #tpu.memory_space<vmem_shared>>) offsets(%arg7 : memref<128xi32, #tpu.memory_space<vmem>>) semaphore(%run_scoped3A : memref<!tpu.dma_semaphore, #tpu.memory_space<semaphore_mem>>) {add = true}
          %dma_wait3A_79 = arith.constant 0 : i32
          %dma_wait3A_80 = arith.constant 0 : i32
          %dma_wait3A_81 = tpu.memref_slice %arg10[%dma_wait3A_79, %dma_wait3A_80] : memref<10240x128xf32, #tpu.memory_space<vmem_shared>> -> memref<10240x128xf32, #tpu.memory_space<vmem_shared>>
          tpu.wait_indirect_dma semaphore(%run_scoped3A : memref<!tpu.dma_semaphore, #tpu.memory_space<semaphore_mem>>) src(%arg9 : memref<128x128xf32, #tpu.memory_space<vmem>>) dst(%dma_wait3A_81 : memref<10240x128xf32, #tpu.memory_space<vmem_shared>>)
          tpu.yield
        }) : () -> ()
      } else {
      }
      %mul3A_48 = arith.constant 2 : i32
      %mul3A_49 = arith.muli %add3A_34, %mul3A_48 : i32
      %add3A_50 = arith.constant 1 : i32
      %add3A_51 = arith.addi %mul3A_49, %add3A_50 : i32
      %lt3A_52 = arith.cmpi slt, %add3A_51, %select_n3A : i32
      %convert_element_type3A_53 = arith.extui %lt3A_52 : i1 to i32
      %cond3A_54 = arith.constant 0 : i32
      %cond3A_55 = arith.cmpi ne, %convert_element_type3A_53, %cond3A_54 : i32
      scf.if %cond3A_55 {
        %mul3A_65 = arith.constant 32 : i32
        %mul3A_66 = arith.muli %add3A_51, %mul3A_65 : i32
        %add3A_67 = arith.addi %mul3A_66, %add3A : i32
        %mul3A_68 = arith.constant 128 : i32
        %mul3A_69 = arith.muli %add3A_67, %mul3A_68 : i32
        %dma_start3A = tpu.memref_slice %arg3[%mul3A_69] : memref<160000xi32, #tpu.memory_space<hbm>> -> memref<128xi32, #tpu.memory_space<hbm>>
        %dma_start3A_70 = tpu.memref_slice %arg3[%mul3A_69] : memref<160000xi32, #tpu.memory_space<hbm>> -> memref<128xi32, #tpu.memory_space<hbm>>
        tpu.enqueue_dma source(%dma_start3A_70 : memref<128xi32, #tpu.memory_space<hbm>>) target(%arg7 : memref<128xi32, #tpu.memory_space<vmem>>) target_semaphore(%arg12 : memref<!tpu.dma_semaphore, #tpu.memory_space<semaphore_mem>>)
        %dma_start3A_71 = arith.constant 0 : i32
        %dma_start3A_72 = tpu.memref_slice %arg2[%mul3A_69, %dma_start3A_71] : memref<160000x128xf32, #tpu.memory_space<hbm>> -> memref<128x128xf32, #tpu.memory_space<hbm>>
        %dma_start3A_73 = arith.constant 0 : i32
        %dma_start3A_74 = tpu.memref_slice %arg2[%mul3A_69, %dma_start3A_73] : memref<160000x128xf32, #tpu.memory_space<hbm>> -> memref<128x128xf32, #tpu.memory_space<hbm>>
        tpu.enqueue_dma source(%dma_start3A_74 : memref<128x128xf32, #tpu.memory_space<hbm>>) target(%arg9 : memref<128x128xf32, #tpu.memory_space<vmem>>) target_semaphore(%arg12 : memref<!tpu.dma_semaphore, #tpu.memory_space<semaphore_mem>>)
      } else {
      }
      %ge3A_56 = arith.constant 1 : i32
      %ge3A_57 = arith.cmpi sge, %add3A_51, %ge3A_56 : i32
      %sub3A_58 = arith.constant 1 : i32
      %sub3A_59 = arith.subi %add3A_51, %sub3A_58 : i32
      %lt3A_60 = arith.cmpi slt, %sub3A_59, %select_n3A : i32
      %and3A_61 = arith.andi %ge3A_57, %lt3A_60 : i1
      %convert_element_type3A_62 = arith.extui %and3A_61 : i1 to i32
      %cond3A_63 = arith.constant 0 : i32
      %cond3A_64 = arith.cmpi ne, %convert_element_type3A_62, %cond3A_63 : i32
      scf.if %cond3A_64 {
        %sub3A_65 = arith.constant 1 : i32
        %sub3A_66 = arith.subi %add3A_51, %sub3A_65 : i32
        %mul3A_67 = arith.constant 32 : i32
        %mul3A_68 = arith.muli %sub3A_66, %mul3A_67 : i32
        %add3A_69 = arith.addi %mul3A_68, %add3A : i32
        %mul3A_70 = arith.constant 128 : i32
        %mul3A_71 = arith.muli %add3A_69, %mul3A_70 : i32
        %dma_wait3A = tpu.memref_slice %arg3[%mul3A_71] : memref<160000xi32, #tpu.memory_space<hbm>> -> memref<128xi32, #tpu.memory_space<hbm>>
        %dma_wait3A_72 = tpu.memref_slice %arg3[%mul3A_71] : memref<160000xi32, #tpu.memory_space<hbm>> -> memref<128xi32, #tpu.memory_space<hbm>>
        tpu.wait_dma2 semaphore(%arg11 : memref<!tpu.dma_semaphore, #tpu.memory_space<semaphore_mem>>) src(%dma_wait3A_72 : memref<128xi32, #tpu.memory_space<hbm>>) dst(%arg6 : memref<128xi32, #tpu.memory_space<vmem>>)
        %dma_wait3A_73 = arith.constant 0 : i32
        %dma_wait3A_74 = tpu.memref_slice %arg2[%mul3A_71, %dma_wait3A_73] : memref<160000x128xf32, #tpu.memory_space<hbm>> -> memref<128x128xf32, #tpu.memory_space<hbm>>
        %dma_wait3A_75 = arith.constant 0 : i32
        %dma_wait3A_76 = tpu.memref_slice %arg2[%mul3A_71, %dma_wait3A_75] : memref<160000x128xf32, #tpu.memory_space<hbm>> -> memref<128x128xf32, #tpu.memory_space<hbm>>
        tpu.wait_dma2 semaphore(%arg11 : memref<!tpu.dma_semaphore, #tpu.memory_space<semaphore_mem>>) src(%dma_wait3A_76 : memref<128x128xf32, #tpu.memory_space<hbm>>) dst(%arg8 : memref<128x128xf32, #tpu.memory_space<vmem>>)
        "tpu.region"() ({
          %run_scoped3A = tpu.sem_alloc : memref<!tpu.dma_semaphore, #tpu.memory_space<semaphore_mem>>
          %dma_start3A = arith.constant 0 : i32
          %dma_start3A_77 = arith.constant 0 : i32
          %dma_start3A_78 = tpu.memref_slice %arg10[%dma_start3A, %dma_start3A_77] : memref<10240x128xf32, #tpu.memory_space<vmem_shared>> -> memref<10240x128xf32, #tpu.memory_space<vmem_shared>>
          tpu.enqueue_indirect_dma source(%arg8 : memref<128x128xf32, #tpu.memory_space<vmem>>) target(%dma_start3A_78 : memref<10240x128xf32, #tpu.memory_space<vmem_shared>>) offsets(%arg6 : memref<128xi32, #tpu.memory_space<vmem>>) semaphore(%run_scoped3A : memref<!tpu.dma_semaphore, #tpu.memory_space<semaphore_mem>>) {add = true}
          %dma_wait3A_79 = arith.constant 0 : i32
          %dma_wait3A_80 = arith.constant 0 : i32
          %dma_wait3A_81 = tpu.memref_slice %arg10[%dma_wait3A_79, %dma_wait3A_80] : memref<10240x128xf32, #tpu.memory_space<vmem_shared>> -> memref<10240x128xf32, #tpu.memory_space<vmem_shared>>
          tpu.wait_indirect_dma semaphore(%run_scoped3A : memref<!tpu.dma_semaphore, #tpu.memory_space<semaphore_mem>>) src(%arg8 : memref<128x128xf32, #tpu.memory_space<vmem>>) dst(%dma_wait3A_81 : memref<10240x128xf32, #tpu.memory_space<vmem_shared>>)
          tpu.yield
        }) : () -> ()
      } else {
      }
    }
    %scan3A_28 = arith.constant 21 : i32
    %barrier3A_29 = arith.constant 0 : index
    tpu.barrier barrier_id(%barrier3A_29)
    "tpu.region"() ({
      %run_scoped3A = tpu.sem_alloc : memref<!tpu.dma_semaphore, #tpu.memory_space<semaphore_mem>>
      %dma_start3A = arith.constant 0 : i32
      %dma_start3A_30 = tpu.memref_slice %arg5[%arg0, %mul3A_24, %dma_start3A] : memref<2x10240x128xf32, #tpu.memory_space<hbm>> -> memref<1x640x128xf32, #tpu.memory_space<hbm>>
      %dma_start3A_31 = tpu.memref_squeeze %dma_start3A_30 : memref<1x640x128xf32, #tpu.memory_space<hbm>> -> memref<640x128xf32, #tpu.memory_space<hbm>>
      %dma_start3A_32 = arith.constant 0 : i32
      %dma_start3A_33 = tpu.memref_slice %arg10[%mul3A_24, %dma_start3A_32] : memref<10240x128xf32, #tpu.memory_space<vmem_shared>> -> memref<640x128xf32, #tpu.memory_space<vmem_shared>>
      tpu.enqueue_dma source(%dma_start3A_33 : memref<640x128xf32, #tpu.memory_space<vmem_shared>>) target(%dma_start3A_31 : memref<640x128xf32, #tpu.memory_space<hbm>>) target_semaphore(%run_scoped3A : memref<!tpu.dma_semaphore, #tpu.memory_space<semaphore_mem>>)
      %dma_wait3A = arith.constant 0 : i32
      %dma_wait3A_34 = tpu.memref_slice %arg5[%arg0, %mul3A_24, %dma_wait3A] : memref<2x10240x128xf32, #tpu.memory_space<hbm>> -> memref<1x640x128xf32, #tpu.memory_space<hbm>>
      %dma_wait3A_35 = tpu.memref_squeeze %dma_wait3A_34 : memref<1x640x128xf32, #tpu.memory_space<hbm>> -> memref<640x128xf32, #tpu.memory_space<hbm>>
      %dma_wait3A_36 = arith.constant 0 : i32
      %dma_wait3A_37 = tpu.memref_slice %arg10[%mul3A_24, %dma_wait3A_36] : memref<10240x128xf32, #tpu.memory_space<vmem_shared>> -> memref<640x128xf32, #tpu.memory_space<vmem_shared>>
      tpu.wait_dma2 semaphore(%run_scoped3A : memref<!tpu.dma_semaphore, #tpu.memory_space<semaphore_mem>>) src(%dma_wait3A_37 : memref<640x128xf32, #tpu.memory_space<vmem_shared>>) dst(%dma_wait3A_35 : memref<640x128xf32, #tpu.memory_space<hbm>>)
      tpu.yield
    }) : () -> ()
    return
  }
}

#map = affine_map<(d0, d1) -> (0, 0)>
#map1 = affine_map<(d0, d1) -> (0)>
module attributes {stable_mosaic.version = 14 : i64} {
  func.func @k(%arg0: i32, %arg1: i32, %arg2: memref<10000x128xf32, #tpu.memory_space<hbm>>, %arg3: memref<10000x128xf32, #tpu.memory_space<hbm>>, %arg4: memref<160000xi32, #tpu.memory_space<hbm>>, %arg5: memref<160000xi32, #tpu.memory_space<hbm>>, %arg6: memref<160000x128xf32, #tpu.memory_space<hbm>>, %arg7: memref<160000x128xf32, #tpu.memory_space<hbm>>, %arg8: memref<128xi32, #tpu.memory_space<vmem>>, %arg9: memref<128xi32, #tpu.memory_space<vmem>>, %arg10: memref<128xi32, #tpu.memory_space<vmem>>, %arg11: memref<128xi32, #tpu.memory_space<vmem>>, %arg12: memref<128x128xf32, #tpu.memory_space<vmem>>, %arg13: memref<128x128xf32, #tpu.memory_space<vmem>>, %arg14: memref<128x128xf32, #tpu.memory_space<vmem>>, %arg15: memref<128x128xf32, #tpu.memory_space<vmem>>, %arg16: memref<!tpu.dma_semaphore, #tpu.memory_space<semaphore_mem>>, %arg17: memref<!tpu.dma_semaphore, #tpu.memory_space<semaphore_mem>>, %arg18: memref<!tpu.dma_semaphore, #tpu.memory_space<semaphore_mem>>, %arg19: memref<!tpu.dma_semaphore, #tpu.memory_space<semaphore_mem>>) attributes {dimension_semantics = [#tpu.dimension_semantics<core_parallel>, #tpu.dimension_semantics<subcore_parallel>], iteration_bounds = array<i64: 2, 16>, scalar_prefetch = 0 : i64, scratch_operands = 12 : i64, tpu.core_type = #tpu.core_type<sc_vector_subcore>, window_params = [{transform_indices = #map}, {transform_indices = #map}, {transform_indices = #map1}, {transform_indices = #map1}, {transform_indices = #map}, {transform_indices = #map}]} {
    %mul3A = arith.constant 2 : i32
    %mul3A_0 = arith.muli %arg1, %mul3A : i32
    %add3A = arith.addi %mul3A_0, %arg0 : i32
    %sub3A = arith.constant 1250 : i32
    %sub3A_1 = arith.subi %sub3A, %add3A : i32
    %add3A_2 = arith.constant 32 : i32
    %add3A_3 = arith.addi %sub3A_1, %add3A_2 : i32
    %sub3A_4 = arith.constant 1 : i32
    %sub3A_5 = arith.subi %add3A_3, %sub3A_4 : i32
    %jit3A = arith.constant 32 : i32
    %div3A = arith.divsi %sub3A_5, %jit3A : i32
    %sign3A = arith.constant 0 : i32
    %sign3A_6 = arith.cmpi sgt, %sub3A_5, %sign3A : i32
    %sign3A_7 = arith.extui %sign3A_6 : i1 to i32
    %sign3A_8 = arith.constant 0 : i32
    %sign3A_9 = arith.cmpi slt, %sub3A_5, %sign3A_8 : i32
    %sign3A_10 = arith.extui %sign3A_9 : i1 to i32
    %sign3A_11 = arith.subi %sign3A_7, %sign3A_10 : i32
    %sign3A_12 = arith.constant 0 : i32
    %sign3A_13 = arith.cmpi sgt, %jit3A, %sign3A_12 : i32
    %sign3A_14 = arith.extui %sign3A_13 : i1 to i32
    %sign3A_15 = arith.constant 0 : i32
    %sign3A_16 = arith.cmpi slt, %jit3A, %sign3A_15 : i32
    %sign3A_17 = arith.extui %sign3A_16 : i1 to i32
    %sign3A_18 = arith.subi %sign3A_14, %sign3A_17 : i32
    %ne3A = arith.cmpi ne, %sign3A_11, %sign3A_18 : i32
    %rem3A = arith.remsi %sub3A_5, %jit3A : i32
    %ne3A_19 = arith.constant 0 : i32
    %ne3A_20 = arith.cmpi ne, %rem3A, %ne3A_19 : i32
    %and3A = arith.andi %ne3A, %ne3A_20 : i1
    %sub3A_21 = arith.constant 1 : i32
    %sub3A_22 = arith.subi %div3A, %sub3A_21 : i32
    %select_n3A = arith.select %and3A, %sub3A_22, %div3A : i32
    %scan3A = arith.constant 0 : i32
    %scan3A_23 = arith.constant 21 : i32
    %scan3A_24 = arith.addi %scan3A, %scan3A_23 : i32
    %scan3A_25 = arith.constant 1 : i32
    scf.for %scan3A_126 = %scan3A to %scan3A_24 step %scan3A_25  : i32 {
      %mul3A_127 = arith.constant 1 : i32
      %mul3A_128 = arith.muli %scan3A_126, %mul3A_127 : i32
      %add3A_129 = arith.constant 0 : i32
      %add3A_130 = arith.addi %add3A_129, %mul3A_128 : i32
      %mul3A_131 = arith.constant 2 : i32
      %mul3A_132 = arith.muli %add3A_130, %mul3A_131 : i32
      %add3A_133 = arith.constant 0 : i32
      %add3A_134 = arith.addi %mul3A_132, %add3A_133 : i32
      %lt3A_135 = arith.cmpi slt, %add3A_134, %select_n3A : i32
      %convert_element_type3A_136 = arith.extui %lt3A_135 : i1 to i32
      %cond3A_137 = arith.constant 0 : i32
      %cond3A_138 = arith.cmpi ne, %convert_element_type3A_136, %cond3A_137 : i32
      scf.if %cond3A_138 {
        %mul3A_165 = arith.constant 32 : i32
        %mul3A_166 = arith.muli %add3A_134, %mul3A_165 : i32
        %add3A_167 = arith.addi %mul3A_166, %add3A : i32
        %mul3A_168 = arith.constant 128 : i32
        %mul3A_169 = arith.muli %add3A_167, %mul3A_168 : i32
        %ge3A_170 = arith.constant 2 : i32
        %ge3A_171 = arith.cmpi sge, %add3A_134, %ge3A_170 : i32
        %convert_element_type3A_172 = arith.extui %ge3A_171 : i1 to i32
        %cond3A_173 = arith.constant 0 : i32
        %cond3A_174 = arith.cmpi ne, %convert_element_type3A_172, %cond3A_173 : i32
        scf.if %cond3A_174 {
          %dma_wait3A = arith.constant 0 : i32
          %dma_wait3A_180 = arith.constant 0 : i32
          %dma_wait3A_181 = tpu.memref_slice %arg6[%dma_wait3A, %dma_wait3A_180] : memref<160000x128xf32, #tpu.memory_space<hbm>> -> memref<128x128xf32, #tpu.memory_space<hbm>>
          %dma_wait3A_182 = arith.constant 0 : i32
          %dma_wait3A_183 = arith.constant 0 : i32
          %dma_wait3A_184 = tpu.memref_slice %arg6[%dma_wait3A_182, %dma_wait3A_183] : memref<160000x128xf32, #tpu.memory_space<hbm>> -> memref<128x128xf32, #tpu.memory_space<hbm>>
          tpu.wait_dma2 semaphore(%arg18 : memref<!tpu.dma_semaphore, #tpu.memory_space<semaphore_mem>>) src(%arg12 : memref<128x128xf32, #tpu.memory_space<vmem>>) dst(%dma_wait3A_184 : memref<128x128xf32, #tpu.memory_space<hbm>>)
          %dma_wait3A_185 = arith.constant 0 : i32
          %dma_wait3A_186 = arith.constant 0 : i32
          %dma_wait3A_187 = tpu.memref_slice %arg7[%dma_wait3A_185, %dma_wait3A_186] : memref<160000x128xf32, #tpu.memory_space<hbm>> -> memref<128x128xf32, #tpu.memory_space<hbm>>
          %dma_wait3A_188 = arith.constant 0 : i32
          %dma_wait3A_189 = arith.constant 0 : i32
          %dma_wait3A_190 = tpu.memref_slice %arg7[%dma_wait3A_188, %dma_wait3A_189] : memref<160000x128xf32, #tpu.memory_space<hbm>> -> memref<128x128xf32, #tpu.memory_space<hbm>>
          tpu.wait_dma2 semaphore(%arg18 : memref<!tpu.dma_semaphore, #tpu.memory_space<semaphore_mem>>) src(%arg13 : memref<128x128xf32, #tpu.memory_space<vmem>>) dst(%dma_wait3A_190 : memref<128x128xf32, #tpu.memory_space<hbm>>)
        } else {
        }
        "tpu.region"() ({
          %run_scoped3A = tpu.sem_alloc : memref<!tpu.dma_semaphore, #tpu.memory_space<semaphore_mem>>
          %dma_start3A_180 = tpu.memref_slice %arg4[%mul3A_169] : memref<160000xi32, #tpu.memory_space<hbm>> -> memref<128xi32, #tpu.memory_space<hbm>>
          %dma_start3A_181 = tpu.memref_slice %arg4[%mul3A_169] : memref<160000xi32, #tpu.memory_space<hbm>> -> memref<128xi32, #tpu.memory_space<hbm>>
          tpu.enqueue_dma source(%dma_start3A_181 : memref<128xi32, #tpu.memory_space<hbm>>) target(%arg8 : memref<128xi32, #tpu.memory_space<vmem>>) target_semaphore(%run_scoped3A : memref<!tpu.dma_semaphore, #tpu.memory_space<semaphore_mem>>)
          %dma_wait3A = tpu.memref_slice %arg4[%mul3A_169] : memref<160000xi32, #tpu.memory_space<hbm>> -> memref<128xi32, #tpu.memory_space<hbm>>
          %dma_wait3A_182 = tpu.memref_slice %arg4[%mul3A_169] : memref<160000xi32, #tpu.memory_space<hbm>> -> memref<128xi32, #tpu.memory_space<hbm>>
          tpu.wait_dma2 semaphore(%run_scoped3A : memref<!tpu.dma_semaphore, #tpu.memory_space<semaphore_mem>>) src(%dma_wait3A_182 : memref<128xi32, #tpu.memory_space<hbm>>) dst(%arg8 : memref<128xi32, #tpu.memory_space<vmem>>)
          tpu.yield
        }) : () -> ()
        "tpu.region"() ({
          %run_scoped3A = tpu.sem_alloc : memref<!tpu.dma_semaphore, #tpu.memory_space<semaphore_mem>>
          %dma_start3A_180 = tpu.memref_slice %arg5[%mul3A_169] : memref<160000xi32, #tpu.memory_space<hbm>> -> memref<128xi32, #tpu.memory_space<hbm>>
          %dma_start3A_181 = tpu.memref_slice %arg5[%mul3A_169] : memref<160000xi32, #tpu.memory_space<hbm>> -> memref<128xi32, #tpu.memory_space<hbm>>
          tpu.enqueue_dma source(%dma_start3A_181 : memref<128xi32, #tpu.memory_space<hbm>>) target(%arg9 : memref<128xi32, #tpu.memory_space<vmem>>) target_semaphore(%run_scoped3A : memref<!tpu.dma_semaphore, #tpu.memory_space<semaphore_mem>>)
          %dma_wait3A = tpu.memref_slice %arg5[%mul3A_169] : memref<160000xi32, #tpu.memory_space<hbm>> -> memref<128xi32, #tpu.memory_space<hbm>>
          %dma_wait3A_182 = tpu.memref_slice %arg5[%mul3A_169] : memref<160000xi32, #tpu.memory_space<hbm>> -> memref<128xi32, #tpu.memory_space<hbm>>
          tpu.wait_dma2 semaphore(%run_scoped3A : memref<!tpu.dma_semaphore, #tpu.memory_space<semaphore_mem>>) src(%dma_wait3A_182 : memref<128xi32, #tpu.memory_space<hbm>>) dst(%arg9 : memref<128xi32, #tpu.memory_space<vmem>>)
          tpu.yield
        }) : () -> ()
        %dma_start3A = arith.constant 0 : i32
        %dma_start3A_175 = arith.constant 0 : i32
        %dma_start3A_176 = tpu.memref_slice %arg2[%dma_start3A, %dma_start3A_175] : memref<10000x128xf32, #tpu.memory_space<hbm>> -> memref<10000x128xf32, #tpu.memory_space<hbm>>
        tpu.enqueue_indirect_dma source(%dma_start3A_176 : memref<10000x128xf32, #tpu.memory_space<hbm>>) target(%arg12 : memref<128x128xf32, #tpu.memory_space<vmem>>) offsets(%arg8 : memref<128xi32, #tpu.memory_space<vmem>>) semaphore(%arg16 : memref<!tpu.dma_semaphore, #tpu.memory_space<semaphore_mem>>)
        %dma_start3A_177 = arith.constant 0 : i32
        %dma_start3A_178 = arith.constant 0 : i32
        %dma_start3A_179 = tpu.memref_slice %arg3[%dma_start3A_177, %dma_start3A_178] : memref<10000x128xf32, #tpu.memory_space<hbm>> -> memref<10000x128xf32, #tpu.memory_space<hbm>>
        tpu.enqueue_indirect_dma source(%dma_start3A_179 : memref<10000x128xf32, #tpu.memory_space<hbm>>) target(%arg13 : memref<128x128xf32, #tpu.memory_space<vmem>>) offsets(%arg9 : memref<128xi32, #tpu.memory_space<vmem>>) semaphore(%arg16 : memref<!tpu.dma_semaphore, #tpu.memory_space<semaphore_mem>>)
      } else {
      }
      %ge3A_139 = arith.constant 1 : i32
      %ge3A_140 = arith.cmpi sge, %add3A_134, %ge3A_139 : i32
      %sub3A_141 = arith.constant 1 : i32
      %sub3A_142 = arith.subi %add3A_134, %sub3A_141 : i32
      %lt3A_143 = arith.cmpi slt, %sub3A_142, %select_n3A : i32
      %and3A_144 = arith.andi %ge3A_140, %lt3A_143 : i1
      %convert_element_type3A_145 = arith.extui %and3A_144 : i1 to i32
      %cond3A_146 = arith.constant 0 : i32
      %cond3A_147 = arith.cmpi ne, %convert_element_type3A_145, %cond3A_146 : i32
      scf.if %cond3A_147 {
        %sub3A_165 = arith.constant 1 : i32
        %sub3A_166 = arith.subi %add3A_134, %sub3A_165 : i32
        %mul3A_167 = arith.constant 32 : i32
        %mul3A_168 = arith.muli %sub3A_166, %mul3A_167 : i32
        %add3A_169 = arith.addi %mul3A_168, %add3A : i32
        %mul3A_170 = arith.constant 128 : i32
        %mul3A_171 = arith.muli %add3A_169, %mul3A_170 : i32
        %dma_wait3A = arith.constant 0 : i32
        %dma_wait3A_172 = arith.constant 0 : i32
        %dma_wait3A_173 = tpu.memref_slice %arg2[%dma_wait3A, %dma_wait3A_172] : memref<10000x128xf32, #tpu.memory_space<hbm>> -> memref<10000x128xf32, #tpu.memory_space<hbm>>
        tpu.wait_indirect_dma semaphore(%arg17 : memref<!tpu.dma_semaphore, #tpu.memory_space<semaphore_mem>>) src(%dma_wait3A_173 : memref<10000x128xf32, #tpu.memory_space<hbm>>) dst(%arg14 : memref<128x128xf32, #tpu.memory_space<vmem>>)
        %dma_wait3A_174 = arith.constant 0 : i32
        %dma_wait3A_175 = arith.constant 0 : i32
        %dma_wait3A_176 = tpu.memref_slice %arg3[%dma_wait3A_174, %dma_wait3A_175] : memref<10000x128xf32, #tpu.memory_space<hbm>> -> memref<10000x128xf32, #tpu.memory_space<hbm>>
        tpu.wait_indirect_dma semaphore(%arg17 : memref<!tpu.dma_semaphore, #tpu.memory_space<semaphore_mem>>) src(%dma_wait3A_176 : memref<10000x128xf32, #tpu.memory_space<hbm>>) dst(%arg15 : memref<128x128xf32, #tpu.memory_space<vmem>>)
        %dma_start3A = arith.constant 0 : i32
        %dma_start3A_177 = tpu.memref_slice %arg6[%mul3A_171, %dma_start3A] : memref<160000x128xf32, #tpu.memory_space<hbm>> -> memref<128x128xf32, #tpu.memory_space<hbm>>
        %dma_start3A_178 = arith.constant 0 : i32
        %dma_start3A_179 = tpu.memref_slice %arg6[%mul3A_171, %dma_start3A_178] : memref<160000x128xf32, #tpu.memory_space<hbm>> -> memref<128x128xf32, #tpu.memory_space<hbm>>
        tpu.enqueue_dma source(%arg14 : memref<128x128xf32, #tpu.memory_space<vmem>>) target(%dma_start3A_179 : memref<128x128xf32, #tpu.memory_space<hbm>>) target_semaphore(%arg19 : memref<!tpu.dma_semaphore, #tpu.memory_space<semaphore_mem>>)
        %dma_start3A_180 = arith.constant 0 : i32
        %dma_start3A_181 = tpu.memref_slice %arg7[%mul3A_171, %dma_start3A_180] : memref<160000x128xf32, #tpu.memory_space<hbm>> -> memref<128x128xf32, #tpu.memory_space<hbm>>
        %dma_start3A_182 = arith.constant 0 : i32
        %dma_start3A_183 = tpu.memref_slice %arg7[%mul3A_171, %dma_start3A_182] : memref<160000x128xf32, #tpu.memory_space<hbm>> -> memref<128x128xf32, #tpu.memory_space<hbm>>
        tpu.enqueue_dma source(%arg15 : memref<128x128xf32, #tpu.memory_space<vmem>>) target(%dma_start3A_183 : memref<128x128xf32, #tpu.memory_space<hbm>>) target_semaphore(%arg19 : memref<!tpu.dma_semaphore, #tpu.memory_space<semaphore_mem>>)
      } else {
      }
      %mul3A_148 = arith.constant 2 : i32
      %mul3A_149 = arith.muli %add3A_130, %mul3A_148 : i32
      %add3A_150 = arith.constant 1 : i32
      %add3A_151 = arith.addi %mul3A_149, %add3A_150 : i32
      %lt3A_152 = arith.cmpi slt, %add3A_151, %select_n3A : i32
      %convert_element_type3A_153 = arith.extui %lt3A_152 : i1 to i32
      %cond3A_154 = arith.constant 0 : i32
      %cond3A_155 = arith.cmpi ne, %convert_element_type3A_153, %cond3A_154 : i32
      scf.if %cond3A_155 {
        %mul3A_165 = arith.constant 32 : i32
        %mul3A_166 = arith.muli %add3A_151, %mul3A_165 : i32
        %add3A_167 = arith.addi %mul3A_166, %add3A : i32
        %mul3A_168 = arith.constant 128 : i32
        %mul3A_169 = arith.muli %add3A_167, %mul3A_168 : i32
        %ge3A_170 = arith.constant 2 : i32
        %ge3A_171 = arith.cmpi sge, %add3A_151, %ge3A_170 : i32
        %convert_element_type3A_172 = arith.extui %ge3A_171 : i1 to i32
        %cond3A_173 = arith.constant 0 : i32
        %cond3A_174 = arith.cmpi ne, %convert_element_type3A_172, %cond3A_173 : i32
        scf.if %cond3A_174 {
          %dma_wait3A = arith.constant 0 : i32
          %dma_wait3A_180 = arith.constant 0 : i32
          %dma_wait3A_181 = tpu.memref_slice %arg6[%dma_wait3A, %dma_wait3A_180] : memref<160000x128xf32, #tpu.memory_space<hbm>> -> memref<128x128xf32, #tpu.memory_space<hbm>>
          %dma_wait3A_182 = arith.constant 0 : i32
          %dma_wait3A_183 = arith.constant 0 : i32
          %dma_wait3A_184 = tpu.memref_slice %arg6[%dma_wait3A_182, %dma_wait3A_183] : memref<160000x128xf32, #tpu.memory_space<hbm>> -> memref<128x128xf32, #tpu.memory_space<hbm>>
          tpu.wait_dma2 semaphore(%arg19 : memref<!tpu.dma_semaphore, #tpu.memory_space<semaphore_mem>>) src(%arg14 : memref<128x128xf32, #tpu.memory_space<vmem>>) dst(%dma_wait3A_184 : memref<128x128xf32, #tpu.memory_space<hbm>>)
          %dma_wait3A_185 = arith.constant 0 : i32
          %dma_wait3A_186 = arith.constant 0 : i32
          %dma_wait3A_187 = tpu.memref_slice %arg7[%dma_wait3A_185, %dma_wait3A_186] : memref<160000x128xf32, #tpu.memory_space<hbm>> -> memref<128x128xf32, #tpu.memory_space<hbm>>
          %dma_wait3A_188 = arith.constant 0 : i32
          %dma_wait3A_189 = arith.constant 0 : i32
          %dma_wait3A_190 = tpu.memref_slice %arg7[%dma_wait3A_188, %dma_wait3A_189] : memref<160000x128xf32, #tpu.memory_space<hbm>> -> memref<128x128xf32, #tpu.memory_space<hbm>>
          tpu.wait_dma2 semaphore(%arg19 : memref<!tpu.dma_semaphore, #tpu.memory_space<semaphore_mem>>) src(%arg15 : memref<128x128xf32, #tpu.memory_space<vmem>>) dst(%dma_wait3A_190 : memref<128x128xf32, #tpu.memory_space<hbm>>)
        } else {
        }
        "tpu.region"() ({
          %run_scoped3A = tpu.sem_alloc : memref<!tpu.dma_semaphore, #tpu.memory_space<semaphore_mem>>
          %dma_start3A_180 = tpu.memref_slice %arg4[%mul3A_169] : memref<160000xi32, #tpu.memory_space<hbm>> -> memref<128xi32, #tpu.memory_space<hbm>>
          %dma_start3A_181 = tpu.memref_slice %arg4[%mul3A_169] : memref<160000xi32, #tpu.memory_space<hbm>> -> memref<128xi32, #tpu.memory_space<hbm>>
          tpu.enqueue_dma source(%dma_start3A_181 : memref<128xi32, #tpu.memory_space<hbm>>) target(%arg10 : memref<128xi32, #tpu.memory_space<vmem>>) target_semaphore(%run_scoped3A : memref<!tpu.dma_semaphore, #tpu.memory_space<semaphore_mem>>)
          %dma_wait3A = tpu.memref_slice %arg4[%mul3A_169] : memref<160000xi32, #tpu.memory_space<hbm>> -> memref<128xi32, #tpu.memory_space<hbm>>
          %dma_wait3A_182 = tpu.memref_slice %arg4[%mul3A_169] : memref<160000xi32, #tpu.memory_space<hbm>> -> memref<128xi32, #tpu.memory_space<hbm>>
          tpu.wait_dma2 semaphore(%run_scoped3A : memref<!tpu.dma_semaphore, #tpu.memory_space<semaphore_mem>>) src(%dma_wait3A_182 : memref<128xi32, #tpu.memory_space<hbm>>) dst(%arg10 : memref<128xi32, #tpu.memory_space<vmem>>)
          tpu.yield
        }) : () -> ()
        "tpu.region"() ({
          %run_scoped3A = tpu.sem_alloc : memref<!tpu.dma_semaphore, #tpu.memory_space<semaphore_mem>>
          %dma_start3A_180 = tpu.memref_slice %arg5[%mul3A_169] : memref<160000xi32, #tpu.memory_space<hbm>> -> memref<128xi32, #tpu.memory_space<hbm>>
          %dma_start3A_181 = tpu.memref_slice %arg5[%mul3A_169] : memref<160000xi32, #tpu.memory_space<hbm>> -> memref<128xi32, #tpu.memory_space<hbm>>
          tpu.enqueue_dma source(%dma_start3A_181 : memref<128xi32, #tpu.memory_space<hbm>>) target(%arg11 : memref<128xi32, #tpu.memory_space<vmem>>) target_semaphore(%run_scoped3A : memref<!tpu.dma_semaphore, #tpu.memory_space<semaphore_mem>>)
          %dma_wait3A = tpu.memref_slice %arg5[%mul3A_169] : memref<160000xi32, #tpu.memory_space<hbm>> -> memref<128xi32, #tpu.memory_space<hbm>>
          %dma_wait3A_182 = tpu.memref_slice %arg5[%mul3A_169] : memref<160000xi32, #tpu.memory_space<hbm>> -> memref<128xi32, #tpu.memory_space<hbm>>
          tpu.wait_dma2 semaphore(%run_scoped3A : memref<!tpu.dma_semaphore, #tpu.memory_space<semaphore_mem>>) src(%dma_wait3A_182 : memref<128xi32, #tpu.memory_space<hbm>>) dst(%arg11 : memref<128xi32, #tpu.memory_space<vmem>>)
          tpu.yield
        }) : () -> ()
        %dma_start3A = arith.constant 0 : i32
        %dma_start3A_175 = arith.constant 0 : i32
        %dma_start3A_176 = tpu.memref_slice %arg2[%dma_start3A, %dma_start3A_175] : memref<10000x128xf32, #tpu.memory_space<hbm>> -> memref<10000x128xf32, #tpu.memory_space<hbm>>
        tpu.enqueue_indirect_dma source(%dma_start3A_176 : memref<10000x128xf32, #tpu.memory_space<hbm>>) target(%arg14 : memref<128x128xf32, #tpu.memory_space<vmem>>) offsets(%arg10 : memref<128xi32, #tpu.memory_space<vmem>>) semaphore(%arg17 : memref<!tpu.dma_semaphore, #tpu.memory_space<semaphore_mem>>)
        %dma_start3A_177 = arith.constant 0 : i32
        %dma_start3A_178 = arith.constant 0 : i32
        %dma_start3A_179 = tpu.memref_slice %arg3[%dma_start3A_177, %dma_start3A_178] : memref<10000x128xf32, #tpu.memory_space<hbm>> -> memref<10000x128xf32, #tpu.memory_space<hbm>>
        tpu.enqueue_indirect_dma source(%dma_start3A_179 : memref<10000x128xf32, #tpu.memory_space<hbm>>) target(%arg15 : memref<128x128xf32, #tpu.memory_space<vmem>>) offsets(%arg11 : memref<128xi32, #tpu.memory_space<vmem>>) semaphore(%arg17 : memref<!tpu.dma_semaphore, #tpu.memory_space<semaphore_mem>>)
      } else {
      }
      %ge3A_156 = arith.constant 1 : i32
      %ge3A_157 = arith.cmpi sge, %add3A_151, %ge3A_156 : i32
      %sub3A_158 = arith.constant 1 : i32
      %sub3A_159 = arith.subi %add3A_151, %sub3A_158 : i32
      %lt3A_160 = arith.cmpi slt, %sub3A_159, %select_n3A : i32
      %and3A_161 = arith.andi %ge3A_157, %lt3A_160 : i1
      %convert_element_type3A_162 = arith.extui %and3A_161 : i1 to i32
      %cond3A_163 = arith.constant 0 : i32
      %cond3A_164 = arith.cmpi ne, %convert_element_type3A_162, %cond3A_163 : i32
      scf.if %cond3A_164 {
        %sub3A_165 = arith.constant 1 : i32
        %sub3A_166 = arith.subi %add3A_151, %sub3A_165 : i32
        %mul3A_167 = arith.constant 32 : i32
        %mul3A_168 = arith.muli %sub3A_166, %mul3A_167 : i32
        %add3A_169 = arith.addi %mul3A_168, %add3A : i32
        %mul3A_170 = arith.constant 128 : i32
        %mul3A_171 = arith.muli %add3A_169, %mul3A_170 : i32
        %dma_wait3A = arith.constant 0 : i32
        %dma_wait3A_172 = arith.constant 0 : i32
        %dma_wait3A_173 = tpu.memref_slice %arg2[%dma_wait3A, %dma_wait3A_172] : memref<10000x128xf32, #tpu.memory_space<hbm>> -> memref<10000x128xf32, #tpu.memory_space<hbm>>
        tpu.wait_indirect_dma semaphore(%arg16 : memref<!tpu.dma_semaphore, #tpu.memory_space<semaphore_mem>>) src(%dma_wait3A_173 : memref<10000x128xf32, #tpu.memory_space<hbm>>) dst(%arg12 : memref<128x128xf32, #tpu.memory_space<vmem>>)
        %dma_wait3A_174 = arith.constant 0 : i32
        %dma_wait3A_175 = arith.constant 0 : i32
        %dma_wait3A_176 = tpu.memref_slice %arg3[%dma_wait3A_174, %dma_wait3A_175] : memref<10000x128xf32, #tpu.memory_space<hbm>> -> memref<10000x128xf32, #tpu.memory_space<hbm>>
        tpu.wait_indirect_dma semaphore(%arg16 : memref<!tpu.dma_semaphore, #tpu.memory_space<semaphore_mem>>) src(%dma_wait3A_176 : memref<10000x128xf32, #tpu.memory_space<hbm>>) dst(%arg13 : memref<128x128xf32, #tpu.memory_space<vmem>>)
        %dma_start3A = arith.constant 0 : i32
        %dma_start3A_177 = tpu.memref_slice %arg6[%mul3A_171, %dma_start3A] : memref<160000x128xf32, #tpu.memory_space<hbm>> -> memref<128x128xf32, #tpu.memory_space<hbm>>
        %dma_start3A_178 = arith.constant 0 : i32
        %dma_start3A_179 = tpu.memref_slice %arg6[%mul3A_171, %dma_start3A_178] : memref<160000x128xf32, #tpu.memory_space<hbm>> -> memref<128x128xf32, #tpu.memory_space<hbm>>
        tpu.enqueue_dma source(%arg12 : memref<128x128xf32, #tpu.memory_space<vmem>>) target(%dma_start3A_179 : memref<128x128xf32, #tpu.memory_space<hbm>>) target_semaphore(%arg18 : memref<!tpu.dma_semaphore, #tpu.memory_space<semaphore_mem>>)
        %dma_start3A_180 = arith.constant 0 : i32
        %dma_start3A_181 = tpu.memref_slice %arg7[%mul3A_171, %dma_start3A_180] : memref<160000x128xf32, #tpu.memory_space<hbm>> -> memref<128x128xf32, #tpu.memory_space<hbm>>
        %dma_start3A_182 = arith.constant 0 : i32
        %dma_start3A_183 = tpu.memref_slice %arg7[%mul3A_171, %dma_start3A_182] : memref<160000x128xf32, #tpu.memory_space<hbm>> -> memref<128x128xf32, #tpu.memory_space<hbm>>
        tpu.enqueue_dma source(%arg13 : memref<128x128xf32, #tpu.memory_space<vmem>>) target(%dma_start3A_183 : memref<128x128xf32, #tpu.memory_space<hbm>>) target_semaphore(%arg18 : memref<!tpu.dma_semaphore, #tpu.memory_space<semaphore_mem>>)
      } else {
      }
    }
    %scan3A_26 = arith.constant 21 : i32
    %ge3A = arith.constant 1 : i32
    %ge3A_27 = arith.cmpi sge, %select_n3A, %ge3A : i32
    %sub3A_28 = arith.constant 1 : i32
    %sub3A_29 = arith.subi %select_n3A, %sub3A_28 : i32
    %jit3A_30 = arith.constant 2 : i32
    %eq3A = arith.constant 0 : i32
    %eq3A_31 = arith.cmpi eq, %jit3A_30, %eq3A : i32
    %jit3A_32 = arith.constant 1 : i32
    %select_n3A_33 = arith.select %eq3A_31, %jit3A_32, %jit3A_30 : i32
    %rem3A_34 = arith.remsi %sub3A_29, %select_n3A_33 : i32
    %ne3A_35 = arith.constant 0 : i32
    %ne3A_36 = arith.cmpi ne, %rem3A_34, %ne3A_35 : i32
    %lt3A = arith.constant 0 : i32
    %lt3A_37 = arith.cmpi slt, %rem3A_34, %lt3A : i32
    %lt3A_38 = arith.constant 0 : i32
    %lt3A_39 = arith.cmpi slt, %select_n3A_33, %lt3A_38 : i32
    %ne3A_40 = arith.xori %lt3A_37, %lt3A_39 : i1
    %and3A_41 = arith.andi %ne3A_40, %ne3A_36 : i1
    %add3A_42 = arith.addi %rem3A_34, %select_n3A_33 : i32
    %select_n3A_43 = arith.select %and3A_41, %add3A_42, %rem3A_34 : i32
    %eq3A_44 = arith.constant 0 : i32
    %eq3A_45 = arith.cmpi eq, %select_n3A_43, %eq3A_44 : i32
    %and3A_46 = arith.andi %ge3A_27, %eq3A_45 : i1
    %convert_element_type3A = arith.extui %and3A_46 : i1 to i32
    %cond3A = arith.constant 0 : i32
    %cond3A_47 = arith.cmpi ne, %convert_element_type3A, %cond3A : i32
    scf.if %cond3A_47 {
      %dma_wait3A = arith.constant 0 : i32
      %dma_wait3A_126 = arith.constant 0 : i32
      %dma_wait3A_127 = tpu.memref_slice %arg6[%dma_wait3A, %dma_wait3A_126] : memref<160000x128xf32, #tpu.memory_space<hbm>> -> memref<128x128xf32, #tpu.memory_space<hbm>>
      %dma_wait3A_128 = arith.constant 0 : i32
      %dma_wait3A_129 = arith.constant 0 : i32
      %dma_wait3A_130 = tpu.memref_slice %arg6[%dma_wait3A_128, %dma_wait3A_129] : memref<160000x128xf32, #tpu.memory_space<hbm>> -> memref<128x128xf32, #tpu.memory_space<hbm>>
      tpu.wait_dma2 semaphore(%arg18 : memref<!tpu.dma_semaphore, #tpu.memory_space<semaphore_mem>>) src(%arg12 : memref<128x128xf32, #tpu.memory_space<vmem>>) dst(%dma_wait3A_130 : memref<128x128xf32, #tpu.memory_space<hbm>>)
      %dma_wait3A_131 = arith.constant 0 : i32
      %dma_wait3A_132 = arith.constant 0 : i32
      %dma_wait3A_133 = tpu.memref_slice %arg7[%dma_wait3A_131, %dma_wait3A_132] : memref<160000x128xf32, #tpu.memory_space<hbm>> -> memref<128x128xf32, #tpu.memory_space<hbm>>
      %dma_wait3A_134 = arith.constant 0 : i32
      %dma_wait3A_135 = arith.constant 0 : i32
      %dma_wait3A_136 = tpu.memref_slice %arg7[%dma_wait3A_134, %dma_wait3A_135] : memref<160000x128xf32, #tpu.memory_space<hbm>> -> memref<128x128xf32, #tpu.memory_space<hbm>>
      tpu.wait_dma2 semaphore(%arg18 : memref<!tpu.dma_semaphore, #tpu.memory_space<semaphore_mem>>) src(%arg13 : memref<128x128xf32, #tpu.memory_space<vmem>>) dst(%dma_wait3A_136 : memref<128x128xf32, #tpu.memory_space<hbm>>)
    } else {
    }
    %ge3A_48 = arith.constant 2 : i32
    %ge3A_49 = arith.cmpi sge, %select_n3A, %ge3A_48 : i32
    %sub3A_50 = arith.constant 2 : i32
    %sub3A_51 = arith.subi %select_n3A, %sub3A_50 : i32
    %jit3A_52 = arith.constant 2 : i32
    %eq3A_53 = arith.constant 0 : i32
    %eq3A_54 = arith.cmpi eq, %jit3A_52, %eq3A_53 : i32
    %jit3A_55 = arith.constant 1 : i32
    %select_n3A_56 = arith.select %eq3A_54, %jit3A_55, %jit3A_52 : i32
    %rem3A_57 = arith.remsi %sub3A_51, %select_n3A_56 : i32
    %ne3A_58 = arith.constant 0 : i32
    %ne3A_59 = arith.cmpi ne, %rem3A_57, %ne3A_58 : i32
    %lt3A_60 = arith.constant 0 : i32
    %lt3A_61 = arith.cmpi slt, %rem3A_57, %lt3A_60 : i32
    %lt3A_62 = arith.constant 0 : i32
    %lt3A_63 = arith.cmpi slt, %select_n3A_56, %lt3A_62 : i32
    %ne3A_64 = arith.xori %lt3A_61, %lt3A_63 : i1
    %and3A_65 = arith.andi %ne3A_64, %ne3A_59 : i1
    %add3A_66 = arith.addi %rem3A_57, %select_n3A_56 : i32
    %select_n3A_67 = arith.select %and3A_65, %add3A_66, %rem3A_57 : i32
    %eq3A_68 = arith.constant 0 : i32
    %eq3A_69 = arith.cmpi eq, %select_n3A_67, %eq3A_68 : i32
    %and3A_70 = arith.andi %ge3A_49, %eq3A_69 : i1
    %convert_element_type3A_71 = arith.extui %and3A_70 : i1 to i32
    %cond3A_72 = arith.constant 0 : i32
    %cond3A_73 = arith.cmpi ne, %convert_element_type3A_71, %cond3A_72 : i32
    scf.if %cond3A_73 {
      %dma_wait3A = arith.constant 0 : i32
      %dma_wait3A_126 = arith.constant 0 : i32
      %dma_wait3A_127 = tpu.memref_slice %arg6[%dma_wait3A, %dma_wait3A_126] : memref<160000x128xf32, #tpu.memory_space<hbm>> -> memref<128x128xf32, #tpu.memory_space<hbm>>
      %dma_wait3A_128 = arith.constant 0 : i32
      %dma_wait3A_129 = arith.constant 0 : i32
      %dma_wait3A_130 = tpu.memref_slice %arg6[%dma_wait3A_128, %dma_wait3A_129] : memref<160000x128xf32, #tpu.memory_space<hbm>> -> memref<128x128xf32, #tpu.memory_space<hbm>>
      tpu.wait_dma2 semaphore(%arg18 : memref<!tpu.dma_semaphore, #tpu.memory_space<semaphore_mem>>) src(%arg12 : memref<128x128xf32, #tpu.memory_space<vmem>>) dst(%dma_wait3A_130 : memref<128x128xf32, #tpu.memory_space<hbm>>)
      %dma_wait3A_131 = arith.constant 0 : i32
      %dma_wait3A_132 = arith.constant 0 : i32
      %dma_wait3A_133 = tpu.memref_slice %arg7[%dma_wait3A_131, %dma_wait3A_132] : memref<160000x128xf32, #tpu.memory_space<hbm>> -> memref<128x128xf32, #tpu.memory_space<hbm>>
      %dma_wait3A_134 = arith.constant 0 : i32
      %dma_wait3A_135 = arith.constant 0 : i32
      %dma_wait3A_136 = tpu.memref_slice %arg7[%dma_wait3A_134, %dma_wait3A_135] : memref<160000x128xf32, #tpu.memory_space<hbm>> -> memref<128x128xf32, #tpu.memory_space<hbm>>
      tpu.wait_dma2 semaphore(%arg18 : memref<!tpu.dma_semaphore, #tpu.memory_space<semaphore_mem>>) src(%arg13 : memref<128x128xf32, #tpu.memory_space<vmem>>) dst(%dma_wait3A_136 : memref<128x128xf32, #tpu.memory_space<hbm>>)
    } else {
    }
    %ge3A_74 = arith.constant 1 : i32
    %ge3A_75 = arith.cmpi sge, %select_n3A, %ge3A_74 : i32
    %sub3A_76 = arith.constant 1 : i32
    %sub3A_77 = arith.subi %select_n3A, %sub3A_76 : i32
    %jit3A_78 = arith.constant 2 : i32
    %eq3A_79 = arith.constant 0 : i32
    %eq3A_80 = arith.cmpi eq, %jit3A_78, %eq3A_79 : i32
    %jit3A_81 = arith.constant 1 : i32
    %select_n3A_82 = arith.select %eq3A_80, %jit3A_81, %jit3A_78 : i32
    %rem3A_83 = arith.remsi %sub3A_77, %select_n3A_82 : i32
    %ne3A_84 = arith.constant 0 : i32
    %ne3A_85 = arith.cmpi ne, %rem3A_83, %ne3A_84 : i32
    %lt3A_86 = arith.constant 0 : i32
    %lt3A_87 = arith.cmpi slt, %rem3A_83, %lt3A_86 : i32
    %lt3A_88 = arith.constant 0 : i32
    %lt3A_89 = arith.cmpi slt, %select_n3A_82, %lt3A_88 : i32
    %ne3A_90 = arith.xori %lt3A_87, %lt3A_89 : i1
    %and3A_91 = arith.andi %ne3A_90, %ne3A_85 : i1
    %add3A_92 = arith.addi %rem3A_83, %select_n3A_82 : i32
    %select_n3A_93 = arith.select %and3A_91, %add3A_92, %rem3A_83 : i32
    %eq3A_94 = arith.constant 1 : i32
    %eq3A_95 = arith.cmpi eq, %select_n3A_93, %eq3A_94 : i32
    %and3A_96 = arith.andi %ge3A_75, %eq3A_95 : i1
    %convert_element_type3A_97 = arith.extui %and3A_96 : i1 to i32
    %cond3A_98 = arith.constant 0 : i32
    %cond3A_99 = arith.cmpi ne, %convert_element_type3A_97, %cond3A_98 : i32
    scf.if %cond3A_99 {
      %dma_wait3A = arith.constant 0 : i32
      %dma_wait3A_126 = arith.constant 0 : i32
      %dma_wait3A_127 = tpu.memref_slice %arg6[%dma_wait3A, %dma_wait3A_126] : memref<160000x128xf32, #tpu.memory_space<hbm>> -> memref<128x128xf32, #tpu.memory_space<hbm>>
      %dma_wait3A_128 = arith.constant 0 : i32
      %dma_wait3A_129 = arith.constant 0 : i32
      %dma_wait3A_130 = tpu.memref_slice %arg6[%dma_wait3A_128, %dma_wait3A_129] : memref<160000x128xf32, #tpu.memory_space<hbm>> -> memref<128x128xf32, #tpu.memory_space<hbm>>
      tpu.wait_dma2 semaphore(%arg19 : memref<!tpu.dma_semaphore, #tpu.memory_space<semaphore_mem>>) src(%arg14 : memref<128x128xf32, #tpu.memory_space<vmem>>) dst(%dma_wait3A_130 : memref<128x128xf32, #tpu.memory_space<hbm>>)
      %dma_wait3A_131 = arith.constant 0 : i32
      %dma_wait3A_132 = arith.constant 0 : i32
      %dma_wait3A_133 = tpu.memref_slice %arg7[%dma_wait3A_131, %dma_wait3A_132] : memref<160000x128xf32, #tpu.memory_space<hbm>> -> memref<128x128xf32, #tpu.memory_space<hbm>>
      %dma_wait3A_134 = arith.constant 0 : i32
      %dma_wait3A_135 = arith.constant 0 : i32
      %dma_wait3A_136 = tpu.memref_slice %arg7[%dma_wait3A_134, %dma_wait3A_135] : memref<160000x128xf32, #tpu.memory_space<hbm>> -> memref<128x128xf32, #tpu.memory_space<hbm>>
      tpu.wait_dma2 semaphore(%arg19 : memref<!tpu.dma_semaphore, #tpu.memory_space<semaphore_mem>>) src(%arg15 : memref<128x128xf32, #tpu.memory_space<vmem>>) dst(%dma_wait3A_136 : memref<128x128xf32, #tpu.memory_space<hbm>>)
    } else {
    }
    %ge3A_100 = arith.constant 2 : i32
    %ge3A_101 = arith.cmpi sge, %select_n3A, %ge3A_100 : i32
    %sub3A_102 = arith.constant 2 : i32
    %sub3A_103 = arith.subi %select_n3A, %sub3A_102 : i32
    %jit3A_104 = arith.constant 2 : i32
    %eq3A_105 = arith.constant 0 : i32
    %eq3A_106 = arith.cmpi eq, %jit3A_104, %eq3A_105 : i32
    %jit3A_107 = arith.constant 1 : i32
    %select_n3A_108 = arith.select %eq3A_106, %jit3A_107, %jit3A_104 : i32
    %rem3A_109 = arith.remsi %sub3A_103, %select_n3A_108 : i32
    %ne3A_110 = arith.constant 0 : i32
    %ne3A_111 = arith.cmpi ne, %rem3A_109, %ne3A_110 : i32
    %lt3A_112 = arith.constant 0 : i32
    %lt3A_113 = arith.cmpi slt, %rem3A_109, %lt3A_112 : i32
    %lt3A_114 = arith.constant 0 : i32
    %lt3A_115 = arith.cmpi slt, %select_n3A_108, %lt3A_114 : i32
    %ne3A_116 = arith.xori %lt3A_113, %lt3A_115 : i1
    %and3A_117 = arith.andi %ne3A_116, %ne3A_111 : i1
    %add3A_118 = arith.addi %rem3A_109, %select_n3A_108 : i32
    %select_n3A_119 = arith.select %and3A_117, %add3A_118, %rem3A_109 : i32
    %eq3A_120 = arith.constant 1 : i32
    %eq3A_121 = arith.cmpi eq, %select_n3A_119, %eq3A_120 : i32
    %and3A_122 = arith.andi %ge3A_101, %eq3A_121 : i1
    %convert_element_type3A_123 = arith.extui %and3A_122 : i1 to i32
    %cond3A_124 = arith.constant 0 : i32
    %cond3A_125 = arith.cmpi ne, %convert_element_type3A_123, %cond3A_124 : i32
    scf.if %cond3A_125 {
      %dma_wait3A = arith.constant 0 : i32
      %dma_wait3A_126 = arith.constant 0 : i32
      %dma_wait3A_127 = tpu.memref_slice %arg6[%dma_wait3A, %dma_wait3A_126] : memref<160000x128xf32, #tpu.memory_space<hbm>> -> memref<128x128xf32, #tpu.memory_space<hbm>>
      %dma_wait3A_128 = arith.constant 0 : i32
      %dma_wait3A_129 = arith.constant 0 : i32
      %dma_wait3A_130 = tpu.memref_slice %arg6[%dma_wait3A_128, %dma_wait3A_129] : memref<160000x128xf32, #tpu.memory_space<hbm>> -> memref<128x128xf32, #tpu.memory_space<hbm>>
      tpu.wait_dma2 semaphore(%arg19 : memref<!tpu.dma_semaphore, #tpu.memory_space<semaphore_mem>>) src(%arg14 : memref<128x128xf32, #tpu.memory_space<vmem>>) dst(%dma_wait3A_130 : memref<128x128xf32, #tpu.memory_space<hbm>>)
      %dma_wait3A_131 = arith.constant 0 : i32
      %dma_wait3A_132 = arith.constant 0 : i32
      %dma_wait3A_133 = tpu.memref_slice %arg7[%dma_wait3A_131, %dma_wait3A_132] : memref<160000x128xf32, #tpu.memory_space<hbm>> -> memref<128x128xf32, #tpu.memory_space<hbm>>
      %dma_wait3A_134 = arith.constant 0 : i32
      %dma_wait3A_135 = arith.constant 0 : i32
      %dma_wait3A_136 = tpu.memref_slice %arg7[%dma_wait3A_134, %dma_wait3A_135] : memref<160000x128xf32, #tpu.memory_space<hbm>> -> memref<128x128xf32, #tpu.memory_space<hbm>>
      tpu.wait_dma2 semaphore(%arg19 : memref<!tpu.dma_semaphore, #tpu.memory_space<semaphore_mem>>) src(%arg15 : memref<128x128xf32, #tpu.memory_space<vmem>>) dst(%dma_wait3A_136 : memref<128x128xf32, #tpu.memory_space<hbm>>)
    } else {
    }
    return
  }
}

module attributes {stable_mosaic.version = 14 : i64} {
  func.func @_pre_body(%arg0: memref<10000x128xf32, #tpu.memory_space<vmem>>, %arg1: memref<10000x3xf32, #tpu.memory_space<vmem>>, %arg2: memref<128x64xf32, #tpu.memory_space<vmem>>, %arg3: memref<128x64xf32, #tpu.memory_space<vmem>>, %arg4: memref<10000x128xf32, #tpu.memory_space<vmem>>, %arg5: memref<10000x128xf32, #tpu.memory_space<vmem>>) attributes {dimension_semantics = [], scalar_prefetch = 0 : i64, scratch_operands = 0 : i64, tpu.core_type = #tpu.core_type<tc>} {
    %get3A = arith.constant 0 : index
    %get3A_0 = arith.constant 0 : index
    %get3A_1 = vector.load %arg0[%get3A, %get3A_0] : memref<10000x128xf32, #tpu.memory_space<vmem>>, vector<10000x128xf32>
    %get3A_2 = arith.constant 0 : index
    %get3A_3 = arith.constant 0 : index
    %get3A_4 = vector.load %arg1[%get3A_2, %get3A_3] : memref<10000x3xf32, #tpu.memory_space<vmem>>, vector<10000x3xf32>
    %broadcast_in_dim3A = arith.constant 0.000000e+00 : f32
    %broadcast_in_dim3A_5 = vector.broadcast %broadcast_in_dim3A : f32 to vector<10000x61xf32>
    %get3A_6 = arith.constant 0 : index
    %get3A_7 = arith.constant 0 : index
    %get3A_8 = vector.load %arg2[%get3A_6, %get3A_7] : memref<128x64xf32, #tpu.memory_space<vmem>>, vector<128x64xf32>
    %dot_general3A = arith.constant dense<0.000000e+00> : vector<10000x64xf32>
    %dot_general3A_9 = tpu.matmul %get3A_1, %get3A_8, %dot_general3A {dimension_numbers = #tpu.dot_dimension_numbers<[1], [0], [0], [1], [0, 0, 1, 1], [], []>, transpose_lhs_hint = false} : vector<10000x128xf32>, vector<128x64xf32>, vector<10000x64xf32> -> vector<10000x64xf32>
    %get3A_10 = arith.constant 0 : index
    %get3A_11 = arith.constant 0 : index
    %get3A_12 = vector.load %arg3[%get3A_10, %get3A_11] : memref<128x64xf32, #tpu.memory_space<vmem>>, vector<128x64xf32>
    %dot_general3A_13 = arith.constant dense<0.000000e+00> : vector<10000x64xf32>
    %dot_general3A_14 = tpu.matmul %get3A_1, %get3A_12, %dot_general3A_13 {dimension_numbers = #tpu.dot_dimension_numbers<[1], [0], [0], [1], [0, 0, 1, 1], [], []>, transpose_lhs_hint = false} : vector<10000x128xf32>, vector<128x64xf32>, vector<10000x64xf32> -> vector<10000x64xf32>
    %concatenate3A = tpu.concatenate %dot_general3A_9, %get3A_4, %broadcast_in_dim3A_5 in 1 : vector<10000x64xf32>, vector<10000x3xf32>, vector<10000x61xf32> -> vector<10000x128xf32>
    %swap3A = arith.constant 0 : index
    %swap3A_15 = arith.constant 0 : index
    %swap3A_16 = vector.load %arg4[%swap3A, %swap3A_15] : memref<10000x128xf32, #tpu.memory_space<vmem>>, vector<10000x128xf32>
    tpu.vector_store %arg4[%swap3A, %swap3A_15], %concatenate3A {strides = array<i32>} : memref<10000x128xf32, #tpu.memory_space<vmem>>, vector<10000x128xf32>,
    %neg3A = arith.constant 0.000000e+00 : f32
    %neg3A_17 = vector.broadcast %neg3A : f32 to vector<10000x3xf32>
    %neg3A_18 = arith.subf %neg3A_17, %get3A_4 : vector<10000x3xf32>
    %concatenate3A_19 = tpu.concatenate %dot_general3A_14, %neg3A_18, %broadcast_in_dim3A_5 in 1 : vector<10000x64xf32>, vector<10000x3xf32>, vector<10000x61xf32> -> vector<10000x128xf32>
    %swap3A_20 = arith.constant 0 : index
    %swap3A_21 = arith.constant 0 : index
    %swap3A_22 = vector.load %arg5[%swap3A_20, %swap3A_21] : memref<10000x128xf32, #tpu.memory_space<vmem>>, vector<10000x128xf32>
    tpu.vector_store %arg5[%swap3A_20, %swap3A_21], %concatenate3A_19 {strides = array<i32>} : memref<10000x128xf32, #tpu.memory_space<vmem>>, vector<10000x128xf32>,
    return
  }
}

module attributes {stable_mosaic.version = 14 : i64} {
  func.func @_edge_body(%arg0: i32, %arg1: memref<2000x128xf32, #tpu.memory_space<vmem>>, %arg2: memref<2000x128xf32, #tpu.memory_space<vmem>>, %arg3: memref<2000x16xf32, #tpu.memory_space<vmem>>, %arg4: memref<16x128xf32, #tpu.memory_space<vmem>>, %arg5: memref<1x128xf32, #tpu.memory_space<vmem>>, %arg6: memref<1x128xf32, #tpu.memory_space<vmem>>, %arg7: memref<128x128xf32, #tpu.memory_space<vmem>>, %arg8: memref<64x64xf32, #tpu.memory_space<vmem>>, %arg9: memref<1x64xf32, #tpu.memory_space<vmem>>, %arg10: memref<64x128xf32, #tpu.memory_space<vmem>>, %arg11: memref<64x128xf32, #tpu.memory_space<vmem>>, %arg12: memref<2000x128xf32, #tpu.memory_space<vmem>>) attributes {dimension_semantics = [#tpu.dimension_semantics<arbitrary>], iteration_bounds = array<i64: 80>, scalar_prefetch = 0 : i64, scratch_operands = 0 : i64, tpu.core_type = #tpu.core_type<tc>, window_params = [{transform_indices = @transform_0, window_bounds = array<i64: 2000, 128>}, {transform_indices = @transform_1, window_bounds = array<i64: 2000, 128>}, {transform_indices = @transform_2, window_bounds = array<i64: 2000, 16>}, {pipeline_mode = #tpu.pipeline_mode<synchronous>, transform_indices = @transform_3, window_bounds = array<i64: 16, 128>}, {pipeline_mode = #tpu.pipeline_mode<synchronous>, transform_indices = @transform_4, window_bounds = array<i64: 1, 128>}, {pipeline_mode = #tpu.pipeline_mode<synchronous>, transform_indices = @transform_5, window_bounds = array<i64: 1, 128>}, {pipeline_mode = #tpu.pipeline_mode<synchronous>, transform_indices = @transform_6, window_bounds = array<i64: 128, 128>}, {pipeline_mode = #tpu.pipeline_mode<synchronous>, transform_indices = @transform_7, window_bounds = array<i64: 64, 64>}, {pipeline_mode = #tpu.pipeline_mode<synchronous>, transform_indices = @transform_8, window_bounds = array<i64: 1, 64>}, {pipeline_mode = #tpu.pipeline_mode<synchronous>, transform_indices = @transform_9, window_bounds = array<i64: 64, 128>}, {pipeline_mode = #tpu.pipeline_mode<synchronous>, transform_indices = @transform_10, window_bounds = array<i64: 64, 128>}, {transform_indices = @transform_11, window_bounds = array<i64: 2000, 128>}]} {
    %get3A = arith.constant 0 : index
    %get3A_0 = arith.constant 0 : index
    %get3A_1 = vector.load %arg1[%get3A, %get3A_0] : memref<2000x128xf32, #tpu.memory_space<vmem>>, vector<2000x128xf32>
    %get3A_2 = arith.constant 0 : index
    %get3A_3 = arith.constant 0 : index
    %get3A_4 = vector.load %arg2[%get3A_2, %get3A_3] : memref<2000x128xf32, #tpu.memory_space<vmem>>, vector<2000x128xf32>
    %add3A = arith.addf %get3A_1, %get3A_4 : vector<2000x128xf32>
    %mul3A = arith.mulf %add3A, %add3A : vector<2000x128xf32>
    %get3A_5 = arith.constant 0 : index
    %get3A_6 = arith.constant 0 : index
    %get3A_7 = vector.load %arg7[%get3A_5, %get3A_6] : memref<128x128xf32, #tpu.memory_space<vmem>>, vector<128x128xf32>
    %dot_general3A = arith.constant dense<0.000000e+00> : vector<2000x128xf32>
    %dot_general3A_8 = tpu.matmul %mul3A, %get3A_7, %dot_general3A {dimension_numbers = #tpu.dot_dimension_numbers<[1], [0], [0], [1], [0, 0, 1, 1], [], []>, transpose_lhs_hint = false} : vector<2000x128xf32>, vector<128x128xf32>, vector<2000x128xf32> -> vector<2000x128xf32>
    %jit3A = arith.constant 9.99999996E-13 : f32
    %max3A = vector.broadcast %jit3A : f32 to vector<2000x128xf32>
    %max3A_9 = arith.maximumf %max3A, %dot_general3A_8 : vector<2000x128xf32>
    %get3A_10 = arith.constant 0 : index
    %get3A_11 = arith.constant 0 : index
    %get3A_12 = vector.load %arg6[%get3A_10, %get3A_11] : memref<1x128xf32, #tpu.memory_space<vmem>>, vector<1x128xf32>
    %mul3A_13 = vector.broadcast %get3A_12 : vector<1x128xf32> to vector<2000x128xf32>
    %mul3A_14 = arith.mulf %max3A_9, %mul3A_13 : vector<2000x128xf32>
    %add3A_15 = arith.addf %add3A, %mul3A_14 : vector<2000x128xf32>
    %get3A_16 = arith.constant 0 : index
    %get3A_17 = arith.constant 0 : index
    %get3A_18 = vector.load %arg5[%get3A_16, %get3A_17] : memref<1x128xf32, #tpu.memory_space<vmem>>, vector<1x128xf32>
    %add3A_19 = vector.broadcast %get3A_18 : vector<1x128xf32> to vector<2000x128xf32>
    %add3A_20 = arith.addf %add3A_15, %add3A_19 : vector<2000x128xf32>
    %get3A_21 = arith.constant 0 : index
    %get3A_22 = arith.constant 0 : index
    %get3A_23 = vector.load %arg3[%get3A_21, %get3A_22] : memref<2000x16xf32, #tpu.memory_space<vmem>>, vector<2000x16xf32>
    %get3A_24 = arith.constant 0 : index
    %get3A_25 = arith.constant 0 : index
    %get3A_26 = vector.load %arg4[%get3A_24, %get3A_25] : memref<16x128xf32, #tpu.memory_space<vmem>>, vector<16x128xf32>
    %dot_general3A_27 = arith.constant dense<0.000000e+00> : vector<2000x128xf32>
    %dot_general3A_28 = tpu.matmul %get3A_23, %get3A_26, %dot_general3A_27 {dimension_numbers = #tpu.dot_dimension_numbers<[1], [0], [0], [1], [0, 0, 1, 1], [], []>, transpose_lhs_hint = false} : vector<2000x16xf32>, vector<16x128xf32>, vector<2000x128xf32> -> vector<2000x128xf32>
    %add3A_29 = arith.addf %add3A_20, %dot_general3A_28 : vector<2000x128xf32>
    %slice3A = vector.extract_strided_slice %add3A_29 {offsets = [0, 0], sizes = [2000, 64], strides = [1, 1]} : vector<2000x128xf32> to vector<2000x64xf32>
    %logistic3A = arith.negf %slice3A : vector<2000x64xf32>
    %logistic3A_30 = math.exp %logistic3A : vector<2000x64xf32>
    %logistic3A_31 = arith.constant 1.000000e+00 : f32
    %logistic3A_32 = vector.broadcast %logistic3A_31 : f32 to vector<2000x64xf32>
    %logistic3A_33 = arith.addf %logistic3A_32, %logistic3A_30 : vector<2000x64xf32>
    %logistic3A_34 = arith.divf %logistic3A_32, %logistic3A_33 : vector<2000x64xf32>
    %mul3A_35 = arith.mulf %slice3A, %logistic3A_34 : vector<2000x64xf32>
    %get3A_36 = arith.constant 0 : index
    %get3A_37 = arith.constant 0 : index
    %get3A_38 = vector.load %arg8[%get3A_36, %get3A_37] : memref<64x64xf32, #tpu.memory_space<vmem>>, vector<64x64xf32>
    %dot_general3A_39 = arith.constant dense<0.000000e+00> : vector<2000x64xf32>
    %dot_general3A_40 = tpu.matmul %mul3A_35, %get3A_38, %dot_general3A_39 {dimension_numbers = #tpu.dot_dimension_numbers<[1], [0], [0], [1], [0, 0, 1, 1], [], []>, transpose_lhs_hint = false} : vector<2000x64xf32>, vector<64x64xf32>, vector<2000x64xf32> -> vector<2000x64xf32>
    %get3A_41 = arith.constant 0 : index
    %get3A_42 = arith.constant 0 : index
    %get3A_43 = vector.load %arg9[%get3A_41, %get3A_42] : memref<1x64xf32, #tpu.memory_space<vmem>>, vector<1x64xf32>
    %add3A_44 = vector.broadcast %get3A_43 : vector<1x64xf32> to vector<2000x64xf32>
    %add3A_45 = arith.addf %dot_general3A_40, %add3A_44 : vector<2000x64xf32>
    %logistic3A_46 = arith.negf %add3A_45 : vector<2000x64xf32>
    %logistic3A_47 = math.exp %logistic3A_46 : vector<2000x64xf32>
    %logistic3A_48 = arith.constant 1.000000e+00 : f32
    %logistic3A_49 = vector.broadcast %logistic3A_48 : f32 to vector<2000x64xf32>
    %logistic3A_50 = arith.addf %logistic3A_49, %logistic3A_47 : vector<2000x64xf32>
    %logistic3A_51 = arith.divf %logistic3A_49, %logistic3A_50 : vector<2000x64xf32>
    %mul3A_52 = arith.mulf %add3A_45, %logistic3A_51 : vector<2000x64xf32>
    %sqrt3A = math.sqrt %max3A_9 : vector<2000x128xf32>
    %add3A_53 = arith.constant 9.99999993E-9 : f32
    %add3A_54 = vector.broadcast %add3A_53 : f32 to vector<2000x128xf32>
    %add3A_55 = arith.addf %sqrt3A, %add3A_54 : vector<2000x128xf32>
    %div3A = arith.constant 1.000000e+00 : f32
    %div3A_56 = vector.broadcast %div3A : f32 to vector<2000x128xf32>
    %div3A_57 = arith.divf %div3A_56, %add3A_55 : vector<2000x128xf32>
    %get3A_58 = arith.constant 0 : index
    %get3A_59 = arith.constant 0 : index
    %get3A_60 = vector.load %arg11[%get3A_58, %get3A_59] : memref<64x128xf32, #tpu.memory_space<vmem>>, vector<64x128xf32>
    %dot_general3A_61 = arith.constant dense<0.000000e+00> : vector<2000x128xf32>
    %dot_general3A_62 = tpu.matmul %mul3A_52, %get3A_60, %dot_general3A_61 {dimension_numbers = #tpu.dot_dimension_numbers<[1], [0], [0], [1], [0, 0, 1, 1], [], []>, transpose_lhs_hint = false} : vector<2000x64xf32>, vector<64x128xf32>, vector<2000x128xf32> -> vector<2000x128xf32>
    %mul3A_63 = arith.mulf %dot_general3A_62, %div3A_57 : vector<2000x128xf32>
    %mul3A_64 = arith.mulf %mul3A_63, %add3A : vector<2000x128xf32>
    %get3A_65 = arith.constant 0 : index
    %get3A_66 = arith.constant 0 : index
    %get3A_67 = vector.load %arg10[%get3A_65, %get3A_66] : memref<64x128xf32, #tpu.memory_space<vmem>>, vector<64x128xf32>
    %dot_general3A_68 = arith.constant dense<0.000000e+00> : vector<2000x128xf32>
    %dot_general3A_69 = tpu.matmul %mul3A_52, %get3A_67, %dot_general3A_68 {dimension_numbers = #tpu.dot_dimension_numbers<[1], [0], [0], [1], [0, 0, 1, 1], [], []>, transpose_lhs_hint = false} : vector<2000x64xf32>, vector<64x128xf32>, vector<2000x128xf32> -> vector<2000x128xf32>
    %add3A_70 = arith.addf %dot_general3A_69, %mul3A_64 : vector<2000x128xf32>
    %swap3A = arith.constant 0 : index
    %swap3A_71 = arith.constant 0 : index
    %swap3A_72 = vector.load %arg12[%swap3A, %swap3A_71] : memref<2000x128xf32, #tpu.memory_space<vmem>>, vector<2000x128xf32>
    tpu.vector_store %arg12[%swap3A, %swap3A_71], %add3A_70 {strides = array<i32>} : memref<2000x128xf32, #tpu.memory_space<vmem>>, vector<2000x128xf32>,
    return
  }
  func.func @transform_0(%arg0: i32) -> (i32, i32) {
    %c0_i32 = arith.constant 0 : i32
    %c0_i32_0 = arith.constant 0 : i32
    return %arg0, %c0_i32 : i32, i32
  }
  func.func @transform_1(%arg0: i32) -> (i32, i32) {
    %c0_i32 = arith.constant 0 : i32
    %c0_i32_0 = arith.constant 0 : i32
    return %arg0, %c0_i32 : i32, i32
  }
  func.func @transform_2(%arg0: i32) -> (i32, i32) {
    %c0_i32 = arith.constant 0 : i32
    %c0_i32_0 = arith.constant 0 : i32
    return %arg0, %c0_i32 : i32, i32
  }
  func.func @transform_3(%arg0: i32) -> (i32, i32) {
    %c0_i32 = arith.constant 0 : i32
    %c0_i32_0 = arith.constant 0 : i32
    %c0_i32_1 = arith.constant 0 : i32
    return %c0_i32, %c0_i32_0 : i32, i32
  }
  func.func @transform_4(%arg0: i32) -> (i32, i32) {
    %c0_i32 = arith.constant 0 : i32
    %c0_i32_0 = arith.constant 0 : i32
    %c0_i32_1 = arith.constant 0 : i32
    return %c0_i32, %c0_i32_0 : i32, i32
  }
  func.func @transform_5(%arg0: i32) -> (i32, i32) {
    %c0_i32 = arith.constant 0 : i32
    %c0_i32_0 = arith.constant 0 : i32
    %c0_i32_1 = arith.constant 0 : i32
    return %c0_i32, %c0_i32_0 : i32, i32
  }
  func.func @transform_6(%arg0: i32) -> (i32, i32) {
    %c0_i32 = arith.constant 0 : i32
    %c0_i32_0 = arith.constant 0 : i32
    %c0_i32_1 = arith.constant 0 : i32
    return %c0_i32, %c0_i32_0 : i32, i32
  }
  func.func @transform_7(%arg0: i32) -> (i32, i32) {
    %c0_i32 = arith.constant 0 : i32
    %c0_i32_0 = arith.constant 0 : i32
    %c0_i32_1 = arith.constant 0 : i32
    return %c0_i32, %c0_i32_0 : i32, i32
  }
  func.func @transform_8(%arg0: i32) -> (i32, i32) {
    %c0_i32 = arith.constant 0 : i32
    %c0_i32_0 = arith.constant 0 : i32
    %c0_i32_1 = arith.constant 0 : i32
    return %c0_i32, %c0_i32_0 : i32, i32
  }
  func.func @transform_9(%arg0: i32) -> (i32, i32) {
    %c0_i32 = arith.constant 0 : i32
    %c0_i32_0 = arith.constant 0 : i32
    %c0_i32_1 = arith.constant 0 : i32
    return %c0_i32, %c0_i32_0 : i32, i32
  }
  func.func @transform_10(%arg0: i32) -> (i32, i32) {
    %c0_i32 = arith.constant 0 : i32
    %c0_i32_0 = arith.constant 0 : i32
    %c0_i32_1 = arith.constant 0 : i32
    return %c0_i32, %c0_i32_0 : i32, i32
  }
  func.func @transform_11(%arg0: i32) -> (i32, i32) {
    %c0_i32 = arith.constant 0 : i32
    %c0_i32_0 = arith.constant 0 : i32
    return %arg0, %c0_i32 : i32, i32
  }
}

module attributes {stable_mosaic.version = 14 : i64} {
  func.func @_node_body(%arg0: memref<10000x128xf32, #tpu.memory_space<vmem>>, %arg1: memref<10000x3xf32, #tpu.memory_space<vmem>>, %arg2: memref<2x10240x128xf32, #tpu.memory_space<vmem>>, %arg3: memref<128x128xf32, #tpu.memory_space<vmem>>, %arg4: memref<64x128xf32, #tpu.memory_space<vmem>>, %arg5: memref<1x128xf32, #tpu.memory_space<vmem>>, %arg6: memref<128x128xf32, #tpu.memory_space<vmem>>, %arg7: memref<1x128xf32, #tpu.memory_space<vmem>>, %arg8: memref<10000x128xf32, #tpu.memory_space<vmem>>, %arg9: memref<10000x3xf32, #tpu.memory_space<vmem>>) attributes {dimension_semantics = [], scalar_prefetch = 0 : i64, scratch_operands = 0 : i64, tpu.core_type = #tpu.core_type<tc>} {
    %get3A = arith.constant 0 : index
    %get3A_0 = arith.constant 0 : index
    %get3A_1 = vector.load %arg0[%get3A, %get3A_0] : memref<10000x128xf32, #tpu.memory_space<vmem>>, vector<10000x128xf32>
    %get3A_2 = arith.constant 0 : index
    %get3A_3 = arith.constant 0 : index
    %get3A_4 = arith.constant 0 : index
    %get3A_5 = vector.load %arg2[%get3A_2, %get3A_3, %get3A_4] : memref<2x10240x128xf32, #tpu.memory_space<vmem>>, vector<1x10000x64xf32>
    %get3A_6 = vector.shape_cast %get3A_5 : vector<1x10000x64xf32> to vector<10000x64xf32>
    %get3A_7 = arith.constant 1 : index
    %get3A_8 = arith.constant 0 : index
    %get3A_9 = arith.constant 0 : index
    %get3A_10 = vector.load %arg2[%get3A_7, %get3A_8, %get3A_9] : memref<2x10240x128xf32, #tpu.memory_space<vmem>>, vector<1x10000x64xf32>
    %get3A_11 = vector.shape_cast %get3A_10 : vector<1x10000x64xf32> to vector<10000x64xf32>
    %add3A = arith.addf %get3A_6, %get3A_11 : vector<10000x64xf32>
    %get3A_12 = arith.constant 0 : index
    %get3A_13 = arith.constant 0 : index
    %get3A_14 = arith.constant 64 : index
    %get3A_15 = vector.load %arg2[%get3A_12, %get3A_13, %get3A_14] : memref<2x10240x128xf32, #tpu.memory_space<vmem>>, vector<1x10000x3xf32>
    %get3A_16 = vector.shape_cast %get3A_15 : vector<1x10000x3xf32> to vector<10000x3xf32>
    %get3A_17 = arith.constant 1 : index
    %get3A_18 = arith.constant 0 : index
    %get3A_19 = arith.constant 64 : index
    %get3A_20 = vector.load %arg2[%get3A_17, %get3A_18, %get3A_19] : memref<2x10240x128xf32, #tpu.memory_space<vmem>>, vector<1x10000x3xf32>
    %get3A_21 = vector.shape_cast %get3A_20 : vector<1x10000x3xf32> to vector<10000x3xf32>
    %add3A_22 = arith.addf %get3A_16, %get3A_21 : vector<10000x3xf32>
    %get3A_23 = arith.constant 0 : index
    %get3A_24 = arith.constant 0 : index
    %get3A_25 = vector.load %arg3[%get3A_23, %get3A_24] : memref<128x128xf32, #tpu.memory_space<vmem>>, vector<128x128xf32>
    %dot_general3A = arith.constant dense<0.000000e+00> : vector<10000x128xf32>
    %dot_general3A_26 = tpu.matmul %get3A_1, %get3A_25, %dot_general3A {dimension_numbers = #tpu.dot_dimension_numbers<[1], [0], [0], [1], [0, 0, 1, 1], [], []>, transpose_lhs_hint = false} : vector<10000x128xf32>, vector<128x128xf32>, vector<10000x128xf32> -> vector<10000x128xf32>
    %get3A_27 = arith.constant 0 : index
    %get3A_28 = arith.constant 0 : index
    %get3A_29 = vector.load %arg4[%get3A_27, %get3A_28] : memref<64x128xf32, #tpu.memory_space<vmem>>, vector<64x128xf32>
    %dot_general3A_30 = arith.constant dense<0.000000e+00> : vector<10000x128xf32>
    %dot_general3A_31 = tpu.matmul %add3A, %get3A_29, %dot_general3A_30 {dimension_numbers = #tpu.dot_dimension_numbers<[1], [0], [0], [1], [0, 0, 1, 1], [], []>, transpose_lhs_hint = false} : vector<10000x64xf32>, vector<64x128xf32>, vector<10000x128xf32> -> vector<10000x128xf32>
    %add3A_32 = arith.addf %dot_general3A_26, %dot_general3A_31 : vector<10000x128xf32>
    %get3A_33 = arith.constant 0 : index
    %get3A_34 = arith.constant 0 : index
    %get3A_35 = vector.load %arg5[%get3A_33, %get3A_34] : memref<1x128xf32, #tpu.memory_space<vmem>>, vector<1x128xf32>
    %add3A_36 = vector.broadcast %get3A_35 : vector<1x128xf32> to vector<10000x128xf32>
    %add3A_37 = arith.addf %add3A_32, %add3A_36 : vector<10000x128xf32>
    %logistic3A = arith.negf %add3A_37 : vector<10000x128xf32>
    %logistic3A_38 = math.exp %logistic3A : vector<10000x128xf32>
    %logistic3A_39 = arith.constant 1.000000e+00 : f32
    %logistic3A_40 = vector.broadcast %logistic3A_39 : f32 to vector<10000x128xf32>
    %logistic3A_41 = arith.addf %logistic3A_40, %logistic3A_38 : vector<10000x128xf32>
    %logistic3A_42 = arith.divf %logistic3A_40, %logistic3A_41 : vector<10000x128xf32>
    %mul3A = arith.mulf %add3A_37, %logistic3A_42 : vector<10000x128xf32>
    %get3A_43 = arith.constant 0 : index
    %get3A_44 = arith.constant 0 : index
    %get3A_45 = vector.load %arg6[%get3A_43, %get3A_44] : memref<128x128xf32, #tpu.memory_space<vmem>>, vector<128x128xf32>
    %dot_general3A_46 = arith.constant dense<0.000000e+00> : vector<10000x128xf32>
    %dot_general3A_47 = tpu.matmul %mul3A, %get3A_45, %dot_general3A_46 {dimension_numbers = #tpu.dot_dimension_numbers<[1], [0], [0], [1], [0, 0, 1, 1], [], []>, transpose_lhs_hint = false} : vector<10000x128xf32>, vector<128x128xf32>, vector<10000x128xf32> -> vector<10000x128xf32>
    %add3A_48 = arith.addf %get3A_1, %dot_general3A_47 : vector<10000x128xf32>
    %get3A_49 = arith.constant 0 : index
    %get3A_50 = arith.constant 0 : index
    %get3A_51 = vector.load %arg7[%get3A_49, %get3A_50] : memref<1x128xf32, #tpu.memory_space<vmem>>, vector<1x128xf32>
    %add3A_52 = vector.broadcast %get3A_51 : vector<1x128xf32> to vector<10000x128xf32>
    %add3A_53 = arith.addf %add3A_48, %add3A_52 : vector<10000x128xf32>
    %swap3A = arith.constant 0 : index
    %swap3A_54 = arith.constant 0 : index
    %swap3A_55 = vector.load %arg8[%swap3A, %swap3A_54] : memref<10000x128xf32, #tpu.memory_space<vmem>>, vector<10000x128xf32>
    tpu.vector_store %arg8[%swap3A, %swap3A_54], %add3A_53 {strides = array<i32>} : memref<10000x128xf32, #tpu.memory_space<vmem>>, vector<10000x128xf32>,
    %get3A_56 = arith.constant 0 : index
    %get3A_57 = arith.constant 0 : index
    %get3A_58 = vector.load %arg1[%get3A_56, %get3A_57] : memref<10000x3xf32, #tpu.memory_space<vmem>>, vector<10000x3xf32>
    %add3A_59 = arith.addf %get3A_58, %add3A_22 : vector<10000x3xf32>
    %swap3A_60 = arith.constant 0 : index
    %swap3A_61 = arith.constant 0 : index
    %swap3A_62 = vector.load %arg9[%swap3A_60, %swap3A_61] : memref<10000x3xf32, #tpu.memory_space<vmem>>, vector<10000x3xf32>
    tpu.vector_store %arg9[%swap3A_60, %swap3A_61], %add3A_59 {strides = array<i32>} : memref<10000x3xf32, #tpu.memory_space<vmem>>, vector<10000x3xf32>,
    return
  }
}

</mosaic_0001>

<sc_bundles>
// kernel: kernel.10.cloned.1.call-start
scs
__scs_entry_jumppad:
0x0: {  	(pc) =	sbr.rel $0x88, $3  }
0x1: {  	(tag) =	ssettag $0x0;
	lr =	simm.s32 $0x1  }
0x2: {  	[smem:$0x3F94] =	sst lr;
	_ =	strace $0xD0000000  }
0x3: {  	_ = 	snop  }
0x4: {  	_ = 	snop  }
0x5: {  	_ = 	snop  }
0x6: {  	_ = 	snop  }
0x7: {  	_ = 	snop  }
__scs_overlays_trampoline_lowered:
0x8: {  	[smem:$0x3FA3] =	sst s0  }
0x9: {  	[smem:$0x3FA4] =	sst s1  }
0xa: {  	[smem:$0x3FA5] =	sst s2  }
0xb: {  	[smem:$0x3FA6] =	sst s3  }
0xc: {  	[smem:$0x3FA7] =	sst s4  }
0xd: {  	[smem:$0x3FA8] =	sst s5  }
0xe: {  	[smem:$0x3FA9] =	sst s6  }
0xf: {  	[smem:$0x3FAA] =	sst s7  }
0x10: {  	[smem:$0x3FAB] =	sst s8  }
0x11: {  	[smem:$0x3FAC] =	sst s9;
	s0 =	simm.s32 @!p0 $0x0  }
0x12: {  	s1 =	sld [smem:$0x3F92];
	s0 =	simm.s32 @p0 $0x1  }
0x13: {  	[smem:$0x3FAD] =	sst s0;
	s0 =	simm.s32 @!p1 $0x0  }
0x14: {  	s2 =	sld [smem:$0x3F91];
	s0 =	simm.s32 @p1 $0x1  }
0x15: {  	[smem:$0x3FAE] =	sst s0;
	s0 =	simm.s32 @!p2 $0x0  }
0x16: {  	s3 =	sld [smem:$0x3FDB];
	s0 =	simm.s32 @p2 $0x1  }
0x17: {  	s4 =	simm.s32 $0x1BF5;
	[smem:$0x3FB0] =	sst s0  }
0x18: {  	s0 =	sld [smem:$0x3F93];
	_ =	swait.ge [sflag:s4], $0x0  }
0x19: {  	s7 =	sld [smem:$0x3F94]  }
0x1a: {  	s8 =	sadd.s32 $0xFFFFE003, lr  }
0x1b: {  	s9 =	sadd.s32 $0xFFFFFEF7, lr;
	s5 =	simm.s32 $0xFFFFFFFF;
	p2 =	slt.u32 s8, $0xFFFFF086  }
0x1c: {  	p1 =	slt.u32 s9, $0xF7A;
	s5 =	simm.s32 @!p2 $0x0  }
0x1d: {  	s5 =	simm.s32 @p1 $0x1;
	p0 =	seq.s32 s7, s2  }
0x1e: {  	s7 =	smul.u32 @!p0 $0xF7A, s2;
	p2 =	seq.s32 @!p0 s5, $0x0  }
0x1f: {  	s9 =	smul.u32 $0xF7A, s1;
	s8 =	simm.s32 @!p0 $0x1BF5;
	p2 =	por !p2, p0  }
0x20: {  	[sflag:s8] =	ssyncset.s32 @!p0 $0xFFFFF086;
	s6 =	sadd.s32 @!p0 s3, s7;
	s7 =	simm.s32 @!p0 $0x108  }
0x21: {  	s3 =	sadd.s32 s3, s9;
	s6 =	sadd.s32 @!p0 $0x88, s6;
	s7 =	simm.s32 @p2 $0x1082  }
0x22: {  	[simem:s7], [sflag:s8] =	dma.local @!p0 [hbm:s6], $0xF7A  }
0x23: {  	s9 =	sor.u32 $0xD0000000, s2;
	s6 =	simm.s32 $0x108;
	_ =	swait.ge @!p0 [sflag:s8], $0x0  }
0x24: {  	s3 =	sadd.s32 $0x88, s3;
	s6 =	simm.s32 @!p1 $0x1082;
	[sflag:s4] =	ssyncset.s32 $0xFFFFF086  }
0x25: {  	[simem:s6], [sflag:s4] =	dma.local [hbm:s3], $0xF7A  }
0x26: {  	[smem:$0x3F94] =	sst s1;
	(tag) =	ssettag s2;
	_ =	strace s9  }
0x27: {  	s1 =	sld [smem:$0x3FA4]  }
0x28: {  	s2 =	sld [smem:$0x3FA5]  }
0x29: {  	s4 =	sld [smem:$0x3FA7]  }
0x2a: {  	p0 =	seq.s32 s5, $0x0;
	s5 =	sld [smem:$0x3FA8]  }
0x2b: {  	s6 =	sld [smem:$0x3FA9]  }
0x2c: {  	s7 =	sld [smem:$0x3FAA]  }
0x2d: {  	s3 =	simm.s32 $0x108;
	s8 =	sld [smem:$0x3FAB]  }
0x2e: {  	s3 =	simm.s32 @!p0 $0x1082;
	s9 =	sld [smem:$0x3FAC]  }
0x2f: {  	lr =	sadd.s32 s0, s3;
	s0 =	sld [smem:$0x3FA3]  }
0x30: {  	s3 =	sld [smem:$0x3FA6]  }
0x31: {  	[smem:$0x3FAF] =	sst s10  }
0x32: {  	s10 =	sld [smem:$0x3FAD];
	_ =	sdelay $0x3  }
0x33: {  	p0 =	seq.s32 s10, $0x1;
	s10 =	sld [smem:$0x3FAF];
	_ =	sdelay $0x3  }
0x34: {  	[smem:$0x3FAF] =	sst s10  }
0x35: {  	s10 =	sld [smem:$0x3FAE];
	_ =	sdelay $0x3  }
0x36: {  	p1 =	seq.s32 s10, $0x1;
	s10 =	sld [smem:$0x3FAF];
	_ =	sdelay $0x3  }
0x37: {  	[smem:$0x3FAF] =	sst s10  }
0x38: {  	s10 =	sld [smem:$0x3FB0]  }
0x39: {  	_ = 	snop;
	(pc) =	sbr.ind lr, $3  }
0x3a: {  	_ = 	snop  }
0x3b: {  	_ = 	snop  }
0x3c: {  	p2 =	seq.s32 s10, $0x1;
	s10 =	sld [smem:$0x3FAF]  }
0x3d: {  	_ =	shalt  }
0x3e: {  	_ =	shalt  }
0x3f: {  	_ =	shalt  }
0x40: {  	_ =	shalt  }
0x41: {  	_ =	shalt  }
0x42: {  	_ =	shalt  }
0x43: {  	_ =	shalt  }
0x44: {  	_ =	shalt  }
0x45: {  	_ =	shalt  }
0x46: {  	_ =	shalt  }
0x47: {  	_ =	shalt  }
0x48: {  	_ =	shalt  }
0x49: {  	_ =	shalt  }
0x4a: {  	_ =	shalt  }
0x4b: {  	_ =	shalt  }
0x4c: {  	_ =	shalt  }
0x4d: {  	_ =	shalt  }
0x4e: {  	_ =	shalt  }
0x4f: {  	_ =	shalt  }
0x50: {  	_ =	shalt  }
0x51: {  	_ =	shalt  }
0x52: {  	_ =	shalt  }
0x53: {  	_ =	shalt  }
0x54: {  	_ =	shalt  }
0x55: {  	_ =	shalt  }
0x56: {  	_ =	shalt  }
0x57: {  	_ =	shalt  }
0x58: {  	_ =	shalt  }
0x59: {  	_ =	shalt  }
0x5a: {  	_ =	shalt  }
0x5b: {  	_ =	shalt  }
0x5c: {  	_ =	shalt  }
0x5d: {  	_ =	shalt  }
0x5e: {  	_ =	shalt  }
0x5f: {  	_ =	shalt  }
0x60: {  	_ =	shalt  }
0x61: {  	_ =	shalt  }
0x62: {  	_ =	shalt  }
0x63: {  	_ =	shalt  }
0x64: {  	_ =	shalt  }
0x65: {  	_ =	shalt  }
0x66: {  	_ =	shalt  }
0x67: {  	_ =	shalt  }
0x68: {  	_ =	shalt  }
0x69: {  	_ =	shalt  }
0x6a: {  	_ =	shalt  }
0x6b: {  	_ =	shalt  }
0x6c: {  	_ =	shalt  }
0x6d: {  	_ =	shalt  }
0x6e: {  	_ =	shalt  }
0x6f: {  	_ =	shalt  }
0x70: {  	_ =	shalt  }
0x71: {  	_ =	shalt  }
0x72: {  	_ =	shalt  }
0x73: {  	_ =	shalt  }
0x74: {  	_ =	shalt  }
0x75: {  	_ =	shalt  }
0x76: {  	_ =	shalt  }
0x77: {  	_ =	shalt  }
0x78: {  	_ =	shalt  }
0x79: {  	_ =	shalt  }
0x7a: {  	_ =	shalt  }
0x7b: {  	_ =	shalt  }
0x7c: {  	_ =	shalt  }
0x7d: {  	_ =	shalt  }
0x7e: {  	_ =	shalt  }
0x7f: {  	_ =	shalt  }
0x80: {  	_ =	shalt  }
0x81: {  	_ =	shalt  }
0x82: {  	_ =	shalt  }
0x83: {  	_ =	shalt  }
0x84: {  	_ =	shalt  }
0x85: {  	_ =	shalt  }
0x86: {  	_ =	shalt  }
0x87: {  	_ =	shalt  }
.Lfunc_end0:
.L_simem_size_0:
called_computation_lowered:
.L_overlay_start_0:
0x88: {  	s2 =	sld [smem:$0x3FD9]  }
0x89: {  	s3 =	sld [smem:$0x3FFE];
	_ =	sdelay $0x1  }
0x8a: {  	s1 =	srdreg.scid  }
0x8b: {  	s0 =	sand.u32 $0x1, s1  }
0x8c: {  	s16 =	sshll.u32 s0, $0xA;
	s2 =	sadd.s32 s3, s2  }
0x8d: {  	s2 =	sadd.s32 s2, s16  }
0x8e: {  	[smem:$0x3FBB] =	sst s2  }
0x8f: {  	_ = 	snop  }
0x90: {  	(tm) =	ssettm $0x1  }
0x91: {  	s17 =	sld [smem:$0x3FFB];
	_ =	sdelay $0x3  }
0x92: {  	_ =	strace s17  }
0x93: {  	s2 =	sld [smem:$0x3FFC];
	_ =	sdelay $0x3  }
0x94: {  	_ =	strace s2  }
0x95: {  	s2 =	sld [smem:$0x3FFD];
	_ =	sdelay $0x3  }
0x96: {  	_ =	strace s2  }
0x97: {  	_ =	strace $0x8FFFFFFF  }
0x98: {  	s18 =	sld [smem:$0x3FDB];
	_ =	sdelay $0x1  }
0x99: {  	s19 =	simm.s32 $_scs_section_size  }
0x9a: {  	s4 =	simm.s32 $_size__tile_overlayer_lowered;
	s5 =	simm.s32 $_tile_overlayer_lowered  }
0x9b: {  	s22 =	simm.s32 $0x1BFF;
	s21 =	sshll.u32 s5, $0x1;
	s2 =	sadd.s32 s19, s18  }
0x9c: {  	s6 =	simm.s32 $0x0;
	s20 =	sshll.u32 s4, $0x1;
	s4 =	sadd.s32 s21, s2  }
0x9d: {  	[timem:s6], [sflag:s22] =	dma.local [hbm:s4], s20  }
0x9e: {  	_ =	swait.ge [sflag:s22], s20  }
0x9f: {  	s3 =	ssub.s32 $0x0, s20;
	[sflag:s22] =	ssyncset.done $0x0  }
0xa0: {  	[sflag:s22] =	ssyncadd.s32 s3;
	_ =	sdelay $0x1  }
0xa1: {  	s23 =	simm.s32 $0x1B8B  }
0xa2: {  	_ =	swait.ge [sflag:s23], $0x1  }
0xa3: {  	[sflag:s23] =	ssyncset.done $0x0  }
0xa4: {  	s25 =	simm.s32 $0x1B8E;
	s24 =	sld [smem:$0x3FFE];
	[sflag:s23] =	ssyncadd.s32 $0xFFFFFFFF  }
0xa5: {  	s26 =	simm.s32 $execute0_lowered;
	[smem:$0x3FD2] =	sst s25  }
0xa6: {  	s4 =	sshll.u32 s26, $0x1;
	_ =	strace $0x80000046;
	[dreg:$0x1] =	wrdreg $0xFFFFFFFF  }
0xa7: {  	s28 =	simm.s32 $_size_execute0_lowered;
	s2 =	sadd.s32 s2, s4;
	[dreg:$0x0] =	wrdreg $0x0  }
0xa8: {  	s4 =	sshll.u32 s28, $0x1;
	[dreg:$0x2] =	wrdreg s2  }
0xa9: {  	[dreg:$0x3] =	wrdreg s4  }
0xaa: {  	[dreg:$0x4] =	wrdreg $0xC0  }
0xab: {  	_ =	task [dreg:s6], $0x5FFFF  }
0xac: {  	[dreg:$0x1] =	wrdreg $0xFFFFFFFF  }
0xad: {  	[dreg:$0x0] =	wrdreg $0x60  }
0xae: {  	[dreg:$0x2] =	wrdreg s24  }
0xaf: {  	[dreg:$0x3] =	wrdreg $0xA  }
0xb0: {  	_ =	task.clear_ibuf [dreg:s6], $0x4FFFF;
	_ =	strace $0x90000046  }
0xb1: {  	s29 =	simm.s32 $0xA;
	_ =	strace $0x80000048  }
0xb2: {  	_ =	swait.ge [sflag:s29], $0x1  }
0xb3: {  	[sflag:s29] =	ssyncadd.s32 $0xFFFFFFFF  }
0xb4: {  	_ =	strace $0x90000048  }
0xb5: {  	_ =	sfence  }
0xb6: {  	s30 =	sld [smem:$0x0];
	_ =	sdelay $0x2  }
0xb7: {  	s31 =	sshll.u32 s1, $0xD;
	s1 =	sshrl.u32 s1, $0x2  }
0xb8: {  	s3 =	sand.u32 $0x4000, s31;
	s1 =	sadd.s32 s1, s30  }
0xb9: {  	s0 =	sor.u32 s3, s0;
	s1 =	sshll.u32 s1, $0x11  }
0xba: {  	s0 =	sor.u32 s1, s0  }
0xbb: {  	s0 =	sadd.s32 $0x8F2B, s0  }
0xbc: {  	[sflag:s0] =	ssyncadd.remote.s32 $0x1  }
0xbd: {  	_ =	sfence.sel $0xFFFF  }
0xbe: {  	[dreg:$0x0] =	wrdreg $0xFFFFFFFF;
	(pc) =	sbr.abs _section_cstart, $3  }
0xbf: {  	[dreg:$0x1] =	wrdreg $0xFFFFFFFF  }
0xc0: {  	_ =	task.clear_ibuf [dreg:s6], $0x2FFFF;
	_ =	strace $0x9FFFFFFF  }
0xc1: {  	(tm) =	ssettm $0x7FFFFFFF  }
tec
execute0_lowered:
.L_overlay_start_1:
0x0: {  	(tag) =	ssettag $0x1  }
0x1: {  	s7 =	rddreg [dreg:$0x0];
	s2 =	simm.s32 $0x0;
	s1 =	stileid.u32  }
0x2: {  	s4 =	srdreg.scid;
	[smem:$0x7FF] =	sst s2;
	s3 =	sadd.s32 $0xDA00, s7  }
0x3: {  	s10 =	sand.u32 $0x1, s4;
	s5 =	sshll.u32 s1, $0x1;
	s4 =	sadd.s32 $0x34C00, s7  }
0x4: {  	s6 =	sshll.u32 s1, $0x5;
	s26 =	sshll.u32 s1, $0xF;
	s29 =	sshll.u32 s1, $0xC  }
0x5: {  	_ =	strace $0x80000047;
	s5 =	sor.u32 s10, s5;
	s12 =	sadd.s32 s6, s7  }
0x6: {  	s8 =	ssub.s32 $0x2, s10;
	s13 =	sshll.u32 s10, $0xE;
	s15 =	sshll.u32 s10, $0xB  }
0x7: {  	s16 =	sshll.u32 s10, $0x4;
	s9 =	ssub.s32 $0x501, s5;
	s5 =	sadd.s32 $0x5BE00, s7  }
0x8: {  	s11 =	sshrl.u32 s8, $0x1;
	s7 =	sadd.s32 $0x2CCE00, s7;
	s28 =	sor.u32 s13, s26  }
0x9: {  	s31 =	sadd.s32 s16, s12;
	s6 =	sshrl.u32 s9, $0x5;
	s8 =	ssub.s32 s8, s11  }
0xa: {  	s14 =	sand.u32 $0x20, s9;
	s9 =	sor.u32 $0xFFF80000, s28;
	s30 =	sadd.s32 s29, s5  }
0xb: {  	s11 =	sadd.s32 s29, s7;
	s12 =	sadd.s32 $0x8A00, s31;
	s13 =	sadd.s32 $0x3A00, s31  }
0xc: {  	s25 =	sand.u32 $0x1, s6;
	s8 =	smax.u32 s8, $0x1;
	s10 =	sadd.s32 s15, s30  }
0xd: {  	s11 =	sadd.s32 s15, s11;
	p1 =	sne.s32 s14, $0x0;
	p0 =	seq.s32 s25, $0x1  }
.LBB2_1:
0xe: {  	p2 =	sle.u32 s6, $0x0  }
0xf: {  	p3 =	por @!p2 $0x1, $0x1  }
0x10: {  	p3 =	por p3, p2  }
0x11: {  	s14 =	simm.s32 @!p3 $0x3  }
0x12: {  	_ =	swait.ge @!p3 [sflag:s14], $0x4000  }
0x13: {  	[sflag:s14] =	ssyncset.done @!p3 $0x0  }
0x14: {  	[sflag:s14] =	ssyncadd.s32 @!p3 $0xFFFFC000  }
0x15: {  	p2 =	por p2, p2;
	_ =	swait.ge @!p3 [sflag:s14], $0x4000  }
0x16: {  	s15 =	simm.s32 @!p2 $0x5;
	[sflag:s14] =	ssyncset.done @!p3 $0x0  }
0x17: {  	s16 =	sadd.s32 @!p2 $0x0, s12;
	s17 =	simm.s32 @!p2 $0x0;
	[sflag:s14] =	ssyncadd.s32 @!p3 $0xFFFFC000  }
0x18: {  	[tilespmem:s17], [sflag:$0x5] =	stream.linear.gather @!p2 [hbm4b:s16+s17], $0x80, $0x38;
	[tilespmem:$0x10200] =	vst v63  }
0x19: {  	_ =	swait.ge @!p2 [sflag:s15], $0x80  }
0x1a: {  	[sflag:s15] =	ssyncset.done @!p2 $0x0  }
0x1b: {  	s14 =	sadd.s32 @!p2 $0x0, s13;
	s16 =	simm.s32 @!p2 $0x80;
	[sflag:s15] =	ssyncadd.s32 @!p2 $0xFFFFFF80  }
0x1c: {  	[tilespmem:s16], [sflag:$0x5] =	stream.linear.gather @!p2 [hbm4b:s14+s17], $0x80, $0x38;
	[tilespmem:$0x10200] =	vst v63  }
0x1d: {  	p3 =	por $0x1, $0x1;
	_ =	swait.ge @!p2 [sflag:s15], $0x80  }
0x1e: {  	p4 =	slt.u32 @!p3 s6, $0x0;
	[sflag:s15] =	ssyncset.done @!p2 $0x0  }
0x1f: {  	s20 =	simm.s32 @!p2 $0x200;
	p4 =	por p4, p3;
	[sflag:s15] =	ssyncadd.s32 @!p2 $0xFFFFFF80  }
0x20: {  	[tilespmem:s20], [sflag:$0x1] =	stream.indirect.gather @!p2 [hbm4b:s3+s16], $0x80, s17, s16, $0xb8;
	[tilespmem:$0x10200] =	vst v63  }
0x21: {  	s21 =	simm.s32 @!p2 $0x4200;
	s14 =	simm.s32 @!p4 $0x2  }
0x22: {  	[tilespmem:s21], [sflag:$0x1] =	stream.indirect.gather @!p2 [hbm4b:s4+s16], $0x80, s16, s16, $0xb8;
	[tilespmem:$0x10200] =	vst v63  }
0x23: {  	_ =	swait.ge @!p4 [sflag:s14], $0x4000  }
0x24: {  	[sflag:s14] =	ssyncset.done @!p4 $0x0  }
0x25: {  	[sflag:s14] =	ssyncadd.s32 @!p4 $0xFFFFC000  }
0x26: {  	p3 =	sle.u32 s6, $0x1;
	s18 =	simm.s32 @!p4 $0x0;
	_ =	swait.ge @!p4 [sflag:s14], $0x4000  }
0x27: {  	p5 =	por @!p3 $0x1, $0x1;
	s15 =	sshrl.u32 @!p4 s9, $0x3;
	[sflag:s14] =	ssyncset.done @!p4 $0x0  }
0x28: {  	s16 =	sadd.s32 @!p4 s5, s15;
	[sflag:s14] =	ssyncadd.s32 @!p4 $0xFFFFC000;
	s14 =	simm.s32 @!p4 $0x8200  }
0x29: {  	[hbm4b:s16+s18] =	stream.linear.scatter @!p4 [tilespmem:s14], [sflag:$0x4], $0x4000, $0x38;
	[tilespmem:$0x10200] =	vst v63  }
0x2a: {  	p5 =	por p5, p3;
	s14 =	sadd.s32 @!p4 s7, s15;
	s15 =	simm.s32 @!p4 $0xC200  }
0x2b: {  	[hbm4b:s14+s18] =	stream.linear.scatter @!p4 [tilespmem:s15], [sflag:$0x4], $0x4000, $0x38;
	[tilespmem:$0x10200] =	vst v63  }
0x2c: {  	s14 =	simm.s32 @!p5 $0x4  }
0x2d: {  	_ =	swait.ge @!p5 [sflag:s14], $0x4000  }
0x2e: {  	[sflag:s14] =	ssyncset.done @!p5 $0x0  }
0x2f: {  	[sflag:s14] =	ssyncadd.s32 @!p5 $0xFFFFC000  }
0x30: {  	s16 =	simm.s32 @!p3 $0x0;
	_ =	swait.ge @!p5 [sflag:s14], $0x4000  }
0x31: {  	s15 =	sadd.s32 @!p3 $0x0, s12;
	s18 =	simm.s32 @!p3 $0x100;
	[sflag:s14] =	ssyncset.done @!p5 $0x0  }
0x32: {  	s15 =	sadd.s32 @!p3 $0x200, s15;
	[sflag:s14] =	ssyncadd.s32 @!p5 $0xFFFFC000;
	s14 =	simm.s32 @!p3 $0x5  }
0x33: {  	[tilespmem:s18], [sflag:$0x5] =	stream.linear.gather @!p3 [hbm4b:s15+s16], $0x80, $0x38;
	[tilespmem:$0x10200] =	vst v63  }
0x34: {  	_ =	swait.ge @!p3 [sflag:s14], $0x80  }
0x35: {  	s22 =	simm.s32 $0x800;
	s15 =	sadd.s32 @!p3 $0x0, s13;
	[sflag:s14] =	ssyncset.done @!p3 $0x0  }
0x36: {  	s19 =	simm.s32 @!p3 $0x180;
	s15 =	sadd.s32 @!p3 $0x200, s15;
	[sflag:s14] =	ssyncadd.s32 @!p3 $0xFFFFFF80  }
0x37: {  	[tilespmem:s19], [sflag:$0x5] =	stream.linear.gather @!p3 [hbm4b:s15+s16], $0x80, $0x38;
	[tilespmem:$0x10200] =	vst v63  }
0x38: {  	s24 =	smov.u32 s10;
	s26 =	simm.s32 @!p2 $0x1;
	_ =	swait.ge @!p3 [sflag:s14], $0x80  }
0x39: {  	s23 =	simm.s32 @!p3 $0x8200;
	p4 =	sle.u32 s6, $0x2;
	[sflag:s14] =	ssyncset.done @!p3 $0x0  }
0x3a: {  	p5 =	por @!p4 $0x0, $0x0;
	s15 =	simm.s32 @!p3 $0x80;
	[sflag:s14] =	ssyncadd.s32 @!p3 $0xFFFFFF80  }
0x3b: {  	[tilespmem:s23], [sflag:$0x2] =	stream.indirect.gather @!p3 [hbm4b:s3+s15], $0x80, s18, s15, $0xb8;
	[tilespmem:$0x10200] =	vst v63  }
0x3c: {  	s16 =	simm.s32 $0x400;
	s14 =	simm.s32 @!p3 $0xC200;
	s18 =	simm.s32 $0x2  }
0x3d: {  	[tilespmem:s14], [sflag:$0x2] =	stream.indirect.gather @!p3 [hbm4b:s4+s15], $0x80, s19, s15, $0xb8;
	[tilespmem:$0x10200] =	vst v63  }
0x3e: {  	s23 =	smov.u32 s11;
	s14 =	sadd.s32 $0x20000, s11;
	_ =	swait.ge @!p2 [sflag:s26], $0x4000  }
0x3f: {  	s15 =	sadd.s32 $0x20000, s10;
	s19 =	smov.u32 s9;
	[sflag:s26] =	ssyncset.done @!p2 $0x0  }
.LBB2_2:
0x40: {  	[sflag:s26] =	ssyncadd.s32 @!p2 $0xFFFFC000  }
0x41: {  	s19 =	sadd.s32 $0x100000, s19;
	s25 =	smov.u32 s22;
	s22 =	sadd.s32 $0x400, s22  }
0x42: {  	p5 =	por p5, p4;
	p3 =	sne.s32 s22, $0x5400;
	_ =	swait.ge @!p2 [sflag:s26], $0x4000  }
0x43: {  	[sflag:s26] =	ssyncset.done @!p2 $0x0  }
0x44: {  	[sflag:s26] =	ssyncadd.s32 @!p2 $0xFFFFC000  }
0x45: {  	[hbm4b:s24+s17] =	stream.linear.scatter @!p2 [tilespmem:s20], [sflag:$0x3], $0x4000, $0x38;
	[tilespmem:$0x10200] =	vst v63  }
0x46: {  	s20 =	simm.s32 @!p5 $0x3;
	s24 =	smov.u32 s15  }
0x47: {  	[hbm4b:s23+s17] =	stream.linear.scatter @!p2 [tilespmem:s21], [sflag:$0x3], $0x4000, $0x38;
	[tilespmem:$0x10200] =	vst v63  }
0x48: {  	s23 =	smov.u32 s14;
	p2 =	por p4, p4;
	_ =	swait.ge @!p5 [sflag:s20], $0x4000  }
0x49: {  	s21 =	simm.s32 @!p2 $0x5;
	[sflag:s20] =	ssyncset.done @!p5 $0x0  }
0x4a: {  	s26 =	sadd.s32 @!p2 s16, s12;
	s17 =	simm.s32 @!p2 $0x0;
	[sflag:s20] =	ssyncadd.s32 @!p5 $0xFFFFC000  }
0x4b: {  	_ =	swait.ge @!p5 [sflag:s20], $0x4000  }
0x4c: {  	[sflag:s20] =	ssyncset.done @!p5 $0x0  }
0x4d: {  	[sflag:s20] =	ssyncadd.s32 @!p5 $0xFFFFC000  }
0x4e: {  	[tilespmem:s17], [sflag:$0x5] =	stream.linear.gather @!p2 [hbm4b:s26+s17], $0x80, $0x38;
	[tilespmem:$0x10200] =	vst v63  }
0x4f: {  	_ =	swait.ge @!p2 [sflag:s21], $0x80  }
0x50: {  	p4 =	seq.s32 s16, $0x0;
	[sflag:s21] =	ssyncset.done @!p2 $0x0  }
0x51: {  	s20 =	sadd.s32 @!p2 s16, s13;
	s26 =	simm.s32 @!p2 $0x80;
	[sflag:s21] =	ssyncadd.s32 @!p2 $0xFFFFFF80  }
0x52: {  	[tilespmem:s26], [sflag:$0x5] =	stream.linear.gather @!p2 [hbm4b:s20+s17], $0x80, $0x38;
	[tilespmem:$0x10200] =	vst v63  }
0x53: {  	p5 =	sgt.u32 @!p4 s18, s6;
	_ =	swait.ge @!p2 [sflag:s21], $0x80  }
0x54: {  	[sflag:s21] =	ssyncset.done @!p2 $0x0  }
0x55: {  	p5 =	por p5, p4;
	s20 =	simm.s32 @!p2 $0x200;
	[sflag:s21] =	ssyncadd.s32 @!p2 $0xFFFFFF80  }
0x56: {  	[tilespmem:s20], [sflag:$0x1] =	stream.indirect.gather @!p2 [hbm4b:s3+s26], $0x80, s17, s26, $0xb8;
	[tilespmem:$0x10200] =	vst v63  }
0x57: {  	s28 =	simm.s32 @!p5 $0x2;
	s29 =	sshrl.u32 @!p5 s19, $0x3;
	s21 =	simm.s32 @!p2 $0x4200  }
0x58: {  	[tilespmem:s21], [sflag:$0x1] =	stream.indirect.gather @!p2 [hbm4b:s4+s26], $0x80, s26, s26, $0xb8;
	[tilespmem:$0x10200] =	vst v63  }
0x59: {  	s26 =	sadd.s32 @!p5 s5, s29;
	s29 =	sadd.s32 @!p5 s7, s29;
	_ =	swait.ge @!p5 [sflag:s28], $0x4000  }
0x5a: {  	[sflag:s28] =	ssyncset.done @!p5 $0x0  }
0x5b: {  	s30 =	sadd.s32 $0x1, s18;
	[sflag:s28] =	ssyncadd.s32 @!p5 $0xFFFFC000  }
0x5c: {  	p4 =	sge.u32 s30, s6;
	s31 =	simm.s32 @!p5 $0x0;
	_ =	swait.ge @!p5 [sflag:s28], $0x4000  }
0x5d: {  	s30 =	simm.s32 @!p5 $0xC200;
	p6 =	seq.s32 @!p4 s16, $0x0;
	[sflag:s28] =	ssyncset.done @!p5 $0x0  }
0x5e: {  	s0 =	sadd.s32 @!p4 s16, s12;
	[sflag:s28] =	ssyncadd.s32 @!p5 $0xFFFFC000;
	s28 =	simm.s32 @!p5 $0x8200  }
0x5f: {  	[hbm4b:s26+s31] =	stream.linear.scatter @!p5 [tilespmem:s28], [sflag:$0x4], $0x4000, $0x38;
	[tilespmem:$0x10200] =	vst v63  }
0x60: {  	s16 =	sadd.s32 @!p4 s16, s13;
	p6 =	por p6, p4;
	s0 =	sadd.s32 @!p4 $0x200, s0  }
0x61: {  	[hbm4b:s29+s31] =	stream.linear.scatter @!p5 [tilespmem:s30], [sflag:$0x4], $0x4000, $0x38;
	[tilespmem:$0x10200] =	vst v63  }
0x62: {  	s26 =	simm.s32 @!p6 $0x4;
	s28 =	sadd.s32 @!p4 $0x200, s16;
	s16 =	smov.u32 s25  }
0x63: {  	_ =	swait.ge @!p6 [sflag:s26], $0x4000  }
0x64: {  	[sflag:s26] =	ssyncset.done @!p6 $0x0  }
0x65: {  	[sflag:s26] =	ssyncadd.s32 @!p6 $0xFFFFC000  }
0x66: {  	_ =	swait.ge @!p6 [sflag:s26], $0x4000  }
0x67: {  	s25 =	simm.s32 @!p4 $0x0;
	s29 =	simm.s32 @!p4 $0x100;
	[sflag:s26] =	ssyncset.done @!p6 $0x0  }
0x68: {  	s30 =	simm.s32 @!p4 $0x5;
	[sflag:s26] =	ssyncadd.s32 @!p6 $0xFFFFC000  }
0x69: {  	[tilespmem:s29], [sflag:$0x5] =	stream.linear.gather @!p4 [hbm4b:s0+s25], $0x80, $0x38;
	[tilespmem:$0x10200] =	vst v63  }
0x6a: {  	_ =	swait.ge @!p4 [sflag:s30], $0x80  }
0x6b: {  	s0 =	simm.s32 @!p4 $0x180;
	[sflag:s30] =	ssyncset.done @!p4 $0x0  }
0x6c: {  	[sflag:s30] =	ssyncadd.s32 @!p4 $0xFFFFFF80  }
0x6d: {  	[tilespmem:s0], [sflag:$0x5] =	stream.linear.gather @!p4 [hbm4b:s28+s25], $0x80, $0x38;
	[tilespmem:$0x10200] =	vst v63  }
0x6e: {  	s26 =	simm.s32 @!p2 $0x1;
	_ =	swait.ge @!p4 [sflag:s30], $0x80  }
0x6f: {  	s25 =	simm.s32 @!p4 $0x80;
	s28 =	simm.s32 @!p4 $0x8200;
	[sflag:s30] =	ssyncset.done @!p4 $0x0  }
0x70: {  	[sflag:s30] =	ssyncadd.s32 @!p4 $0xFFFFFF80;
	s30 =	simm.s32 @!p4 $0xC200  }
0x71: {  	[tilespmem:s28], [sflag:$0x2] =	stream.indirect.gather @!p4 [hbm4b:s3+s25], $0x80, s29, s25, $0xb8;
	[tilespmem:$0x10200] =	vst v63  }
.Ltmp0:
0x72: {  	_ = 	snop;
	(pc) =	sbr.rel @p3 .LBB2_2-.Ltmp0, $4  }
0x73: {  	s18 =	sadd.s32 $0x2, s18  }
0x74: {  	[tilespmem:s30], [sflag:$0x2] =	stream.indirect.gather @!p4 [hbm4b:s4+s25], $0x80, s0, s25, $0xb8;
	[tilespmem:$0x10200] =	vst v63  }
0x75: {  	s14 =	sadd.s32 $0x20000, s14;
	p4 =	sge.u32 s18, s6;
	_ =	swait.ge @!p2 [sflag:s26], $0x4000  }
0x76: {  	s15 =	sadd.s32 $0x20000, s15;
	p5 =	seq.s32 @!p4 s16, $0x0;
	[sflag:s26] =	ssyncset.done @!p2 $0x0  }
0x77: {  	[sflag:s26] =	ssyncadd.s32 @!p2 $0xFFFFC000  }
0x78: {  	_ =	swait.ge @!p2 [sflag:s26], $0x4000  }
0x79: {  	[sflag:s26] =	ssyncset.done @!p2 $0x0  }
0x7a: {  	p3 =	por p5, p4;
	[sflag:s26] =	ssyncadd.s32 @!p2 $0xFFFFC000  }
0x7b: {  	[hbm4b:s24+s17] =	stream.linear.scatter @!p2 [tilespmem:s20], [sflag:$0x3], $0x4000, $0x38;
	[tilespmem:$0x10200] =	vst v63  }
0x7c: {  	s0 =	simm.s32 @!p3 $0x3  }
0x7d: {  	[hbm4b:s23+s17] =	stream.linear.scatter @!p2 [tilespmem:s21], [sflag:$0x3], $0x4000, $0x38;
	[tilespmem:$0x10200] =	vst v63  }
0x7e: {  	_ =	swait.ge @!p3 [sflag:s0], $0x4000  }
0x7f: {  	[sflag:s0] =	ssyncset.done @!p3 $0x0  }
0x80: {  	[sflag:s0] =	ssyncadd.s32 @!p3 $0xFFFFC000  }
0x81: {  	p2 =	por p4, p4;
	_ =	swait.ge @!p3 [sflag:s0], $0x4000  }
0x82: {  	s20 =	simm.s32 @!p2 $0x5;
	[sflag:s0] =	ssyncset.done @!p3 $0x0  }
0x83: {  	s21 =	sadd.s32 @!p2 s16, s12;
	s17 =	simm.s32 @!p2 $0x0;
	[sflag:s0] =	ssyncadd.s32 @!p3 $0xFFFFC000  }
0x84: {  	[tilespmem:s17], [sflag:$0x5] =	stream.linear.gather @!p2 [hbm4b:s21+s17], $0x80, $0x38;
	[tilespmem:$0x10200] =	vst v63  }
0x85: {  	_ =	swait.ge @!p2 [sflag:s20], $0x80  }
0x86: {  	[sflag:s20] =	ssyncset.done @!p2 $0x0  }
0x87: {  	s0 =	sadd.s32 @!p2 s16, s13;
	s21 =	simm.s32 @!p2 $0x80;
	[sflag:s20] =	ssyncadd.s32 @!p2 $0xFFFFFF80  }
0x88: {  	[tilespmem:s21], [sflag:$0x5] =	stream.linear.gather @!p2 [hbm4b:s0+s17], $0x80, $0x38;
	[tilespmem:$0x10200] =	vst v63  }
0x89: {  	p3 =	seq.s32 s16, $0x0;
	_ =	swait.ge @!p2 [sflag:s20], $0x80  }
0x8a: {  	p4 =	sgt.u32 @!p3 s18, s6;
	[sflag:s20] =	ssyncset.done @!p2 $0x0  }
0x8b: {  	p4 =	por p4, p3;
	s0 =	simm.s32 @!p2 $0x200;
	[sflag:s20] =	ssyncadd.s32 @!p2 $0xFFFFFF80  }
0x8c: {  	[tilespmem:s0], [sflag:$0x1] =	stream.indirect.gather @!p2 [hbm4b:s3+s21], $0x80, s17, s21, $0xb8;
	[tilespmem:$0x10200] =	vst v63  }
0x8d: {  	s22 =	simm.s32 @!p4 $0x2;
	s20 =	simm.s32 @!p2 $0x4200  }
0x8e: {  	[tilespmem:s20], [sflag:$0x1] =	stream.indirect.gather @!p2 [hbm4b:s4+s21], $0x80, s21, s21, $0xb8;
	[tilespmem:$0x10200] =	vst v63  }
0x8f: {  	_ =	swait.ge @!p4 [sflag:s22], $0x4000  }
0x90: {  	[sflag:s22] =	ssyncset.done @!p4 $0x0  }
0x91: {  	s19 =	sadd.s32 $0x100000, s19;
	s31 =	sadd.s32 $0x1, s18;
	[sflag:s22] =	ssyncadd.s32 @!p4 $0xFFFFC000  }
0x92: {  	p3 =	sge.u32 s31, s6;
	s19 =	sshrl.u32 @!p4 s19, $0x3;
	_ =	swait.ge @!p4 [sflag:s22], $0x4000  }
0x93: {  	s23 =	simm.s32 @!p4 $0x0;
	p5 =	seq.s32 @!p3 s16, $0x0;
	[sflag:s22] =	ssyncset.done @!p4 $0x0  }
0x94: {  	s18 =	simm.s32 @!p4 $0x8200;
	s21 =	sadd.s32 @!p4 s5, s19;
	[sflag:s22] =	ssyncadd.s32 @!p4 $0xFFFFC000  }
0x95: {  	[hbm4b:s21+s23] =	stream.linear.scatter @!p4 [tilespmem:s18], [sflag:$0x4], $0x4000, $0x38;
	[tilespmem:$0x10200] =	vst v63  }
0x96: {  	p5 =	por p5, p3;
	s18 =	sadd.s32 @!p4 s7, s19;
	s19 =	simm.s32 @!p4 $0xC200  }
0x97: {  	[hbm4b:s18+s23] =	stream.linear.scatter @!p4 [tilespmem:s19], [sflag:$0x4], $0x4000, $0x38;
	[tilespmem:$0x10200] =	vst v63  }
0x98: {  	s18 =	simm.s32 @!p5 $0x4  }
0x99: {  	_ =	swait.ge @!p5 [sflag:s18], $0x4000  }
0x9a: {  	[sflag:s18] =	ssyncset.done @!p5 $0x0  }
0x9b: {  	[sflag:s18] =	ssyncadd.s32 @!p5 $0xFFFFC000  }
0x9c: {  	s22 =	simm.s32 @!p3 $0x100;
	_ =	swait.ge @!p5 [sflag:s18], $0x4000  }
0x9d: {  	s21 =	simm.s32 @!p3 $0x0;
	s19 =	sadd.s32 @!p3 s16, s12;
	[sflag:s18] =	ssyncset.done @!p5 $0x0  }
0x9e: {  	s19 =	sadd.s32 @!p3 $0x200, s19;
	[sflag:s18] =	ssyncadd.s32 @!p5 $0xFFFFC000;
	s18 =	simm.s32 @!p3 $0x5  }
0x9f: {  	[tilespmem:s22], [sflag:$0x5] =	stream.linear.gather @!p3 [hbm4b:s19+s21], $0x80, $0x38;
	[tilespmem:$0x10200] =	vst v63  }
0xa0: {  	_ =	swait.ge @!p3 [sflag:s18], $0x80  }
0xa1: {  	s16 =	sadd.s32 @!p3 s16, s13;
	[sflag:s18] =	ssyncset.done @!p3 $0x0  }
0xa2: {  	s16 =	sadd.s32 @!p3 $0x200, s16;
	s19 =	simm.s32 @!p3 $0x180;
	[sflag:s18] =	ssyncadd.s32 @!p3 $0xFFFFFF80  }
0xa3: {  	[tilespmem:s19], [sflag:$0x5] =	stream.linear.gather @!p3 [hbm4b:s16+s21], $0x80, $0x38;
	[tilespmem:$0x10200] =	vst v63  }
0xa4: {  	_ =	swait.ge @!p3 [sflag:s18], $0x80  }
0xa5: {  	[sflag:s18] =	ssyncset.done @!p3 $0x0  }
0xa6: {  	s16 =	simm.s32 @!p3 $0x80;
	s21 =	simm.s32 @!p3 $0x8200;
	[sflag:s18] =	ssyncadd.s32 @!p3 $0xFFFFFF80  }
0xa7: {  	[tilespmem:s21], [sflag:$0x2] =	stream.indirect.gather @!p3 [hbm4b:s3+s16], $0x80, s22, s16, $0xb8;
	[tilespmem:$0x10200] =	vst v63  }
0xa8: {  	s18 =	simm.s32 @!p2 $0x1;
	s21 =	simm.s32 @!p3 $0xC200  }
0xa9: {  	[tilespmem:s21], [sflag:$0x2] =	stream.indirect.gather @!p3 [hbm4b:s4+s16], $0x80, s19, s16, $0xb8;
	[tilespmem:$0x10200] =	vst v63  }
0xaa: {  	_ =	swait.ge @!p2 [sflag:s18], $0x4000  }
0xab: {  	[sflag:s18] =	ssyncset.done @!p2 $0x0  }
0xac: {  	[sflag:s18] =	ssyncadd.s32 @!p2 $0xFFFFC000  }
0xad: {  	_ =	swait.ge @!p2 [sflag:s18], $0x4000  }
0xae: {  	[sflag:s18] =	ssyncset.done @!p2 $0x0  }
0xaf: {  	[sflag:s18] =	ssyncadd.s32 @!p2 $0xFFFFC000  }
0xb0: {  	[hbm4b:s15+s17] =	stream.linear.scatter @!p2 [tilespmem:s0], [sflag:$0x3], $0x4000, $0x38;
	[tilespmem:$0x10200] =	vst v63  }
0xb1: {  	s0 =	simm.s32 @p0 $0x3  }
0xb2: {  	[hbm4b:s14+s17] =	stream.linear.scatter @!p2 [tilespmem:s20], [sflag:$0x3], $0x4000, $0x38;
	[tilespmem:$0x10200] =	vst v63  }
0xb3: {  	_ =	swait.ge @p0 [sflag:s0], $0x4000  }
0xb4: {  	[sflag:s0] =	ssyncset.done @p0 $0x0  }
0xb5: {  	[sflag:s0] =	ssyncadd.s32 @p0 $0xFFFFC000  }
0xb6: {  	_ =	swait.ge @p0 [sflag:s0], $0x4000  }
0xb7: {  	[sflag:s0] =	ssyncset.done @p0 $0x0  }
0xb8: {  	[sflag:s0] =	ssyncadd.s32 @p0 $0xFFFFC000;
	s0 =	simm.s32 @!p1 $0x3  }
0xb9: {  	_ =	swait.ge @!p1 [sflag:s0], $0x4000  }
0xba: {  	[sflag:s0] =	ssyncset.done @!p1 $0x0  }
0xbb: {  	[sflag:s0] =	ssyncadd.s32 @!p1 $0xFFFFC000  }
0xbc: {  	_ =	swait.ge @!p1 [sflag:s0], $0x4000  }
0xbd: {  	[sflag:s0] =	ssyncset.done @!p1 $0x0  }
0xbe: {  	[sflag:s0] =	ssyncadd.s32 @!p1 $0xFFFFC000;
	s0 =	simm.s32 @!p1 $0x4  }
0xbf: {  	_ =	swait.ge @!p1 [sflag:s0], $0x4000  }
0xc0: {  	[sflag:s0] =	ssyncset.done @!p1 $0x0  }
0xc1: {  	[sflag:s0] =	ssyncadd.s32 @!p1 $0xFFFFC000  }
0xc2: {  	_ =	swait.ge @!p1 [sflag:s0], $0x4000  }
0xc3: {  	[sflag:s0] =	ssyncset.done @!p1 $0x0  }
0xc4: {  	s2 =	sadd.s32 $0x1, s2;
	[sflag:s0] =	ssyncadd.s32 @!p1 $0xFFFFC000;
	s0 =	simm.s32 @p0 $0x4  }
0xc5: {  	p2 =	sne.s32 s2, s8;
	_ =	swait.ge @p0 [sflag:s0], $0x4000  }
.Ltmp1:
0xc6: {  	[sflag:s0] =	ssyncset.done @p0 $0x0;
	(pc) =	sbr.rel @p2 .LBB2_1-.Ltmp1, $4  }
0xc7: {  	[sflag:s0] =	ssyncadd.s32 @p0 $0xFFFFC000  }
0xc8: {  	_ =	swait.ge @p0 [sflag:s0], $0x4000  }
0xc9: {  	[sflag:s0] =	ssyncset.done @p0 $0x0  }
0xca: {  	[sflag:s0] =	ssyncadd.s32 @p0 $0xFFFFC000  }
0xcb: {  	_ =	sfence.sel $0x180000  }
0xcc: {  	[bflag:$0x0] =	sbarrier.arrive $0xFFFF  }
0xcd: {  	_ =	strace $0x90000047  }
0xce: {  	[bflag:$0x2] =	sbarrier.arrive $0xFFFF  }
0xcf: {  	p0 =	sne.s32 s1, $0x0;
	s0 =	rddreg [dreg:$0x1]  }
0xd0: {  	s0 =	sadd.s32 @!p0 $0x100000, s0  }
0xd1: {  	[sflag:s0] =	ssyncadd.tile.s32 @!p0 $0x1;
	_ =	shalt  }
.Lfunc_end2:
_tile_overlayer_lowered:
.L_overlay_start_2:
0xd2: {  	(tag) =	ssettag $0x2  }
0xd3: {  	s0 =	rddreg [dreg:$0x0];
	s2 =	stileid.u32  }
0xd4: {  	s1 =	rddreg [dreg:$0x1];
	p0 =	sne.s32 s2, $0x0  }
0xd5: {  	s3 =	rddreg [dreg:$0x2];
	[bflag:$0x3] =	sbarrier.arrive $0xFFFF;
	s2 =	simm.s32 @!p0 $0x1C05  }
0xd6: {  	[timem:s3], [sflag:s2] =	dma.local @!p0 [hbm:s0], s1  }
0xd7: {  	s0 =	simm.s32 @!p0 $0x5  }
0xd8: {  	_ =	swait.ge @!p0 [sflag:s0], s1  }
0xd9: {  	s1 =	ssub.s32 @!p0 $0x0, s1;
	[sflag:s0] =	ssyncset.done @!p0 $0x0  }
0xda: {  	[sflag:s0] =	ssyncadd.s32 @!p0 s1  }
0xdb: {  	[bflag:$0x3] =	sbarrier.arrive $0xFFFF  }
0xdc: {  	_ =	shalt  }

// kernel: kernel.13.cloned.1.call-start
scs
__scs_entry_jumppad:
0x0: {  	(pc) =	sbr.rel $0x88, $3  }
0x1: {  	(tag) =	ssettag $0x0;
	lr =	simm.s32 $0x1  }
0x2: {  	[smem:$0x3F94] =	sst lr;
	_ =	strace $0xD0000000  }
0x3: {  	_ = 	snop  }
0x4: {  	_ = 	snop  }
0x5: {  	_ = 	snop  }
0x6: {  	_ = 	snop  }
0x7: {  	_ = 	snop  }
__scs_overlays_trampoline_lowered:
0x8: {  	[smem:$0x3FA3] =	sst s0  }
0x9: {  	[smem:$0x3FA4] =	sst s1  }
0xa: {  	[smem:$0x3FA5] =	sst s2  }
0xb: {  	[smem:$0x3FA6] =	sst s3  }
0xc: {  	[smem:$0x3FA7] =	sst s4  }
0xd: {  	[smem:$0x3FA8] =	sst s5  }
0xe: {  	[smem:$0x3FA9] =	sst s6  }
0xf: {  	[smem:$0x3FAA] =	sst s7  }
0x10: {  	[smem:$0x3FAB] =	sst s8  }
0x11: {  	[smem:$0x3FAC] =	sst s9;
	s0 =	simm.s32 @!p0 $0x0  }
0x12: {  	s1 =	sld [smem:$0x3F92];
	s0 =	simm.s32 @p0 $0x1  }
0x13: {  	[smem:$0x3FAD] =	sst s0;
	s0 =	simm.s32 @!p1 $0x0  }
0x14: {  	s2 =	sld [smem:$0x3F91];
	s0 =	simm.s32 @p1 $0x1  }
0x15: {  	[smem:$0x3FAE] =	sst s0;
	s0 =	simm.s32 @!p2 $0x0  }
0x16: {  	s3 =	sld [smem:$0x3FDB];
	s0 =	simm.s32 @p2 $0x1  }
0x17: {  	s4 =	simm.s32 $0x1BF5;
	[smem:$0x3FB0] =	sst s0  }
0x18: {  	s0 =	sld [smem:$0x3F93];
	_ =	swait.ge [sflag:s4], $0x0  }
0x19: {  	s7 =	sld [smem:$0x3F94]  }
0x1a: {  	s8 =	sadd.s32 $0xFFFFE003, lr  }
0x1b: {  	s9 =	sadd.s32 $0xFFFFFEF7, lr;
	s5 =	simm.s32 $0xFFFFFFFF;
	p2 =	slt.u32 s8, $0xFFFFF086  }
0x1c: {  	p1 =	slt.u32 s9, $0xF7A;
	s5 =	simm.s32 @!p2 $0x0  }
0x1d: {  	s5 =	simm.s32 @p1 $0x1;
	p0 =	seq.s32 s7, s2  }
0x1e: {  	s7 =	smul.u32 @!p0 $0xF7A, s2;
	p2 =	seq.s32 @!p0 s5, $0x0  }
0x1f: {  	s9 =	smul.u32 $0xF7A, s1;
	s8 =	simm.s32 @!p0 $0x1BF5;
	p2 =	por !p2, p0  }
0x20: {  	[sflag:s8] =	ssyncset.s32 @!p0 $0xFFFFF086;
	s6 =	sadd.s32 @!p0 s3, s7;
	s7 =	simm.s32 @!p0 $0x108  }
0x21: {  	s3 =	sadd.s32 s3, s9;
	s6 =	sadd.s32 @!p0 $0x88, s6;
	s7 =	simm.s32 @p2 $0x1082  }
0x22: {  	[simem:s7], [sflag:s8] =	dma.local @!p0 [hbm:s6], $0xF7A  }
0x23: {  	s9 =	sor.u32 $0xD0000000, s2;
	s6 =	simm.s32 $0x108;
	_ =	swait.ge @!p0 [sflag:s8], $0x0  }
0x24: {  	s3 =	sadd.s32 $0x88, s3;
	s6 =	simm.s32 @!p1 $0x1082;
	[sflag:s4] =	ssyncset.s32 $0xFFFFF086  }
0x25: {  	[simem:s6], [sflag:s4] =	dma.local [hbm:s3], $0xF7A  }
0x26: {  	[smem:$0x3F94] =	sst s1;
	(tag) =	ssettag s2;
	_ =	strace s9  }
0x27: {  	s1 =	sld [smem:$0x3FA4]  }
0x28: {  	s2 =	sld [smem:$0x3FA5]  }
0x29: {  	s4 =	sld [smem:$0x3FA7]  }
0x2a: {  	p0 =	seq.s32 s5, $0x0;
	s5 =	sld [smem:$0x3FA8]  }
0x2b: {  	s6 =	sld [smem:$0x3FA9]  }
0x2c: {  	s7 =	sld [smem:$0x3FAA]  }
0x2d: {  	s3 =	simm.s32 $0x108;
	s8 =	sld [smem:$0x3FAB]  }
0x2e: {  	s3 =	simm.s32 @!p0 $0x1082;
	s9 =	sld [smem:$0x3FAC]  }
0x2f: {  	lr =	sadd.s32 s0, s3;
	s0 =	sld [smem:$0x3FA3]  }
0x30: {  	s3 =	sld [smem:$0x3FA6]  }
0x31: {  	[smem:$0x3FAF] =	sst s10  }
0x32: {  	s10 =	sld [smem:$0x3FAD];
	_ =	sdelay $0x3  }
0x33: {  	p0 =	seq.s32 s10, $0x1;
	s10 =	sld [smem:$0x3FAF];
	_ =	sdelay $0x3  }
0x34: {  	[smem:$0x3FAF] =	sst s10  }
0x35: {  	s10 =	sld [smem:$0x3FAE];
	_ =	sdelay $0x3  }
0x36: {  	p1 =	seq.s32 s10, $0x1;
	s10 =	sld [smem:$0x3FAF];
	_ =	sdelay $0x3  }
0x37: {  	[smem:$0x3FAF] =	sst s10  }
0x38: {  	s10 =	sld [smem:$0x3FB0]  }
0x39: {  	_ = 	snop;
	(pc) =	sbr.ind lr, $3  }
0x3a: {  	_ = 	snop  }
0x3b: {  	_ = 	snop  }
0x3c: {  	p2 =	seq.s32 s10, $0x1;
	s10 =	sld [smem:$0x3FAF]  }
0x3d: {  	_ =	shalt  }
0x3e: {  	_ =	shalt  }
0x3f: {  	_ =	shalt  }
0x40: {  	_ =	shalt  }
0x41: {  	_ =	shalt  }
0x42: {  	_ =	shalt  }
0x43: {  	_ =	shalt  }
0x44: {  	_ =	shalt  }
0x45: {  	_ =	shalt  }
0x46: {  	_ =	shalt  }
0x47: {  	_ =	shalt  }
0x48: {  	_ =	shalt  }
0x49: {  	_ =	shalt  }
0x4a: {  	_ =	shalt  }
0x4b: {  	_ =	shalt  }
0x4c: {  	_ =	shalt  }
0x4d: {  	_ =	shalt  }
0x4e: {  	_ =	shalt  }
0x4f: {  	_ =	shalt  }
0x50: {  	_ =	shalt  }
0x51: {  	_ =	shalt  }
0x52: {  	_ =	shalt  }
0x53: {  	_ =	shalt  }
0x54: {  	_ =	shalt  }
0x55: {  	_ =	shalt  }
0x56: {  	_ =	shalt  }
0x57: {  	_ =	shalt  }
0x58: {  	_ =	shalt  }
0x59: {  	_ =	shalt  }
0x5a: {  	_ =	shalt  }
0x5b: {  	_ =	shalt  }
0x5c: {  	_ =	shalt  }
0x5d: {  	_ =	shalt  }
0x5e: {  	_ =	shalt  }
0x5f: {  	_ =	shalt  }
0x60: {  	_ =	shalt  }
0x61: {  	_ =	shalt  }
0x62: {  	_ =	shalt  }
0x63: {  	_ =	shalt  }
0x64: {  	_ =	shalt  }
0x65: {  	_ =	shalt  }
0x66: {  	_ =	shalt  }
0x67: {  	_ =	shalt  }
0x68: {  	_ =	shalt  }
0x69: {  	_ =	shalt  }
0x6a: {  	_ =	shalt  }
0x6b: {  	_ =	shalt  }
0x6c: {  	_ =	shalt  }
0x6d: {  	_ =	shalt  }
0x6e: {  	_ =	shalt  }
0x6f: {  	_ =	shalt  }
0x70: {  	_ =	shalt  }
0x71: {  	_ =	shalt  }
0x72: {  	_ =	shalt  }
0x73: {  	_ =	shalt  }
0x74: {  	_ =	shalt  }
0x75: {  	_ =	shalt  }
0x76: {  	_ =	shalt  }
0x77: {  	_ =	shalt  }
0x78: {  	_ =	shalt  }
0x79: {  	_ =	shalt  }
0x7a: {  	_ =	shalt  }
0x7b: {  	_ =	shalt  }
0x7c: {  	_ =	shalt  }
0x7d: {  	_ =	shalt  }
0x7e: {  	_ =	shalt  }
0x7f: {  	_ =	shalt  }
0x80: {  	_ =	shalt  }
0x81: {  	_ =	shalt  }
0x82: {  	_ =	shalt  }
0x83: {  	_ =	shalt  }
0x84: {  	_ =	shalt  }
0x85: {  	_ =	shalt  }
0x86: {  	_ =	shalt  }
0x87: {  	_ =	shalt  }
.Lfunc_end0:
.L_simem_size_0:
called_computation.1_lowered:
.L_overlay_start_0:
0x88: {  	s2 =	sld [smem:$0x3FD9]  }
0x89: {  	s3 =	sld [smem:$0x3FFE];
	_ =	sdelay $0x1  }
0x8a: {  	s1 =	srdreg.scid  }
0x8b: {  	s0 =	sand.u32 $0x1, s1  }
0x8c: {  	s17 =	sshll.u32 s0, $0xA;
	s2 =	sadd.s32 s3, s2  }
0x8d: {  	s2 =	sadd.s32 s2, s17  }
0x8e: {  	[smem:$0x3FBB] =	sst s2  }
0x8f: {  	_ = 	snop  }
0x90: {  	(tm) =	ssettm $0x1  }
0x91: {  	s18 =	sld [smem:$0x3FFB];
	_ =	sdelay $0x3  }
0x92: {  	_ =	strace s18  }
0x93: {  	s2 =	sld [smem:$0x3FFC];
	_ =	sdelay $0x3  }
0x94: {  	_ =	strace s2  }
0x95: {  	s2 =	sld [smem:$0x3FFD];
	_ =	sdelay $0x3  }
0x96: {  	_ =	strace s2  }
0x97: {  	_ =	strace $0x8FFFFFFF  }
0x98: {  	s19 =	sld [smem:$0x3FDB];
	_ =	sdelay $0x1  }
0x99: {  	s20 =	simm.s32 $_scs_section_size  }
0x9a: {  	s4 =	simm.s32 $_size__tile_overlayer_lowered;
	s5 =	simm.s32 $_tile_overlayer_lowered  }
0x9b: {  	s6 =	simm.s32 $0x1BFF;
	s21 =	sshll.u32 s5, $0x1;
	s3 =	sadd.s32 s20, s19  }
0x9c: {  	s22 =	simm.s32 $0x0;
	s4 =	sshll.u32 s4, $0x1;
	s5 =	sadd.s32 s21, s3  }
0x9d: {  	[timem:s22], [sflag:s6] =	dma.local [hbm:s5], s4  }
0x9e: {  	_ =	swait.ge [sflag:s6], s4  }
0x9f: {  	s4 =	ssub.s32 $0x0, s4;
	[sflag:s6] =	ssyncset.done $0x0  }
0xa0: {  	[sflag:s6] =	ssyncadd.s32 s4;
	_ =	sdelay $0x1  }
0xa1: {  	s23 =	simm.s32 $0x1B8B  }
0xa2: {  	_ =	swait.ge [sflag:s23], $0x1  }
0xa3: {  	[sflag:s23] =	ssyncset.done $0x0  }
0xa4: {  	[sflag:s23] =	ssyncadd.s32 $0xFFFFFFFF  }
0xa5: {  	s4 =	sld [smem:$0x0]  }
0xa6: {  	s5 =	sand.u32 $0xFFFFFFFE, s1  }
0xa7: {  	p0 =	sne.s32 s1, s5  }
0xa8: {  	s5 =	sshll.u32 @p0 s5, $0xE  }
0xa9: {  	s5 =	sadd.s32 @p0 $0x11B8D, s5;
	s6 =	sshll.u32 @p0 s4, $0x11  }
0xaa: {  	s5 =	sor.u32 @p0 s6, s5  }
0xab: {  	[sflag:s5] =	ssyncadd.remote.s32 @p0 $0x1;
	_ =	sdelay $0x1  }
0xac: {  	s5 =	simm.s32 @p0 $0x1B8D  }
0xad: {  	_ =	swait.eq @p0 [sflag:s5], $0x1  }
0xae: {  	[sflag:s5] =	ssyncadd.s32 @p0 $0xFFFFFFFF  }
0xaf: {  	s6 =	sshll.u32 @!p0 s1, $0xE  }
0xb0: {  	s6 =	sor.u32 @!p0 $0x4000, s6;
	s5 =	simm.s32 @!p0 $0x1B8D  }
0xb1: {  	s4 =	sshll.u32 @!p0 s4, $0x11;
	s6 =	sadd.s32 @!p0 $0x11B8D, s6;
	_ =	swait.eq @!p0 [sflag:s5], $0x1  }
0xb2: {  	s4 =	sor.u32 @!p0 s4, s6;
	[sflag:s5] =	ssyncadd.s32 @!p0 $0xFFFFFFFF  }
0xb3: {  	s25 =	simm.s32 $0x1B8E;
	s24 =	sld [smem:$0x3FFE];
	[sflag:s4] =	ssyncadd.remote.s32 @!p0 $0x1  }
0xb4: {  	s26 =	simm.s32 $execute0_lowered;
	[smem:$0x3FD2] =	sst s25  }
0xb5: {  	s5 =	sshll.u32 s26, $0x1;
	_ =	strace $0x8000004C;
	[dreg:$0x1] =	wrdreg $0xFFFFFFFF  }
0xb6: {  	s28 =	simm.s32 $_size_execute0_lowered;
	s3 =	sadd.s32 s3, s5;
	[dreg:$0x0] =	wrdreg $0x0  }
0xb7: {  	s5 =	sshll.u32 s28, $0x1;
	[dreg:$0x2] =	wrdreg s3  }
0xb8: {  	[dreg:$0x3] =	wrdreg s5  }
0xb9: {  	[dreg:$0x4] =	wrdreg $0xC0  }
0xba: {  	_ =	task [dreg:s22], $0x5FFFF  }
0xbb: {  	[dreg:$0x1] =	wrdreg $0xFFFFFFFF  }
0xbc: {  	[dreg:$0x0] =	wrdreg $0x60  }
0xbd: {  	[dreg:$0x2] =	wrdreg s24  }
0xbe: {  	[dreg:$0x3] =	wrdreg $0x81000  }
0xbf: {  	[dreg:$0x4] =	wrdreg $0xA  }
0xc0: {  	_ =	task.clear_ibuf [dreg:s22], $0x5FFFF;
	_ =	strace $0x9000004C  }
0xc1: {  	s29 =	simm.s32 $0xA;
	_ =	strace $0x8000004E  }
0xc2: {  	_ =	swait.ge [sflag:s29], $0x1  }
0xc3: {  	[sflag:s29] =	ssyncadd.s32 $0xFFFFFFFF  }
0xc4: {  	_ =	strace $0x9000004E  }
0xc5: {  	_ =	sfence  }
0xc6: {  	s30 =	sld [smem:$0x0];
	_ =	sdelay $0x2  }
0xc7: {  	s31 =	sshll.u32 s1, $0xD;
	s1 =	sshrl.u32 s1, $0x2  }
0xc8: {  	s4 =	sand.u32 $0x4000, s31;
	s1 =	sadd.s32 s1, s30  }
0xc9: {  	s0 =	sor.u32 s4, s0;
	s1 =	sshll.u32 s1, $0x11  }
0xca: {  	s0 =	sor.u32 s1, s0  }
0xcb: {  	s0 =	sadd.s32 $0x8F2B, s0  }
0xcc: {  	[sflag:s0] =	ssyncadd.remote.s32 $0x1  }
0xcd: {  	_ =	sfence.sel $0xFFFF  }
0xce: {  	[dreg:$0x0] =	wrdreg $0xFFFFFFFF;
	(pc) =	sbr.abs _section_cstart, $3  }
0xcf: {  	[dreg:$0x1] =	wrdreg $0xFFFFFFFF  }
0xd0: {  	_ =	task.clear_ibuf [dreg:s22], $0x2FFFF;
	_ =	strace $0x9FFFFFFF  }
0xd1: {  	(tm) =	ssettm $0x7FFFFFFF  }
tec
execute0_lowered:
.L_overlay_start_1:
0x0: {  	(tag) =	ssettag $0x1  }
0x1: {  	s0 =	rddreg [dreg:$0x0]  }
0x2: {  	s1 =	srdreg.scid;
	s2 =	rddreg [dreg:$0x1]  }
0x3: {  	s15 =	stileid.u32;
	s3 =	simm.s32 $0x0;
	s18 =	simm.s32 $0x100  }
0x4: {  	s19 =	simm.s32 $0x80;
	s21 =	simm.s32 $0x1;
	s1 =	sand.u32 $0x1, s1  }
0x5: {  	s5 =	smul.u32 $0x14000, s15;
	[smem:$0x7FF] =	sst s3;
	s13 =	sadd.s32 $0x117CE00, s0  }
0x6: {  	s7 =	sshll.u32 s15, $0x1;
	s8 =	smul.u32 $0x50000, s15;
	s25 =	sshll.u32 s15, $0x6  }
0x7: {  	s30 =	sshll.u32 s15, $0xC;
	s15 =	sshll.u32 s15, $0x8;
	s4 =	smul.u32 $0x140000, s1  }
0x8: {  	_ =	strace $0x8000004D;
	s6 =	ssub.s32 $0x2, s1;
	s10 =	sor.u32 s1, s7  }
0x9: {  	s7 =	sor.u32 $0x1C03, s25;
	s16 =	sshll.u32 s1, $0x7;
	s1 =	sshll.u32 s1, $0xB  }
0xa: {  	s22 =	sshrl.u32 s6, $0x1;
	s23 =	ssub.s32 $0x501, s10;
	s24 =	sshrl.u32 s8, $0x2  }
0xb: {  	s11 =	sshll.u32 s10, $0x7;
	s29 =	sshll.u32 s10, $0x4;
	s12 =	sshll.u32 s10, $0xB  }
0xc: {  	s15 =	sor.u32 s16, s15;
	s5 =	sadd.s32 s5, s4;
	s4 =	sadd.s32 $0x8A00, s0  }
0xd: {  	s9 =	ssub.s32 s6, s22;
	s17 =	sadd.s32 s24, s2;
	s28 =	sor.u32 $0x1000, s11  }
0xe: {  	s11 =	sadd.s32 s13, s12;
	s16 =	sor.u32 $0x3000, s15;
	s15 =	sor.u32 $0x2000, s15  }
0xf: {  	s22 =	simm.s32 $0x3;
	s5 =	sshrl.u32 s5, $0x3;
	s9 =	smax.u32 s9, $0x1  }
0x10: {  	s14 =	sshrl.u32 s28, $0x3;
	s10 =	sadd.s32 s4, s29;
	s31 =	sshrl.u32 s16, $0x3  }
0x11: {  	s17 =	sshrl.u32 s17, $0x3;
	s0 =	sadd.s32 s5, s0;
	s5 =	sshrl.u32 s23, $0x5  }
0x12: {  	s12 =	sadd.s32 s4, s14;
	s14 =	sadd.s32 s30, s13;
	s16 =	sadd.s32 s31, s4  }
0x13: {  	s23 =	simm.s32 $0x0;
	s26 =	sadd.s32 $0xF0BE00, s0;
	s0 =	sadd.s32 $0xF5BE00, s0  }
0x14: {  	s1 =	sadd.s32 s1, s14;
	[dreg:$0x4] =	wrdreg s0;
	s0 =	sshll.u32 s28, $0x4  }
0x15: {  	[dreg:$0x3] =	wrdreg s26;
	s14 =	sadd.s32 $0x20000, s1;
	s13 =	sadd.s32 s13, s0  }
.LBB2_1:
0x16: {  	s0 =	rddreg [dreg:$0x3]  }
0x17: {  	[spmem:s17], [sflag:s7] =	dma.local [hbm:s0], $0x2800  }
0x18: {  	_ =	swait.ge [sflag:s22], $0x2800  }
0x19: {  	[sflag:s22] =	ssyncset.done $0x0  }
0x1a: {  	[sflag:s22] =	ssyncadd.s32 $0xFFFFD800  }
0x1b: {  	[bflag:$0x0] =	sbarrier.arrive $0xFFFF  }
0x1c: {  	[tilespmem:s3], [sflag:$0x1] =	stream.linear.gather [hbm4b:s10+s3], $0x80, $0x38;
	[tilespmem:$0x1C100] =	vst v63  }
0x1d: {  	_ = 	snop  }
0x1e: {  	[tilespmem:s18], [sflag:$0x1] =	stream.linear.gather [hbm4b:s11+s3], $0x4000, $0x38;
	[tilespmem:$0x1C100] =	vst v63  }
0x1f: {  	_ = 	snop  }
0x20: {  	[tilespmem:s19], [sflag:$0x2] =	stream.linear.gather [hbm4b:s12+s3], $0x80, $0x38;
	[tilespmem:$0x1C100] =	vst v63  }
0x21: {  	s26 =	simm.s32 $0x4100  }
0x22: {  	[tilespmem:s26], [sflag:$0x2] =	stream.linear.gather [hbm4b:s13+s3], $0x4000, $0x38;
	[tilespmem:$0x1C100] =	vst v63  }
0x23: {  	_ =	swait.ge [sflag:s21], $0x80  }
0x24: {  	[sflag:s21] =	ssyncset.done $0x0  }
0x25: {  	[sflag:s21] =	ssyncadd.s32 $0xFFFFFF80  }
0x26: {  	_ =	swait.ge [sflag:s21], $0x4000  }
0x27: {  	[sflag:s21] =	ssyncset.done $0x0  }
0x28: {  	[sflag:s21] =	ssyncadd.s32 $0xFFFFC000  }
0x29: {  	[spmem:s2] =	stream.indirect.scatter.add.f32 [tilespmem:s18], [sflag:$0x3], $0x80, s3, s19, $0xb8;
	[tilespmem:$0x1C100] =	vst v63  }
0x2a: {  	p0 =	sle.u32 s5, $0x2;
	p1 =	slt.u32 s5, $0x2;
	_ =	swait.ge [sflag:s22], $0x4000  }
0x2b: {  	s0 =	sshrl.u32 @!p0 s15, $0x3;
	s1 =	simm.s32 @!p0 $0x0;
	[sflag:s22] =	ssyncset.done $0x0  }
0x2c: {  	s0 =	sadd.s32 @!p0 s4, s0;
	p0 =	por p0, p0;
	[sflag:s22] =	ssyncadd.s32 $0xFFFFC000  }
0x2d: {  	[tilespmem:s1], [sflag:$0x1] =	stream.linear.gather @!p0 [hbm4b:s0+s1], $0x80, $0x38;
	[tilespmem:$0x1C100] =	vst v63  }
0x2e: {  	s28 =	simm.s32 @!p0 $0x100;
	s0 =	simm.s32 @!p1 $0x2  }
0x2f: {  	[tilespmem:s28], [sflag:$0x1] =	stream.linear.gather @!p0 [hbm4b:s14+s1], $0x4000, $0x38;
	[tilespmem:$0x1C100] =	vst v63  }
0x30: {  	_ =	swait.ge @!p1 [sflag:s0], $0x80  }
0x31: {  	[sflag:s0] =	ssyncset.done @!p1 $0x0  }
0x32: {  	[sflag:s0] =	ssyncadd.s32 @!p1 $0xFFFFFF80  }
0x33: {  	_ =	swait.ge @!p1 [sflag:s0], $0x4000  }
0x34: {  	s24 =	simm.s32 @!p1 $0x4;
	[sflag:s0] =	ssyncset.done @!p1 $0x0  }
0x35: {  	s25 =	simm.s32 @!p1 $0x4100;
	[sflag:s0] =	ssyncadd.s32 @!p1 $0xFFFFC000;
	s0 =	simm.s32 @!p1 $0x80  }
0x36: {  	[spmem:s2] =	stream.indirect.scatter.add.f32 @!p1 [tilespmem:s25], [sflag:$0x4], $0x80, s0, s0, $0xb8;
	[tilespmem:$0x1C100] =	vst v63  }
0x37: {  	_ =	swait.ge @!p1 [sflag:s24], $0x4000  }
0x38: {  	p2 =	sle.u32 s5, $0x3;
	[sflag:s24] =	ssyncset.done @!p1 $0x0  }
0x39: {  	s0 =	simm.s32 @!p2 $0x0;
	[sflag:s24] =	ssyncadd.s32 @!p1 $0xFFFFC000;
	s24 =	simm.s32 @!p2 $0x80  }
0x3a: {  	[tilespmem:s24], [sflag:$0x2] =	stream.linear.gather @!p2 [hbm4b:s16+s0], $0x80, $0x38;
	[tilespmem:$0x1C100] =	vst v63  }
0x3b: {  	s30 =	simm.s32 @!p0 $0x1;
	s25 =	simm.s32 @!p2 $0x4100;
	s24 =	sadd.s32 @!p2 $0x10000, s14  }
0x3c: {  	[tilespmem:s25], [sflag:$0x2] =	stream.linear.gather @!p2 [hbm4b:s24+s0], $0x4000, $0x38;
	[tilespmem:$0x1C100] =	vst v63  }
0x3d: {  	_ =	swait.ge @!p0 [sflag:s30], $0x80  }
0x3e: {  	[sflag:s30] =	ssyncset.done @!p0 $0x0  }
0x3f: {  	s29 =	simm.s32 $0x7;
	[sflag:s30] =	ssyncadd.s32 @!p0 $0xFFFFFF80  }
0x40: {  	p3 =	sle.u32 s5, $0x4;
	s31 =	simm.s32 @!p0 $0x3;
	_ =	swait.ge @!p0 [sflag:s30], $0x4000  }
0x41: {  	s26 =	sadd.s32 $0x400, s16;
	s25 =	simm.s32 $0x5;
	[sflag:s30] =	ssyncset.done @!p0 $0x0  }
0x42: {  	s24 =	sadd.s32 $0x20000, s14;
	[sflag:s30] =	ssyncadd.s32 @!p0 $0xFFFFC000;
	s30 =	simm.s32 @!p0 $0x80  }
0x43: {  	[spmem:s2] =	stream.indirect.scatter.add.f32 @!p0 [tilespmem:s28], [sflag:$0x3], $0x80, s1, s30, $0xb8;
	[tilespmem:$0x1C100] =	vst v63  }
0x44: {  	s0 =	simm.s32 $0x4;
	s30 =	sadd.s32 $0x2000, s15;
	_ =	swait.ge @!p0 [sflag:s31], $0x4000  }
0x45: {  	s28 =	simm.s32 @!p3 $0x0;
	s1 =	sshrl.u32 @!p3 s30, $0x3;
	[sflag:s31] =	ssyncset.done @!p0 $0x0  }
.LBB2_2:
0x46: {  	s1 =	sadd.s32 @!p3 s4, s1;
	p2 =	sgt.u32 s0, s5  }
0x47: {  	[sflag:s31] =	ssyncadd.s32 @!p0 $0xFFFFC000;
	s0 =	smov.u32 s29;
	p0 =	por p3, p3  }
0x48: {  	[tilespmem:s28], [sflag:$0x1] =	stream.linear.gather @!p0 [hbm4b:s1+s28], $0x80, $0x38;
	[tilespmem:$0x1C100] =	vst v63  }
0x49: {  	s29 =	sadd.s32 $0x2, s29;
	s1 =	simm.s32 @!p0 $0x100;
	s31 =	simm.s32 @!p2 $0x2  }
0x4a: {  	[tilespmem:s1], [sflag:$0x1] =	stream.linear.gather @!p0 [hbm4b:s24+s28], $0x4000, $0x38;
	[tilespmem:$0x1C100] =	vst v63  }
0x4b: {  	p1 =	sne.s32 s29, $0x2B;
	_ =	swait.ge @!p2 [sflag:s31], $0x80  }
0x4c: {  	[sflag:s31] =	ssyncset.done @!p2 $0x0  }
0x4d: {  	[sflag:s31] =	ssyncadd.s32 @!p2 $0xFFFFFF80  }
0x4e: {  	_ =	swait.ge @!p2 [sflag:s31], $0x4000  }
0x4f: {  	s20 =	simm.s32 @!p2 $0x4;
	[sflag:s31] =	ssyncset.done @!p2 $0x0  }
0x50: {  	s6 =	simm.s32 @!p2 $0x4100;
	[sflag:s31] =	ssyncadd.s32 @!p2 $0xFFFFC000;
	s31 =	simm.s32 @!p2 $0x80  }
0x51: {  	[spmem:s2] =	stream.indirect.scatter.add.f32 @!p2 [tilespmem:s6], [sflag:$0x4], $0x80, s31, s31, $0xb8;
	[tilespmem:$0x1C100] =	vst v63  }
0x52: {  	_ =	swait.ge @!p2 [sflag:s20], $0x4000  }
0x53: {  	p3 =	sge.u32 s25, s5;
	s25 =	smov.u32 s0;
	[sflag:s20] =	ssyncset.done @!p2 $0x0  }
0x54: {  	s0 =	simm.s32 @!p3 $0x0;
	s6 =	simm.s32 @!p3 $0x80;
	[sflag:s20] =	ssyncadd.s32 @!p2 $0xFFFFC000  }
0x55: {  	[tilespmem:s6], [sflag:$0x2] =	stream.linear.gather @!p3 [hbm4b:s26+s0], $0x80, $0x38;
	[tilespmem:$0x1C100] =	vst v63  }
0x56: {  	s8 =	simm.s32 @!p0 $0x1;
	s20 =	simm.s32 @!p3 $0x4100;
	s6 =	sadd.s32 @!p3 $0x10000, s24  }
0x57: {  	[tilespmem:s20], [sflag:$0x2] =	stream.linear.gather @!p3 [hbm4b:s6+s0], $0x4000, $0x38;
	[tilespmem:$0x1C100] =	vst v63  }
0x58: {  	_ =	swait.ge @!p0 [sflag:s8], $0x80  }
0x59: {  	[sflag:s8] =	ssyncset.done @!p0 $0x0  }
0x5a: {  	[sflag:s8] =	ssyncadd.s32 @!p0 $0xFFFFFF80  }
0x5b: {  	s24 =	sadd.s32 $0x20000, s24;
	s26 =	sadd.s32 $0x400, s26;
	_ =	swait.ge @!p0 [sflag:s8], $0x4000  }
.Ltmp0:
0x5c: {  	s31 =	simm.s32 @!p0 $0x3;
	[sflag:s8] =	ssyncset.done @!p0 $0x0;
	(pc) =	sbr.rel @p1 .LBB2_2-.Ltmp0, $4  }
0x5d: {  	s0 =	sadd.s32 $0xFFFFFFFF, s25;
	s6 =	simm.s32 @!p0 $0x80;
	[sflag:s8] =	ssyncadd.s32 @!p0 $0xFFFFC000  }
0x5e: {  	[spmem:s2] =	stream.indirect.scatter.add.f32 @!p0 [tilespmem:s1], [sflag:$0x3], $0x80, s28, s6, $0xb8;
	[tilespmem:$0x1C100] =	vst v63  }
0x5f: {  	s30 =	sadd.s32 $0x2000, s30;
	p3 =	sge.u32 s0, s5;
	_ =	swait.ge @!p0 [sflag:s31], $0x4000  }
0x60: {  	s1 =	sshrl.u32 @!p3 s30, $0x3;
	s28 =	simm.s32 @!p3 $0x0;
	[sflag:s31] =	ssyncset.done @!p0 $0x0  }
0x61: {  	s1 =	sadd.s32 @!p3 s4, s1  }
0x62: {  	p1 =	sgt.u32 s0, s5;
	[sflag:s31] =	ssyncadd.s32 @!p0 $0xFFFFC000;
	p0 =	por p3, p3  }
0x63: {  	[tilespmem:s28], [sflag:$0x1] =	stream.linear.gather @!p0 [hbm4b:s1+s28], $0x80, $0x38;
	[tilespmem:$0x1C100] =	vst v63  }
0x64: {  	s0 =	simm.s32 @!p0 $0x100;
	s1 =	simm.s32 @!p1 $0x2  }
0x65: {  	[tilespmem:s0], [sflag:$0x1] =	stream.linear.gather @!p0 [hbm4b:s24+s28], $0x4000, $0x38;
	[tilespmem:$0x1C100] =	vst v63  }
0x66: {  	_ =	swait.ge @!p1 [sflag:s1], $0x80  }
0x67: {  	[sflag:s1] =	ssyncset.done @!p1 $0x0  }
0x68: {  	[sflag:s1] =	ssyncadd.s32 @!p1 $0xFFFFFF80  }
0x69: {  	_ =	swait.ge @!p1 [sflag:s1], $0x4000  }
0x6a: {  	s6 =	simm.s32 @!p1 $0x4;
	[sflag:s1] =	ssyncset.done @!p1 $0x0  }
0x6b: {  	s8 =	simm.s32 @!p1 $0x4100;
	[sflag:s1] =	ssyncadd.s32 @!p1 $0xFFFFC000;
	s1 =	simm.s32 @!p1 $0x80  }
0x6c: {  	[spmem:s2] =	stream.indirect.scatter.add.f32 @!p1 [tilespmem:s8], [sflag:$0x4], $0x80, s1, s1, $0xb8;
	[tilespmem:$0x1C100] =	vst v63  }
0x6d: {  	_ =	swait.ge @!p1 [sflag:s6], $0x4000  }
0x6e: {  	p2 =	sge.u32 s25, s5;
	[sflag:s6] =	ssyncset.done @!p1 $0x0  }
0x6f: {  	s1 =	simm.s32 @!p2 $0x0;
	[sflag:s6] =	ssyncadd.s32 @!p1 $0xFFFFC000;
	s6 =	simm.s32 @!p2 $0x80  }
0x70: {  	[tilespmem:s6], [sflag:$0x2] =	stream.linear.gather @!p2 [hbm4b:s26+s1], $0x80, $0x38;
	[tilespmem:$0x1C100] =	vst v63  }
0x71: {  	s20 =	simm.s32 @!p0 $0x1;
	s8 =	simm.s32 @!p2 $0x4100;
	s6 =	sadd.s32 @!p2 $0x10000, s24  }
0x72: {  	[tilespmem:s8], [sflag:$0x2] =	stream.linear.gather @!p2 [hbm4b:s6+s1], $0x4000, $0x38;
	[tilespmem:$0x1C100] =	vst v63  }
0x73: {  	_ =	swait.ge @!p0 [sflag:s20], $0x80  }
0x74: {  	[sflag:s20] =	ssyncset.done @!p0 $0x0  }
0x75: {  	[sflag:s20] =	ssyncadd.s32 @!p0 $0xFFFFFF80  }
0x76: {  	_ =	swait.ge @!p0 [sflag:s20], $0x4000  }
0x77: {  	[sflag:s20] =	ssyncset.done @!p0 $0x0  }
0x78: {  	s1 =	simm.s32 @!p0 $0x3;
	s6 =	simm.s32 @!p0 $0x80;
	[sflag:s20] =	ssyncadd.s32 @!p0 $0xFFFFC000  }
0x79: {  	[spmem:s2] =	stream.indirect.scatter.add.f32 @!p0 [tilespmem:s0], [sflag:$0x3], $0x80, s28, s6, $0xb8;
	[tilespmem:$0x1C100] =	vst v63  }
0x7a: {  	_ =	swait.ge @!p0 [sflag:s1], $0x4000  }
0x7b: {  	[sflag:s1] =	ssyncset.done @!p0 $0x0  }
0x7c: {  	s23 =	sadd.s32 $0x1, s23;
	[sflag:s1] =	ssyncadd.s32 @!p0 $0xFFFFC000  }
0x7d: {  	p0 =	sne.s32 s23, s9;
	[bflag:$0x0] =	sbarrier.arrive $0xFFFF  }
.Ltmp1:
0x7e: {  	s31 =	rddreg [dreg:$0x4];
	(pc) =	sbr.rel @p0 .LBB2_1-.Ltmp1, $4  }
0x7f: {  	[hbm:s31], [sflag:s7] =	dma.local [spmem:s17], $0x2800  }
0x80: {  	_ =	swait.ge [sflag:s22], $0x2800  }
0x81: {  	[sflag:s22] =	ssyncset.done $0x0  }
0x82: {  	[sflag:s22] =	ssyncadd.s32 $0xFFFFD800  }
0x83: {  	_ =	sfence.sel $0x180000  }
0x84: {  	[bflag:$0x0] =	sbarrier.arrive $0xFFFF  }
0x85: {  	_ =	strace $0x9000004D  }
0x86: {  	s0 =	stileid.u32;
	[bflag:$0x2] =	sbarrier.arrive $0xFFFF  }
0x87: {  	p0 =	sne.s32 s0, $0x0;
	s0 =	rddreg [dreg:$0x2]  }
0x88: {  	s0 =	sadd.s32 @!p0 $0x100000, s0  }
0x89: {  	[sflag:s0] =	ssyncadd.tile.s32 @!p0 $0x1;
	_ =	shalt  }
.Lfunc_end2:
_tile_overlayer_lowered:
.L_overlay_start_2:
0x8a: {  	(tag) =	ssettag $0x2  }
0x8b: {  	s0 =	rddreg [dreg:$0x0];
	s2 =	stileid.u32  }
0x8c: {  	s1 =	rddreg [dreg:$0x1];
	p0 =	sne.s32 s2, $0x0  }
0x8d: {  	s3 =	rddreg [dreg:$0x2];
	[bflag:$0x3] =	sbarrier.arrive $0xFFFF;
	s2 =	simm.s32 @!p0 $0x1C03  }
0x8e: {  	[timem:s3], [sflag:s2] =	dma.local @!p0 [hbm:s0], s1  }
0x8f: {  	s0 =	simm.s32 @!p0 $0x3  }
0x90: {  	_ =	swait.ge @!p0 [sflag:s0], s1  }
0x91: {  	s1 =	ssub.s32 @!p0 $0x0, s1;
	[sflag:s0] =	ssyncset.done @!p0 $0x0  }
0x92: {  	[sflag:s0] =	ssyncadd.s32 @!p0 s1  }
0x93: {  	[bflag:$0x3] =	sbarrier.arrive $0xFFFF  }
0x94: {  	_ =	shalt  }

// kernel: kernel.16.cloned.1.call-start
scs
__scs_entry_jumppad:
0x0: {  	(pc) =	sbr.rel $0x88, $3  }
0x1: {  	(tag) =	ssettag $0x0;
	lr =	simm.s32 $0x1  }
0x2: {  	[smem:$0x3F94] =	sst lr;
	_ =	strace $0xD0000000  }
0x3: {  	_ = 	snop  }
0x4: {  	_ = 	snop  }
0x5: {  	_ = 	snop  }
0x6: {  	_ = 	snop  }
0x7: {  	_ = 	snop  }
__scs_overlays_trampoline_lowered:
0x8: {  	[smem:$0x3FA3] =	sst s0  }
0x9: {  	[smem:$0x3FA4] =	sst s1  }
0xa: {  	[smem:$0x3FA5] =	sst s2  }
0xb: {  	[smem:$0x3FA6] =	sst s3  }
0xc: {  	[smem:$0x3FA7] =	sst s4  }
0xd: {  	[smem:$0x3FA8] =	sst s5  }
0xe: {  	[smem:$0x3FA9] =	sst s6  }
0xf: {  	[smem:$0x3FAA] =	sst s7  }
0x10: {  	[smem:$0x3FAB] =	sst s8  }
0x11: {  	[smem:$0x3FAC] =	sst s9;
	s0 =	simm.s32 @!p0 $0x0  }
0x12: {  	s1 =	sld [smem:$0x3F92];
	s0 =	simm.s32 @p0 $0x1  }
0x13: {  	[smem:$0x3FAD] =	sst s0;
	s0 =	simm.s32 @!p1 $0x0  }
0x14: {  	s2 =	sld [smem:$0x3F91];
	s0 =	simm.s32 @p1 $0x1  }
0x15: {  	[smem:$0x3FAE] =	sst s0;
	s0 =	simm.s32 @!p2 $0x0  }
0x16: {  	s3 =	sld [smem:$0x3FDB];
	s0 =	simm.s32 @p2 $0x1  }
0x17: {  	s4 =	simm.s32 $0x1BF5;
	[smem:$0x3FB0] =	sst s0  }
0x18: {  	s0 =	sld [smem:$0x3F93];
	_ =	swait.ge [sflag:s4], $0x0  }
0x19: {  	s7 =	sld [smem:$0x3F94]  }
0x1a: {  	s8 =	sadd.s32 $0xFFFFE003, lr  }
0x1b: {  	s9 =	sadd.s32 $0xFFFFFEF7, lr;
	s5 =	simm.s32 $0xFFFFFFFF;
	p2 =	slt.u32 s8, $0xFFFFF086  }
0x1c: {  	p1 =	slt.u32 s9, $0xF7A;
	s5 =	simm.s32 @!p2 $0x0  }
0x1d: {  	s5 =	simm.s32 @p1 $0x1;
	p0 =	seq.s32 s7, s2  }
0x1e: {  	s7 =	smul.u32 @!p0 $0xF7A, s2;
	p2 =	seq.s32 @!p0 s5, $0x0  }
0x1f: {  	s9 =	smul.u32 $0xF7A, s1;
	s8 =	simm.s32 @!p0 $0x1BF5;
	p2 =	por !p2, p0  }
0x20: {  	[sflag:s8] =	ssyncset.s32 @!p0 $0xFFFFF086;
	s6 =	sadd.s32 @!p0 s3, s7;
	s7 =	simm.s32 @!p0 $0x108  }
0x21: {  	s3 =	sadd.s32 s3, s9;
	s6 =	sadd.s32 @!p0 $0x88, s6;
	s7 =	simm.s32 @p2 $0x1082  }
0x22: {  	[simem:s7], [sflag:s8] =	dma.local @!p0 [hbm:s6], $0xF7A  }
0x23: {  	s9 =	sor.u32 $0xD0000000, s2;
	s6 =	simm.s32 $0x108;
	_ =	swait.ge @!p0 [sflag:s8], $0x0  }
0x24: {  	s3 =	sadd.s32 $0x88, s3;
	s6 =	simm.s32 @!p1 $0x1082;
	[sflag:s4] =	ssyncset.s32 $0xFFFFF086  }
0x25: {  	[simem:s6], [sflag:s4] =	dma.local [hbm:s3], $0xF7A  }
0x26: {  	[smem:$0x3F94] =	sst s1;
	(tag) =	ssettag s2;
	_ =	strace s9  }
0x27: {  	s1 =	sld [smem:$0x3FA4]  }
0x28: {  	s2 =	sld [smem:$0x3FA5]  }
0x29: {  	s4 =	sld [smem:$0x3FA7]  }
0x2a: {  	p0 =	seq.s32 s5, $0x0;
	s5 =	sld [smem:$0x3FA8]  }
0x2b: {  	s6 =	sld [smem:$0x3FA9]  }
0x2c: {  	s7 =	sld [smem:$0x3FAA]  }
0x2d: {  	s3 =	simm.s32 $0x108;
	s8 =	sld [smem:$0x3FAB]  }
0x2e: {  	s3 =	simm.s32 @!p0 $0x1082;
	s9 =	sld [smem:$0x3FAC]  }
0x2f: {  	lr =	sadd.s32 s0, s3;
	s0 =	sld [smem:$0x3FA3]  }
0x30: {  	s3 =	sld [smem:$0x3FA6]  }
0x31: {  	[smem:$0x3FAF] =	sst s10  }
0x32: {  	s10 =	sld [smem:$0x3FAD];
	_ =	sdelay $0x3  }
0x33: {  	p0 =	seq.s32 s10, $0x1;
	s10 =	sld [smem:$0x3FAF];
	_ =	sdelay $0x3  }
0x34: {  	[smem:$0x3FAF] =	sst s10  }
0x35: {  	s10 =	sld [smem:$0x3FAE];
	_ =	sdelay $0x3  }
0x36: {  	p1 =	seq.s32 s10, $0x1;
	s10 =	sld [smem:$0x3FAF];
	_ =	sdelay $0x3  }
0x37: {  	[smem:$0x3FAF] =	sst s10  }
0x38: {  	s10 =	sld [smem:$0x3FB0]  }
0x39: {  	_ = 	snop;
	(pc) =	sbr.ind lr, $3  }
0x3a: {  	_ = 	snop  }
0x3b: {  	_ = 	snop  }
0x3c: {  	p2 =	seq.s32 s10, $0x1;
	s10 =	sld [smem:$0x3FAF]  }
0x3d: {  	_ =	shalt  }
0x3e: {  	_ =	shalt  }
0x3f: {  	_ =	shalt  }
0x40: {  	_ =	shalt  }
0x41: {  	_ =	shalt  }
0x42: {  	_ =	shalt  }
0x43: {  	_ =	shalt  }
0x44: {  	_ =	shalt  }
0x45: {  	_ =	shalt  }
0x46: {  	_ =	shalt  }
0x47: {  	_ =	shalt  }
0x48: {  	_ =	shalt  }
0x49: {  	_ =	shalt  }
0x4a: {  	_ =	shalt  }
0x4b: {  	_ =	shalt  }
0x4c: {  	_ =	shalt  }
0x4d: {  	_ =	shalt  }
0x4e: {  	_ =	shalt  }
0x4f: {  	_ =	shalt  }
0x50: {  	_ =	shalt  }
0x51: {  	_ =	shalt  }
0x52: {  	_ =	shalt  }
0x53: {  	_ =	shalt  }
0x54: {  	_ =	shalt  }
0x55: {  	_ =	shalt  }
0x56: {  	_ =	shalt  }
0x57: {  	_ =	shalt  }
0x58: {  	_ =	shalt  }
0x59: {  	_ =	shalt  }
0x5a: {  	_ =	shalt  }
0x5b: {  	_ =	shalt  }
0x5c: {  	_ =	shalt  }
0x5d: {  	_ =	shalt  }
0x5e: {  	_ =	shalt  }
0x5f: {  	_ =	shalt  }
0x60: {  	_ =	shalt  }
0x61: {  	_ =	shalt  }
0x62: {  	_ =	shalt  }
0x63: {  	_ =	shalt  }
0x64: {  	_ =	shalt  }
0x65: {  	_ =	shalt  }
0x66: {  	_ =	shalt  }
0x67: {  	_ =	shalt  }
0x68: {  	_ =	shalt  }
0x69: {  	_ =	shalt  }
0x6a: {  	_ =	shalt  }
0x6b: {  	_ =	shalt  }
0x6c: {  	_ =	shalt  }
0x6d: {  	_ =	shalt  }
0x6e: {  	_ =	shalt  }
0x6f: {  	_ =	shalt  }
0x70: {  	_ =	shalt  }
0x71: {  	_ =	shalt  }
0x72: {  	_ =	shalt  }
0x73: {  	_ =	shalt  }
0x74: {  	_ =	shalt  }
0x75: {  	_ =	shalt  }
0x76: {  	_ =	shalt  }
0x77: {  	_ =	shalt  }
0x78: {  	_ =	shalt  }
0x79: {  	_ =	shalt  }
0x7a: {  	_ =	shalt  }
0x7b: {  	_ =	shalt  }
0x7c: {  	_ =	shalt  }
0x7d: {  	_ =	shalt  }
0x7e: {  	_ =	shalt  }
0x7f: {  	_ =	shalt  }
0x80: {  	_ =	shalt  }
0x81: {  	_ =	shalt  }
0x82: {  	_ =	shalt  }
0x83: {  	_ =	shalt  }
0x84: {  	_ =	shalt  }
0x85: {  	_ =	shalt  }
0x86: {  	_ =	shalt  }
0x87: {  	_ =	shalt  }
.Lfunc_end0:
.L_simem_size_0:
called_computation.2_lowered:
.L_overlay_start_0:
0x88: {  	s2 =	sld [smem:$0x3FD9]  }
0x89: {  	s3 =	sld [smem:$0x3FFE];
	_ =	sdelay $0x1  }
0x8a: {  	s1 =	srdreg.scid  }
0x8b: {  	s0 =	sand.u32 $0x1, s1  }
0x8c: {  	s17 =	sshll.u32 s0, $0xA;
	s2 =	sadd.s32 s3, s2  }
0x8d: {  	s2 =	sadd.s32 s2, s17  }
0x8e: {  	[smem:$0x3FBB] =	sst s2  }
0x8f: {  	_ = 	snop  }
0x90: {  	(tm) =	ssettm $0x1  }
0x91: {  	s18 =	sld [smem:$0x3FFB];
	_ =	sdelay $0x3  }
0x92: {  	_ =	strace s18  }
0x93: {  	s2 =	sld [smem:$0x3FFC];
	_ =	sdelay $0x3  }
0x94: {  	_ =	strace s2  }
0x95: {  	s2 =	sld [smem:$0x3FFD];
	_ =	sdelay $0x3  }
0x96: {  	_ =	strace s2  }
0x97: {  	_ =	strace $0x8FFFFFFF  }
0x98: {  	s19 =	sld [smem:$0x3FDB];
	_ =	sdelay $0x1  }
0x99: {  	s20 =	simm.s32 $_scs_section_size  }
0x9a: {  	s4 =	simm.s32 $_size__tile_overlayer_lowered;
	s5 =	simm.s32 $_tile_overlayer_lowered  }
0x9b: {  	s6 =	simm.s32 $0x1BFF;
	s21 =	sshll.u32 s5, $0x1;
	s3 =	sadd.s32 s20, s19  }
0x9c: {  	s22 =	simm.s32 $0x0;
	s4 =	sshll.u32 s4, $0x1;
	s5 =	sadd.s32 s21, s3  }
0x9d: {  	[timem:s22], [sflag:s6] =	dma.local [hbm:s5], s4  }
0x9e: {  	_ =	swait.ge [sflag:s6], s4  }
0x9f: {  	s4 =	ssub.s32 $0x0, s4;
	[sflag:s6] =	ssyncset.done $0x0  }
0xa0: {  	[sflag:s6] =	ssyncadd.s32 s4;
	_ =	sdelay $0x1  }
0xa1: {  	s23 =	simm.s32 $0x1B8B  }
0xa2: {  	_ =	swait.ge [sflag:s23], $0x1  }
0xa3: {  	[sflag:s23] =	ssyncset.done $0x0  }
0xa4: {  	[sflag:s23] =	ssyncadd.s32 $0xFFFFFFFF  }
0xa5: {  	s4 =	sld [smem:$0x0]  }
0xa6: {  	s5 =	sand.u32 $0xFFFFFFFE, s1  }
0xa7: {  	p0 =	sne.s32 s1, s5  }
0xa8: {  	s5 =	sshll.u32 @p0 s5, $0xE  }
0xa9: {  	s5 =	sadd.s32 @p0 $0x11B8D, s5;
	s6 =	sshll.u32 @p0 s4, $0x11  }
0xaa: {  	s5 =	sor.u32 @p0 s6, s5  }
0xab: {  	[sflag:s5] =	ssyncadd.remote.s32 @p0 $0x1;
	_ =	sdelay $0x1  }
0xac: {  	s5 =	simm.s32 @p0 $0x1B8D  }
0xad: {  	_ =	swait.eq @p0 [sflag:s5], $0x1  }
0xae: {  	[sflag:s5] =	ssyncadd.s32 @p0 $0xFFFFFFFF  }
0xaf: {  	s6 =	sshll.u32 @!p0 s1, $0xE  }
0xb0: {  	s6 =	sor.u32 @!p0 $0x4000, s6;
	s5 =	simm.s32 @!p0 $0x1B8D  }
0xb1: {  	s4 =	sshll.u32 @!p0 s4, $0x11;
	s6 =	sadd.s32 @!p0 $0x11B8D, s6;
	_ =	swait.eq @!p0 [sflag:s5], $0x1  }
0xb2: {  	s4 =	sor.u32 @!p0 s4, s6;
	[sflag:s5] =	ssyncadd.s32 @!p0 $0xFFFFFFFF  }
0xb3: {  	s25 =	simm.s32 $0x1B8E;
	s24 =	sld [smem:$0x3FFE];
	[sflag:s4] =	ssyncadd.remote.s32 @!p0 $0x1  }
0xb4: {  	s26 =	simm.s32 $execute0_lowered;
	[smem:$0x3FD2] =	sst s25  }
0xb5: {  	s5 =	sshll.u32 s26, $0x1;
	_ =	strace $0x80000049;
	[dreg:$0x1] =	wrdreg $0xFFFFFFFF  }
0xb6: {  	s28 =	simm.s32 $_size_execute0_lowered;
	s3 =	sadd.s32 s3, s5;
	[dreg:$0x0] =	wrdreg $0x0  }
0xb7: {  	s5 =	sshll.u32 s28, $0x1;
	[dreg:$0x2] =	wrdreg s3  }
0xb8: {  	[dreg:$0x3] =	wrdreg s5  }
0xb9: {  	[dreg:$0x4] =	wrdreg $0xC0  }
0xba: {  	_ =	task [dreg:s22], $0x5FFFF  }
0xbb: {  	[dreg:$0x1] =	wrdreg $0xFFFFFFFF  }
0xbc: {  	[dreg:$0x0] =	wrdreg $0x60  }
0xbd: {  	[dreg:$0x2] =	wrdreg s24  }
0xbe: {  	[dreg:$0x3] =	wrdreg $0x9  }
0xbf: {  	_ =	task.clear_ibuf [dreg:s22], $0x4FFFF;
	_ =	strace $0x90000049  }
0xc0: {  	s29 =	simm.s32 $0x9;
	_ =	strace $0x8000004B  }
0xc1: {  	_ =	swait.ge [sflag:s29], $0x1  }
0xc2: {  	[sflag:s29] =	ssyncadd.s32 $0xFFFFFFFF  }
0xc3: {  	_ =	strace $0x9000004B  }
0xc4: {  	_ =	sfence  }
0xc5: {  	s30 =	sld [smem:$0x0];
	_ =	sdelay $0x2  }
0xc6: {  	s31 =	sshll.u32 s1, $0xD;
	s1 =	sshrl.u32 s1, $0x2  }
0xc7: {  	s4 =	sand.u32 $0x4000, s31;
	s1 =	sadd.s32 s1, s30  }
0xc8: {  	s0 =	sor.u32 s4, s0;
	s1 =	sshll.u32 s1, $0x11  }
0xc9: {  	s0 =	sor.u32 s1, s0  }
0xca: {  	s0 =	sadd.s32 $0x8F2B, s0  }
0xcb: {  	[sflag:s0] =	ssyncadd.remote.s32 $0x1  }
0xcc: {  	_ =	sfence.sel $0xFFFF  }
0xcd: {  	[dreg:$0x0] =	wrdreg $0xFFFFFFFF;
	(pc) =	sbr.abs _section_cstart, $3  }
0xce: {  	[dreg:$0x1] =	wrdreg $0xFFFFFFFF  }
0xcf: {  	_ =	task.clear_ibuf [dreg:s22], $0x2FFFF;
	_ =	strace $0x9FFFFFFF  }
0xd0: {  	(tm) =	ssettm $0x7FFFFFFF  }
0xd1: {  	_ =	shalt  }
tec
execute0_lowered:
.L_overlay_start_1:
0x0: {  	(tag) =	ssettag $0x1  }
0x1: {  	s7 =	rddreg [dreg:$0x0];
	s2 =	simm.s32 $0x0;
	s1 =	stileid.u32  }
0x2: {  	s4 =	srdreg.scid;
	[smem:$0x7FF] =	sst s2;
	s3 =	sadd.s32 $0xDA00, s7  }
0x3: {  	s10 =	sand.u32 $0x1, s4;
	s5 =	sshll.u32 s1, $0x1;
	s4 =	sadd.s32 $0x34C00, s7  }
0x4: {  	s6 =	sshll.u32 s1, $0x5;
	s26 =	sshll.u32 s1, $0xF;
	s29 =	sshll.u32 s1, $0xC  }
0x5: {  	_ =	strace $0x8000004A;
	s5 =	sor.u32 s10, s5;
	s12 =	sadd.s32 s6, s7  }
0x6: {  	s8 =	ssub.s32 $0x2, s10;
	s13 =	sshll.u32 s10, $0xE;
	s15 =	sshll.u32 s10, $0xB  }
0x7: {  	s16 =	sshll.u32 s10, $0x4;
	s9 =	ssub.s32 $0x501, s5;
	s5 =	sadd.s32 $0x547E00, s7  }
0x8: {  	s11 =	sshrl.u32 s8, $0x1;
	s7 =	sadd.s32 $0x7B8E00, s7;
	s28 =	sor.u32 s13, s26  }
0x9: {  	s31 =	sadd.s32 s16, s12;
	s6 =	sshrl.u32 s9, $0x5;
	s8 =	ssub.s32 s8, s11  }
0xa: {  	s14 =	sand.u32 $0x20, s9;
	s9 =	sor.u32 $0xFFF80000, s28;
	s30 =	sadd.s32 s29, s5  }
0xb: {  	s11 =	sadd.s32 s29, s7;
	s12 =	sadd.s32 $0x542E00, s31;
	s13 =	sadd.s32 $0x53DE00, s31  }
0xc: {  	s25 =	sand.u32 $0x1, s6;
	s8 =	smax.u32 s8, $0x1;
	s10 =	sadd.s32 s15, s30  }
0xd: {  	s11 =	sadd.s32 s15, s11;
	p1 =	sne.s32 s14, $0x0;
	p0 =	seq.s32 s25, $0x1  }
.LBB2_1:
0xe: {  	p2 =	sle.u32 s6, $0x0  }
0xf: {  	p3 =	por @!p2 $0x1, $0x1  }
0x10: {  	p3 =	por p3, p2  }
0x11: {  	s14 =	simm.s32 @!p3 $0x3  }
0x12: {  	_ =	swait.ge @!p3 [sflag:s14], $0x4000  }
0x13: {  	[sflag:s14] =	ssyncset.done @!p3 $0x0  }
0x14: {  	[sflag:s14] =	ssyncadd.s32 @!p3 $0xFFFFC000  }
0x15: {  	p2 =	por p2, p2;
	_ =	swait.ge @!p3 [sflag:s14], $0x4000  }
0x16: {  	s15 =	simm.s32 @!p2 $0x5;
	[sflag:s14] =	ssyncset.done @!p3 $0x0  }
0x17: {  	s16 =	sadd.s32 @!p2 $0x0, s12;
	s17 =	simm.s32 @!p2 $0x0;
	[sflag:s14] =	ssyncadd.s32 @!p3 $0xFFFFC000  }
0x18: {  	[tilespmem:s17], [sflag:$0x5] =	stream.linear.gather @!p2 [hbm4b:s16+s17], $0x80, $0x38;
	[tilespmem:$0x10200] =	vst v63  }
0x19: {  	_ =	swait.ge @!p2 [sflag:s15], $0x80  }
0x1a: {  	[sflag:s15] =	ssyncset.done @!p2 $0x0  }
0x1b: {  	s14 =	sadd.s32 @!p2 $0x0, s13;
	s16 =	simm.s32 @!p2 $0x80;
	[sflag:s15] =	ssyncadd.s32 @!p2 $0xFFFFFF80  }
0x1c: {  	[tilespmem:s16], [sflag:$0x5] =	stream.linear.gather @!p2 [hbm4b:s14+s17], $0x80, $0x38;
	[tilespmem:$0x10200] =	vst v63  }
0x1d: {  	p3 =	por $0x1, $0x1;
	_ =	swait.ge @!p2 [sflag:s15], $0x80  }
0x1e: {  	p4 =	slt.u32 @!p3 s6, $0x0;
	[sflag:s15] =	ssyncset.done @!p2 $0x0  }
0x1f: {  	s20 =	simm.s32 @!p2 $0x200;
	p4 =	por p4, p3;
	[sflag:s15] =	ssyncadd.s32 @!p2 $0xFFFFFF80  }
0x20: {  	[tilespmem:s20], [sflag:$0x1] =	stream.indirect.gather @!p2 [hbm4b:s3+s16], $0x80, s17, s16, $0xb8;
	[tilespmem:$0x10200] =	vst v63  }
0x21: {  	s21 =	simm.s32 @!p2 $0x4200;
	s14 =	simm.s32 @!p4 $0x2  }
0x22: {  	[tilespmem:s21], [sflag:$0x1] =	stream.indirect.gather @!p2 [hbm4b:s4+s16], $0x80, s16, s16, $0xb8;
	[tilespmem:$0x10200] =	vst v63  }
0x23: {  	_ =	swait.ge @!p4 [sflag:s14], $0x4000  }
0x24: {  	[sflag:s14] =	ssyncset.done @!p4 $0x0  }
0x25: {  	[sflag:s14] =	ssyncadd.s32 @!p4 $0xFFFFC000  }
0x26: {  	p3 =	sle.u32 s6, $0x1;
	s18 =	simm.s32 @!p4 $0x0;
	_ =	swait.ge @!p4 [sflag:s14], $0x4000  }
0x27: {  	p5 =	por @!p3 $0x1, $0x1;
	s15 =	sshrl.u32 @!p4 s9, $0x3;
	[sflag:s14] =	ssyncset.done @!p4 $0x0  }
0x28: {  	s16 =	sadd.s32 @!p4 s5, s15;
	[sflag:s14] =	ssyncadd.s32 @!p4 $0xFFFFC000;
	s14 =	simm.s32 @!p4 $0x8200  }
0x29: {  	[hbm4b:s16+s18] =	stream.linear.scatter @!p4 [tilespmem:s14], [sflag:$0x4], $0x4000, $0x38;
	[tilespmem:$0x10200] =	vst v63  }
0x2a: {  	p5 =	por p5, p3;
	s14 =	sadd.s32 @!p4 s7, s15;
	s15 =	simm.s32 @!p4 $0xC200  }
0x2b: {  	[hbm4b:s14+s18] =	stream.linear.scatter @!p4 [tilespmem:s15], [sflag:$0x4], $0x4000, $0x38;
	[tilespmem:$0x10200] =	vst v63  }
0x2c: {  	s14 =	simm.s32 @!p5 $0x4  }
0x2d: {  	_ =	swait.ge @!p5 [sflag:s14], $0x4000  }
0x2e: {  	[sflag:s14] =	ssyncset.done @!p5 $0x0  }
0x2f: {  	[sflag:s14] =	ssyncadd.s32 @!p5 $0xFFFFC000  }
0x30: {  	s16 =	simm.s32 @!p3 $0x0;
	_ =	swait.ge @!p5 [sflag:s14], $0x4000  }
0x31: {  	s15 =	sadd.s32 @!p3 $0x0, s12;
	s18 =	simm.s32 @!p3 $0x100;
	[sflag:s14] =	ssyncset.done @!p5 $0x0  }
0x32: {  	s15 =	sadd.s32 @!p3 $0x200, s15;
	[sflag:s14] =	ssyncadd.s32 @!p5 $0xFFFFC000;
	s14 =	simm.s32 @!p3 $0x5  }
0x33: {  	[tilespmem:s18], [sflag:$0x5] =	stream.linear.gather @!p3 [hbm4b:s15+s16], $0x80, $0x38;
	[tilespmem:$0x10200] =	vst v63  }
0x34: {  	_ =	swait.ge @!p3 [sflag:s14], $0x80  }
0x35: {  	s22 =	simm.s32 $0x800;
	s15 =	sadd.s32 @!p3 $0x0, s13;
	[sflag:s14] =	ssyncset.done @!p3 $0x0  }
0x36: {  	s19 =	simm.s32 @!p3 $0x180;
	s15 =	sadd.s32 @!p3 $0x200, s15;
	[sflag:s14] =	ssyncadd.s32 @!p3 $0xFFFFFF80  }
0x37: {  	[tilespmem:s19], [sflag:$0x5] =	stream.linear.gather @!p3 [hbm4b:s15+s16], $0x80, $0x38;
	[tilespmem:$0x10200] =	vst v63  }
0x38: {  	s24 =	smov.u32 s10;
	s26 =	simm.s32 @!p2 $0x1;
	_ =	swait.ge @!p3 [sflag:s14], $0x80  }
0x39: {  	s23 =	simm.s32 @!p3 $0x8200;
	p4 =	sle.u32 s6, $0x2;
	[sflag:s14] =	ssyncset.done @!p3 $0x0  }
0x3a: {  	p5 =	por @!p4 $0x0, $0x0;
	s15 =	simm.s32 @!p3 $0x80;
	[sflag:s14] =	ssyncadd.s32 @!p3 $0xFFFFFF80  }
0x3b: {  	[tilespmem:s23], [sflag:$0x2] =	stream.indirect.gather @!p3 [hbm4b:s3+s15], $0x80, s18, s15, $0xb8;
	[tilespmem:$0x10200] =	vst v63  }
0x3c: {  	s16 =	simm.s32 $0x400;
	s14 =	simm.s32 @!p3 $0xC200;
	s18 =	simm.s32 $0x2  }
0x3d: {  	[tilespmem:s14], [sflag:$0x2] =	stream.indirect.gather @!p3 [hbm4b:s4+s15], $0x80, s19, s15, $0xb8;
	[tilespmem:$0x10200] =	vst v63  }
0x3e: {  	s23 =	smov.u32 s11;
	s14 =	sadd.s32 $0x20000, s11;
	_ =	swait.ge @!p2 [sflag:s26], $0x4000  }
0x3f: {  	s15 =	sadd.s32 $0x20000, s10;
	s19 =	smov.u32 s9;
	[sflag:s26] =	ssyncset.done @!p2 $0x0  }
.LBB2_2:
0x40: {  	[sflag:s26] =	ssyncadd.s32 @!p2 $0xFFFFC000  }
0x41: {  	s19 =	sadd.s32 $0x100000, s19;
	s25 =	smov.u32 s22;
	s22 =	sadd.s32 $0x400, s22  }
0x42: {  	p5 =	por p5, p4;
	p3 =	sne.s32 s22, $0x5400;
	_ =	swait.ge @!p2 [sflag:s26], $0x4000  }
0x43: {  	[sflag:s26] =	ssyncset.done @!p2 $0x0  }
0x44: {  	[sflag:s26] =	ssyncadd.s32 @!p2 $0xFFFFC000  }
0x45: {  	[hbm4b:s24+s17] =	stream.linear.scatter @!p2 [tilespmem:s20], [sflag:$0x3], $0x4000, $0x38;
	[tilespmem:$0x10200] =	vst v63  }
0x46: {  	s20 =	simm.s32 @!p5 $0x3;
	s24 =	smov.u32 s15  }
0x47: {  	[hbm4b:s23+s17] =	stream.linear.scatter @!p2 [tilespmem:s21], [sflag:$0x3], $0x4000, $0x38;
	[tilespmem:$0x10200] =	vst v63  }
0x48: {  	s23 =	smov.u32 s14;
	p2 =	por p4, p4;
	_ =	swait.ge @!p5 [sflag:s20], $0x4000  }
0x49: {  	s21 =	simm.s32 @!p2 $0x5;
	[sflag:s20] =	ssyncset.done @!p5 $0x0  }
0x4a: {  	s26 =	sadd.s32 @!p2 s16, s12;
	s17 =	simm.s32 @!p2 $0x0;
	[sflag:s20] =	ssyncadd.s32 @!p5 $0xFFFFC000  }
0x4b: {  	_ =	swait.ge @!p5 [sflag:s20], $0x4000  }
0x4c: {  	[sflag:s20] =	ssyncset.done @!p5 $0x0  }
0x4d: {  	[sflag:s20] =	ssyncadd.s32 @!p5 $0xFFFFC000  }
0x4e: {  	[tilespmem:s17], [sflag:$0x5] =	stream.linear.gather @!p2 [hbm4b:s26+s17], $0x80, $0x38;
	[tilespmem:$0x10200] =	vst v63  }
0x4f: {  	_ =	swait.ge @!p2 [sflag:s21], $0x80  }
0x50: {  	p4 =	seq.s32 s16, $0x0;
	[sflag:s21] =	ssyncset.done @!p2 $0x0  }
0x51: {  	s20 =	sadd.s32 @!p2 s16, s13;
	s26 =	simm.s32 @!p2 $0x80;
	[sflag:s21] =	ssyncadd.s32 @!p2 $0xFFFFFF80  }
0x52: {  	[tilespmem:s26], [sflag:$0x5] =	stream.linear.gather @!p2 [hbm4b:s20+s17], $0x80, $0x38;
	[tilespmem:$0x10200] =	vst v63  }
0x53: {  	p5 =	sgt.u32 @!p4 s18, s6;
	_ =	swait.ge @!p2 [sflag:s21], $0x80  }
0x54: {  	[sflag:s21] =	ssyncset.done @!p2 $0x0  }
0x55: {  	p5 =	por p5, p4;
	s20 =	simm.s32 @!p2 $0x200;
	[sflag:s21] =	ssyncadd.s32 @!p2 $0xFFFFFF80  }
0x56: {  	[tilespmem:s20], [sflag:$0x1] =	stream.indirect.gather @!p2 [hbm4b:s3+s26], $0x80, s17, s26, $0xb8;
	[tilespmem:$0x10200] =	vst v63  }
0x57: {  	s28 =	simm.s32 @!p5 $0x2;
	s29 =	sshrl.u32 @!p5 s19, $0x3;
	s21 =	simm.s32 @!p2 $0x4200  }
0x58: {  	[tilespmem:s21], [sflag:$0x1] =	stream.indirect.gather @!p2 [hbm4b:s4+s26], $0x80, s26, s26, $0xb8;
	[tilespmem:$0x10200] =	vst v63  }
0x59: {  	s26 =	sadd.s32 @!p5 s5, s29;
	s29 =	sadd.s32 @!p5 s7, s29;
	_ =	swait.ge @!p5 [sflag:s28], $0x4000  }
0x5a: {  	[sflag:s28] =	ssyncset.done @!p5 $0x0  }
0x5b: {  	s30 =	sadd.s32 $0x1, s18;
	[sflag:s28] =	ssyncadd.s32 @!p5 $0xFFFFC000  }
0x5c: {  	p4 =	sge.u32 s30, s6;
	s31 =	simm.s32 @!p5 $0x0;
	_ =	swait.ge @!p5 [sflag:s28], $0x4000  }
0x5d: {  	s30 =	simm.s32 @!p5 $0xC200;
	p6 =	seq.s32 @!p4 s16, $0x0;
	[sflag:s28] =	ssyncset.done @!p5 $0x0  }
0x5e: {  	s0 =	sadd.s32 @!p4 s16, s12;
	[sflag:s28] =	ssyncadd.s32 @!p5 $0xFFFFC000;
	s28 =	simm.s32 @!p5 $0x8200  }
0x5f: {  	[hbm4b:s26+s31] =	stream.linear.scatter @!p5 [tilespmem:s28], [sflag:$0x4], $0x4000, $0x38;
	[tilespmem:$0x10200] =	vst v63  }
0x60: {  	s16 =	sadd.s32 @!p4 s16, s13;
	p6 =	por p6, p4;
	s0 =	sadd.s32 @!p4 $0x200, s0  }
0x61: {  	[hbm4b:s29+s31] =	stream.linear.scatter @!p5 [tilespmem:s30], [sflag:$0x4], $0x4000, $0x38;
	[tilespmem:$0x10200] =	vst v63  }
0x62: {  	s26 =	simm.s32 @!p6 $0x4;
	s28 =	sadd.s32 @!p4 $0x200, s16;
	s16 =	smov.u32 s25  }
0x63: {  	_ =	swait.ge @!p6 [sflag:s26], $0x4000  }
0x64: {  	[sflag:s26] =	ssyncset.done @!p6 $0x0  }
0x65: {  	[sflag:s26] =	ssyncadd.s32 @!p6 $0xFFFFC000  }
0x66: {  	_ =	swait.ge @!p6 [sflag:s26], $0x4000  }
0x67: {  	s25 =	simm.s32 @!p4 $0x0;
	s29 =	simm.s32 @!p4 $0x100;
	[sflag:s26] =	ssyncset.done @!p6 $0x0  }
0x68: {  	s30 =	simm.s32 @!p4 $0x5;
	[sflag:s26] =	ssyncadd.s32 @!p6 $0xFFFFC000  }
0x69: {  	[tilespmem:s29], [sflag:$0x5] =	stream.linear.gather @!p4 [hbm4b:s0+s25], $0x80, $0x38;
	[tilespmem:$0x10200] =	vst v63  }
0x6a: {  	_ =	swait.ge @!p4 [sflag:s30], $0x80  }
0x6b: {  	s0 =	simm.s32 @!p4 $0x180;
	[sflag:s30] =	ssyncset.done @!p4 $0x0  }
0x6c: {  	[sflag:s30] =	ssyncadd.s32 @!p4 $0xFFFFFF80  }
0x6d: {  	[tilespmem:s0], [sflag:$0x5] =	stream.linear.gather @!p4 [hbm4b:s28+s25], $0x80, $0x38;
	[tilespmem:$0x10200] =	vst v63  }
0x6e: {  	s26 =	simm.s32 @!p2 $0x1;
	_ =	swait.ge @!p4 [sflag:s30], $0x80  }
0x6f: {  	s25 =	simm.s32 @!p4 $0x80;
	s28 =	simm.s32 @!p4 $0x8200;
	[sflag:s30] =	ssyncset.done @!p4 $0x0  }
0x70: {  	[sflag:s30] =	ssyncadd.s32 @!p4 $0xFFFFFF80;
	s30 =	simm.s32 @!p4 $0xC200  }
0x71: {  	[tilespmem:s28], [sflag:$0x2] =	stream.indirect.gather @!p4 [hbm4b:s3+s25], $0x80, s29, s25, $0xb8;
	[tilespmem:$0x10200] =	vst v63  }
.Ltmp0:
0x72: {  	_ = 	snop;
	(pc) =	sbr.rel @p3 .LBB2_2-.Ltmp0, $4  }
0x73: {  	s18 =	sadd.s32 $0x2, s18  }
0x74: {  	[tilespmem:s30], [sflag:$0x2] =	stream.indirect.gather @!p4 [hbm4b:s4+s25], $0x80, s0, s25, $0xb8;
	[tilespmem:$0x10200] =	vst v63  }
0x75: {  	s14 =	sadd.s32 $0x20000, s14;
	p4 =	sge.u32 s18, s6;
	_ =	swait.ge @!p2 [sflag:s26], $0x4000  }
0x76: {  	s15 =	sadd.s32 $0x20000, s15;
	p5 =	seq.s32 @!p4 s16, $0x0;
	[sflag:s26] =	ssyncset.done @!p2 $0x0  }
0x77: {  	[sflag:s26] =	ssyncadd.s32 @!p2 $0xFFFFC000  }
0x78: {  	_ =	swait.ge @!p2 [sflag:s26], $0x4000  }
0x79: {  	[sflag:s26] =	ssyncset.done @!p2 $0x0  }
0x7a: {  	p3 =	por p5, p4;
	[sflag:s26] =	ssyncadd.s32 @!p2 $0xFFFFC000  }
0x7b: {  	[hbm4b:s24+s17] =	stream.linear.scatter @!p2 [tilespmem:s20], [sflag:$0x3], $0x4000, $0x38;
	[tilespmem:$0x10200] =	vst v63  }
0x7c: {  	s0 =	simm.s32 @!p3 $0x3  }
0x7d: {  	[hbm4b:s23+s17] =	stream.linear.scatter @!p2 [tilespmem:s21], [sflag:$0x3], $0x4000, $0x38;
	[tilespmem:$0x10200] =	vst v63  }
0x7e: {  	_ =	swait.ge @!p3 [sflag:s0], $0x4000  }
0x7f: {  	[sflag:s0] =	ssyncset.done @!p3 $0x0  }
0x80: {  	[sflag:s0] =	ssyncadd.s32 @!p3 $0xFFFFC000  }
0x81: {  	p2 =	por p4, p4;
	_ =	swait.ge @!p3 [sflag:s0], $0x4000  }
0x82: {  	s20 =	simm.s32 @!p2 $0x5;
	[sflag:s0] =	ssyncset.done @!p3 $0x0  }
0x83: {  	s21 =	sadd.s32 @!p2 s16, s12;
	s17 =	simm.s32 @!p2 $0x0;
	[sflag:s0] =	ssyncadd.s32 @!p3 $0xFFFFC000  }
0x84: {  	[tilespmem:s17], [sflag:$0x5] =	stream.linear.gather @!p2 [hbm4b:s21+s17], $0x80, $0x38;
	[tilespmem:$0x10200] =	vst v63  }
0x85: {  	_ =	swait.ge @!p2 [sflag:s20], $0x80  }
0x86: {  	[sflag:s20] =	ssyncset.done @!p2 $0x0  }
0x87: {  	s0 =	sadd.s32 @!p2 s16, s13;
	s21 =	simm.s32 @!p2 $0x80;
	[sflag:s20] =	ssyncadd.s32 @!p2 $0xFFFFFF80  }
0x88: {  	[tilespmem:s21], [sflag:$0x5] =	stream.linear.gather @!p2 [hbm4b:s0+s17], $0x80, $0x38;
	[tilespmem:$0x10200] =	vst v63  }
0x89: {  	p3 =	seq.s32 s16, $0x0;
	_ =	swait.ge @!p2 [sflag:s20], $0x80  }
0x8a: {  	p4 =	sgt.u32 @!p3 s18, s6;
	[sflag:s20] =	ssyncset.done @!p2 $0x0  }
0x8b: {  	p4 =	por p4, p3;
	s0 =	simm.s32 @!p2 $0x200;
	[sflag:s20] =	ssyncadd.s32 @!p2 $0xFFFFFF80  }
0x8c: {  	[tilespmem:s0], [sflag:$0x1] =	stream.indirect.gather @!p2 [hbm4b:s3+s21], $0x80, s17, s21, $0xb8;
	[tilespmem:$0x10200] =	vst v63  }
0x8d: {  	s22 =	simm.s32 @!p4 $0x2;
	s20 =	simm.s32 @!p2 $0x4200  }
0x8e: {  	[tilespmem:s20], [sflag:$0x1] =	stream.indirect.gather @!p2 [hbm4b:s4+s21], $0x80, s21, s21, $0xb8;
	[tilespmem:$0x10200] =	vst v63  }
0x8f: {  	_ =	swait.ge @!p4 [sflag:s22], $0x4000  }
0x90: {  	[sflag:s22] =	ssyncset.done @!p4 $0x0  }
0x91: {  	s19 =	sadd.s32 $0x100000, s19;
	s31 =	sadd.s32 $0x1, s18;
	[sflag:s22] =	ssyncadd.s32 @!p4 $0xFFFFC000  }
0x92: {  	p3 =	sge.u32 s31, s6;
	s19 =	sshrl.u32 @!p4 s19, $0x3;
	_ =	swait.ge @!p4 [sflag:s22], $0x4000  }
0x93: {  	s23 =	simm.s32 @!p4 $0x0;
	p5 =	seq.s32 @!p3 s16, $0x0;
	[sflag:s22] =	ssyncset.done @!p4 $0x0  }
0x94: {  	s18 =	simm.s32 @!p4 $0x8200;
	s21 =	sadd.s32 @!p4 s5, s19;
	[sflag:s22] =	ssyncadd.s32 @!p4 $0xFFFFC000  }
0x95: {  	[hbm4b:s21+s23] =	stream.linear.scatter @!p4 [tilespmem:s18], [sflag:$0x4], $0x4000, $0x38;
	[tilespmem:$0x10200] =	vst v63  }
0x96: {  	p5 =	por p5, p3;
	s18 =	sadd.s32 @!p4 s7, s19;
	s19 =	simm.s32 @!p4 $0xC200  }
0x97: {  	[hbm4b:s18+s23] =	stream.linear.scatter @!p4 [tilespmem:s19], [sflag:$0x4], $0x4000, $0x38;
	[tilespmem:$0x10200] =	vst v63  }
0x98: {  	s18 =	simm.s32 @!p5 $0x4  }
0x99: {  	_ =	swait.ge @!p5 [sflag:s18], $0x4000  }
0x9a: {  	[sflag:s18] =	ssyncset.done @!p5 $0x0  }
0x9b: {  	[sflag:s18] =	ssyncadd.s32 @!p5 $0xFFFFC000  }
0x9c: {  	s22 =	simm.s32 @!p3 $0x100;
	_ =	swait.ge @!p5 [sflag:s18], $0x4000  }
0x9d: {  	s21 =	simm.s32 @!p3 $0x0;
	s19 =	sadd.s32 @!p3 s16, s12;
	[sflag:s18] =	ssyncset.done @!p5 $0x0  }
0x9e: {  	s19 =	sadd.s32 @!p3 $0x200, s19;
	[sflag:s18] =	ssyncadd.s32 @!p5 $0xFFFFC000;
	s18 =	simm.s32 @!p3 $0x5  }
0x9f: {  	[tilespmem:s22], [sflag:$0x5] =	stream.linear.gather @!p3 [hbm4b:s19+s21], $0x80, $0x38;
	[tilespmem:$0x10200] =	vst v63  }
0xa0: {  	_ =	swait.ge @!p3 [sflag:s18], $0x80  }
0xa1: {  	s16 =	sadd.s32 @!p3 s16, s13;
	[sflag:s18] =	ssyncset.done @!p3 $0x0  }
0xa2: {  	s16 =	sadd.s32 @!p3 $0x200, s16;
	s19 =	simm.s32 @!p3 $0x180;
	[sflag:s18] =	ssyncadd.s32 @!p3 $0xFFFFFF80  }
0xa3: {  	[tilespmem:s19], [sflag:$0x5] =	stream.linear.gather @!p3 [hbm4b:s16+s21], $0x80, $0x38;
	[tilespmem:$0x10200] =	vst v63  }
0xa4: {  	_ =	swait.ge @!p3 [sflag:s18], $0x80  }
0xa5: {  	[sflag:s18] =	ssyncset.done @!p3 $0x0  }
0xa6: {  	s16 =	simm.s32 @!p3 $0x80;
	s21 =	simm.s32 @!p3 $0x8200;
	[sflag:s18] =	ssyncadd.s32 @!p3 $0xFFFFFF80  }
0xa7: {  	[tilespmem:s21], [sflag:$0x2] =	stream.indirect.gather @!p3 [hbm4b:s3+s16], $0x80, s22, s16, $0xb8;
	[tilespmem:$0x10200] =	vst v63  }
0xa8: {  	s18 =	simm.s32 @!p2 $0x1;
	s21 =	simm.s32 @!p3 $0xC200  }
0xa9: {  	[tilespmem:s21], [sflag:$0x2] =	stream.indirect.gather @!p3 [hbm4b:s4+s16], $0x80, s19, s16, $0xb8;
	[tilespmem:$0x10200] =	vst v63  }
0xaa: {  	_ =	swait.ge @!p2 [sflag:s18], $0x4000  }
0xab: {  	[sflag:s18] =	ssyncset.done @!p2 $0x0  }
0xac: {  	[sflag:s18] =	ssyncadd.s32 @!p2 $0xFFFFC000  }
0xad: {  	_ =	swait.ge @!p2 [sflag:s18], $0x4000  }
0xae: {  	[sflag:s18] =	ssyncset.done @!p2 $0x0  }
0xaf: {  	[sflag:s18] =	ssyncadd.s32 @!p2 $0xFFFFC000  }
0xb0: {  	[hbm4b:s15+s17] =	stream.linear.scatter @!p2 [tilespmem:s0], [sflag:$0x3], $0x4000, $0x38;
	[tilespmem:$0x10200] =	vst v63  }
0xb1: {  	s0 =	simm.s32 @p0 $0x3  }
0xb2: {  	[hbm4b:s14+s17] =	stream.linear.scatter @!p2 [tilespmem:s20], [sflag:$0x3], $0x4000, $0x38;
	[tilespmem:$0x10200] =	vst v63  }
0xb3: {  	_ =	swait.ge @p0 [sflag:s0], $0x4000  }
0xb4: {  	[sflag:s0] =	ssyncset.done @p0 $0x0  }
0xb5: {  	[sflag:s0] =	ssyncadd.s32 @p0 $0xFFFFC000  }
0xb6: {  	_ =	swait.ge @p0 [sflag:s0], $0x4000  }
0xb7: {  	[sflag:s0] =	ssyncset.done @p0 $0x0  }
0xb8: {  	[sflag:s0] =	ssyncadd.s32 @p0 $0xFFFFC000;
	s0 =	simm.s32 @!p1 $0x3  }
0xb9: {  	_ =	swait.ge @!p1 [sflag:s0], $0x4000  }
0xba: {  	[sflag:s0] =	ssyncset.done @!p1 $0x0  }
0xbb: {  	[sflag:s0] =	ssyncadd.s32 @!p1 $0xFFFFC000  }
0xbc: {  	_ =	swait.ge @!p1 [sflag:s0], $0x4000  }
0xbd: {  	[sflag:s0] =	ssyncset.done @!p1 $0x0  }
0xbe: {  	[sflag:s0] =	ssyncadd.s32 @!p1 $0xFFFFC000;
	s0 =	simm.s32 @!p1 $0x4  }
0xbf: {  	_ =	swait.ge @!p1 [sflag:s0], $0x4000  }
0xc0: {  	[sflag:s0] =	ssyncset.done @!p1 $0x0  }
0xc1: {  	[sflag:s0] =	ssyncadd.s32 @!p1 $0xFFFFC000  }
0xc2: {  	_ =	swait.ge @!p1 [sflag:s0], $0x4000  }
0xc3: {  	[sflag:s0] =	ssyncset.done @!p1 $0x0  }
0xc4: {  	s2 =	sadd.s32 $0x1, s2;
	[sflag:s0] =	ssyncadd.s32 @!p1 $0xFFFFC000;
	s0 =	simm.s32 @p0 $0x4  }
0xc5: {  	p2 =	sne.s32 s2, s8;
	_ =	swait.ge @p0 [sflag:s0], $0x4000  }
.Ltmp1:
0xc6: {  	[sflag:s0] =	ssyncset.done @p0 $0x0;
	(pc) =	sbr.rel @p2 .LBB2_1-.Ltmp1, $4  }
0xc7: {  	[sflag:s0] =	ssyncadd.s32 @p0 $0xFFFFC000  }
0xc8: {  	_ =	swait.ge @p0 [sflag:s0], $0x4000  }
0xc9: {  	[sflag:s0] =	ssyncset.done @p0 $0x0  }
0xca: {  	[sflag:s0] =	ssyncadd.s32 @p0 $0xFFFFC000  }
0xcb: {  	_ =	sfence.sel $0x180000  }
0xcc: {  	[bflag:$0x0] =	sbarrier.arrive $0xFFFF  }
0xcd: {  	_ =	strace $0x9000004A  }
0xce: {  	[bflag:$0x2] =	sbarrier.arrive $0xFFFF  }
0xcf: {  	p0 =	sne.s32 s1, $0x0;
	s0 =	rddreg [dreg:$0x1]  }
0xd0: {  	s0 =	sadd.s32 @!p0 $0x100000, s0  }
0xd1: {  	[sflag:s0] =	ssyncadd.tile.s32 @!p0 $0x1;
	_ =	shalt  }
.Lfunc_end2:
_tile_overlayer_lowered:
.L_overlay_start_2:
0xd2: {  	(tag) =	ssettag $0x2  }
0xd3: {  	s0 =	rddreg [dreg:$0x0];
	s2 =	stileid.u32  }
0xd4: {  	s1 =	rddreg [dreg:$0x1];
	p0 =	sne.s32 s2, $0x0  }
0xd5: {  	s3 =	rddreg [dreg:$0x2];
	[bflag:$0x3] =	sbarrier.arrive $0xFFFF;
	s2 =	simm.s32 @!p0 $0x1C05  }
0xd6: {  	[timem:s3], [sflag:s2] =	dma.local @!p0 [hbm:s0], s1  }
0xd7: {  	s0 =	simm.s32 @!p0 $0x5  }
0xd8: {  	_ =	swait.ge @!p0 [sflag:s0], s1  }
0xd9: {  	s1 =	ssub.s32 @!p0 $0x0, s1;
	[sflag:s0] =	ssyncset.done @!p0 $0x0  }
0xda: {  	[sflag:s0] =	ssyncadd.s32 @!p0 s1  }
0xdb: {  	[bflag:$0x3] =	sbarrier.arrive $0xFFFF  }
0xdc: {  	_ =	shalt  }

// kernel: kernel.19.cloned.1.call-start
scs
__scs_entry_jumppad:
0x0: {  	(pc) =	sbr.rel $0x88, $3  }
0x1: {  	(tag) =	ssettag $0x0;
	lr =	simm.s32 $0x1  }
0x2: {  	[smem:$0x3F94] =	sst lr;
	_ =	strace $0xD0000000  }
0x3: {  	_ = 	snop  }
0x4: {  	_ = 	snop  }
0x5: {  	_ = 	snop  }
0x6: {  	_ = 	snop  }
0x7: {  	_ = 	snop  }
__scs_overlays_trampoline_lowered:
0x8: {  	[smem:$0x3FA3] =	sst s0  }
0x9: {  	[smem:$0x3FA4] =	sst s1  }
0xa: {  	[smem:$0x3FA5] =	sst s2  }
0xb: {  	[smem:$0x3FA6] =	sst s3  }
0xc: {  	[smem:$0x3FA7] =	sst s4  }
0xd: {  	[smem:$0x3FA8] =	sst s5  }
0xe: {  	[smem:$0x3FA9] =	sst s6  }
0xf: {  	[smem:$0x3FAA] =	sst s7  }
0x10: {  	[smem:$0x3FAB] =	sst s8  }
0x11: {  	[smem:$0x3FAC] =	sst s9;
	s0 =	simm.s32 @!p0 $0x0  }
0x12: {  	s1 =	sld [smem:$0x3F92];
	s0 =	simm.s32 @p0 $0x1  }
0x13: {  	[smem:$0x3FAD] =	sst s0;
	s0 =	simm.s32 @!p1 $0x0  }
0x14: {  	s2 =	sld [smem:$0x3F91];
	s0 =	simm.s32 @p1 $0x1  }
0x15: {  	[smem:$0x3FAE] =	sst s0;
	s0 =	simm.s32 @!p2 $0x0  }
0x16: {  	s3 =	sld [smem:$0x3FDB];
	s0 =	simm.s32 @p2 $0x1  }
0x17: {  	s4 =	simm.s32 $0x1BF5;
	[smem:$0x3FB0] =	sst s0  }
0x18: {  	s0 =	sld [smem:$0x3F93];
	_ =	swait.ge [sflag:s4], $0x0  }
0x19: {  	s7 =	sld [smem:$0x3F94]  }
0x1a: {  	s8 =	sadd.s32 $0xFFFFE003, lr  }
0x1b: {  	s9 =	sadd.s32 $0xFFFFFEF7, lr;
	s5 =	simm.s32 $0xFFFFFFFF;
	p2 =	slt.u32 s8, $0xFFFFF086  }
0x1c: {  	p1 =	slt.u32 s9, $0xF7A;
	s5 =	simm.s32 @!p2 $0x0  }
0x1d: {  	s5 =	simm.s32 @p1 $0x1;
	p0 =	seq.s32 s7, s2  }
0x1e: {  	s7 =	smul.u32 @!p0 $0xF7A, s2;
	p2 =	seq.s32 @!p0 s5, $0x0  }
0x1f: {  	s9 =	smul.u32 $0xF7A, s1;
	s8 =	simm.s32 @!p0 $0x1BF5;
	p2 =	por !p2, p0  }
0x20: {  	[sflag:s8] =	ssyncset.s32 @!p0 $0xFFFFF086;
	s6 =	sadd.s32 @!p0 s3, s7;
	s7 =	simm.s32 @!p0 $0x108  }
0x21: {  	s3 =	sadd.s32 s3, s9;
	s6 =	sadd.s32 @!p0 $0x88, s6;
	s7 =	simm.s32 @p2 $0x1082  }
0x22: {  	[simem:s7], [sflag:s8] =	dma.local @!p0 [hbm:s6], $0xF7A  }
0x23: {  	s9 =	sor.u32 $0xD0000000, s2;
	s6 =	simm.s32 $0x108;
	_ =	swait.ge @!p0 [sflag:s8], $0x0  }
0x24: {  	s3 =	sadd.s32 $0x88, s3;
	s6 =	simm.s32 @!p1 $0x1082;
	[sflag:s4] =	ssyncset.s32 $0xFFFFF086  }
0x25: {  	[simem:s6], [sflag:s4] =	dma.local [hbm:s3], $0xF7A  }
0x26: {  	[smem:$0x3F94] =	sst s1;
	(tag) =	ssettag s2;
	_ =	strace s9  }
0x27: {  	s1 =	sld [smem:$0x3FA4]  }
0x28: {  	s2 =	sld [smem:$0x3FA5]  }
0x29: {  	s4 =	sld [smem:$0x3FA7]  }
0x2a: {  	p0 =	seq.s32 s5, $0x0;
	s5 =	sld [smem:$0x3FA8]  }
0x2b: {  	s6 =	sld [smem:$0x3FA9]  }
0x2c: {  	s7 =	sld [smem:$0x3FAA]  }
0x2d: {  	s3 =	simm.s32 $0x108;
	s8 =	sld [smem:$0x3FAB]  }
0x2e: {  	s3 =	simm.s32 @!p0 $0x1082;
	s9 =	sld [smem:$0x3FAC]  }
0x2f: {  	lr =	sadd.s32 s0, s3;
	s0 =	sld [smem:$0x3FA3]  }
0x30: {  	s3 =	sld [smem:$0x3FA6]  }
0x31: {  	[smem:$0x3FAF] =	sst s10  }
0x32: {  	s10 =	sld [smem:$0x3FAD];
	_ =	sdelay $0x3  }
0x33: {  	p0 =	seq.s32 s10, $0x1;
	s10 =	sld [smem:$0x3FAF];
	_ =	sdelay $0x3  }
0x34: {  	[smem:$0x3FAF] =	sst s10  }
0x35: {  	s10 =	sld [smem:$0x3FAE];
	_ =	sdelay $0x3  }
0x36: {  	p1 =	seq.s32 s10, $0x1;
	s10 =	sld [smem:$0x3FAF];
	_ =	sdelay $0x3  }
0x37: {  	[smem:$0x3FAF] =	sst s10  }
0x38: {  	s10 =	sld [smem:$0x3FB0]  }
0x39: {  	_ = 	snop;
	(pc) =	sbr.ind lr, $3  }
0x3a: {  	_ = 	snop  }
0x3b: {  	_ = 	snop  }
0x3c: {  	p2 =	seq.s32 s10, $0x1;
	s10 =	sld [smem:$0x3FAF]  }
0x3d: {  	_ =	shalt  }
0x3e: {  	_ =	shalt  }
0x3f: {  	_ =	shalt  }
0x40: {  	_ =	shalt  }
0x41: {  	_ =	shalt  }
0x42: {  	_ =	shalt  }
0x43: {  	_ =	shalt  }
0x44: {  	_ =	shalt  }
0x45: {  	_ =	shalt  }
0x46: {  	_ =	shalt  }
0x47: {  	_ =	shalt  }
0x48: {  	_ =	shalt  }
0x49: {  	_ =	shalt  }
0x4a: {  	_ =	shalt  }
0x4b: {  	_ =	shalt  }
0x4c: {  	_ =	shalt  }
0x4d: {  	_ =	shalt  }
0x4e: {  	_ =	shalt  }
0x4f: {  	_ =	shalt  }
0x50: {  	_ =	shalt  }
0x51: {  	_ =	shalt  }
0x52: {  	_ =	shalt  }
0x53: {  	_ =	shalt  }
0x54: {  	_ =	shalt  }
0x55: {  	_ =	shalt  }
0x56: {  	_ =	shalt  }
0x57: {  	_ =	shalt  }
0x58: {  	_ =	shalt  }
0x59: {  	_ =	shalt  }
0x5a: {  	_ =	shalt  }
0x5b: {  	_ =	shalt  }
0x5c: {  	_ =	shalt  }
0x5d: {  	_ =	shalt  }
0x5e: {  	_ =	shalt  }
0x5f: {  	_ =	shalt  }
0x60: {  	_ =	shalt  }
0x61: {  	_ =	shalt  }
0x62: {  	_ =	shalt  }
0x63: {  	_ =	shalt  }
0x64: {  	_ =	shalt  }
0x65: {  	_ =	shalt  }
0x66: {  	_ =	shalt  }
0x67: {  	_ =	shalt  }
0x68: {  	_ =	shalt  }
0x69: {  	_ =	shalt  }
0x6a: {  	_ =	shalt  }
0x6b: {  	_ =	shalt  }
0x6c: {  	_ =	shalt  }
0x6d: {  	_ =	shalt  }
0x6e: {  	_ =	shalt  }
0x6f: {  	_ =	shalt  }
0x70: {  	_ =	shalt  }
0x71: {  	_ =	shalt  }
0x72: {  	_ =	shalt  }
0x73: {  	_ =	shalt  }
0x74: {  	_ =	shalt  }
0x75: {  	_ =	shalt  }
0x76: {  	_ =	shalt  }
0x77: {  	_ =	shalt  }
0x78: {  	_ =	shalt  }
0x79: {  	_ =	shalt  }
0x7a: {  	_ =	shalt  }
0x7b: {  	_ =	shalt  }
0x7c: {  	_ =	shalt  }
0x7d: {  	_ =	shalt  }
0x7e: {  	_ =	shalt  }
0x7f: {  	_ =	shalt  }
0x80: {  	_ =	shalt  }
0x81: {  	_ =	shalt  }
0x82: {  	_ =	shalt  }
0x83: {  	_ =	shalt  }
0x84: {  	_ =	shalt  }
0x85: {  	_ =	shalt  }
0x86: {  	_ =	shalt  }
0x87: {  	_ =	shalt  }
.Lfunc_end0:
.L_simem_size_0:
called_computation.3_lowered:
.L_overlay_start_0:
0x88: {  	s2 =	sld [smem:$0x3FD9]  }
0x89: {  	s3 =	sld [smem:$0x3FFE];
	_ =	sdelay $0x1  }
0x8a: {  	s1 =	srdreg.scid  }
0x8b: {  	s0 =	sand.u32 $0x1, s1  }
0x8c: {  	s16 =	sshll.u32 s0, $0xA;
	s2 =	sadd.s32 s3, s2  }
0x8d: {  	s2 =	sadd.s32 s2, s16  }
0x8e: {  	[smem:$0x3FBB] =	sst s2  }
0x8f: {  	_ = 	snop  }
0x90: {  	(tm) =	ssettm $0x1  }
0x91: {  	s17 =	sld [smem:$0x3FFB];
	_ =	sdelay $0x3  }
0x92: {  	_ =	strace s17  }
0x93: {  	s2 =	sld [smem:$0x3FFC];
	_ =	sdelay $0x3  }
0x94: {  	_ =	strace s2  }
0x95: {  	s2 =	sld [smem:$0x3FFD];
	_ =	sdelay $0x3  }
0x96: {  	_ =	strace s2  }
0x97: {  	_ =	strace $0x8FFFFFFF  }
0x98: {  	s18 =	sld [smem:$0x3FDB];
	_ =	sdelay $0x1  }
0x99: {  	s19 =	simm.s32 $_scs_section_size  }
0x9a: {  	s4 =	simm.s32 $_size__tile_overlayer_lowered;
	s5 =	simm.s32 $_tile_overlayer_lowered  }
0x9b: {  	s22 =	simm.s32 $0x1BFF;
	s21 =	sshll.u32 s5, $0x1;
	s2 =	sadd.s32 s19, s18  }
0x9c: {  	s6 =	simm.s32 $0x0;
	s20 =	sshll.u32 s4, $0x1;
	s4 =	sadd.s32 s21, s2  }
0x9d: {  	[timem:s6], [sflag:s22] =	dma.local [hbm:s4], s20  }
0x9e: {  	_ =	swait.ge [sflag:s22], s20  }
0x9f: {  	s3 =	ssub.s32 $0x0, s20;
	[sflag:s22] =	ssyncset.done $0x0  }
0xa0: {  	[sflag:s22] =	ssyncadd.s32 s3;
	_ =	sdelay $0x1  }
0xa1: {  	s23 =	simm.s32 $0x1B8B  }
0xa2: {  	_ =	swait.ge [sflag:s23], $0x1  }
0xa3: {  	[sflag:s23] =	ssyncset.done $0x0  }
0xa4: {  	s25 =	simm.s32 $0x1B8E;
	s24 =	sld [smem:$0x3FFE];
	[sflag:s23] =	ssyncadd.s32 $0xFFFFFFFF  }
0xa5: {  	s26 =	simm.s32 $execute0_lowered;
	[smem:$0x3FD2] =	sst s25  }
0xa6: {  	s4 =	sshll.u32 s26, $0x1;
	_ =	strace $0x8000004F;
	[dreg:$0x1] =	wrdreg $0xFFFFFFFF  }
0xa7: {  	s28 =	simm.s32 $_size_execute0_lowered;
	s2 =	sadd.s32 s2, s4;
	[dreg:$0x0] =	wrdreg $0x0  }
0xa8: {  	s4 =	sshll.u32 s28, $0x1;
	[dreg:$0x2] =	wrdreg s2  }
0xa9: {  	[dreg:$0x3] =	wrdreg s4  }
0xaa: {  	[dreg:$0x4] =	wrdreg $0xC0  }
0xab: {  	_ =	task [dreg:s6], $0x5FFFF  }
0xac: {  	[dreg:$0x1] =	wrdreg $0xFFFFFFFF  }
0xad: {  	[dreg:$0x0] =	wrdreg $0x60  }
0xae: {  	[dreg:$0x2] =	wrdreg s24  }
0xaf: {  	[dreg:$0x3] =	wrdreg $0x81000  }
0xb0: {  	[dreg:$0x4] =	wrdreg $0x9  }
0xb1: {  	_ =	task.clear_ibuf [dreg:s6], $0x5FFFF;
	_ =	strace $0x9000004F  }
0xb2: {  	s29 =	simm.s32 $0x9;
	_ =	strace $0x80000051  }
0xb3: {  	_ =	swait.ge [sflag:s29], $0x1  }
0xb4: {  	[sflag:s29] =	ssyncadd.s32 $0xFFFFFFFF  }
0xb5: {  	_ =	strace $0x90000051  }
0xb6: {  	_ =	sfence  }
0xb7: {  	s30 =	sld [smem:$0x0];
	_ =	sdelay $0x2  }
0xb8: {  	s31 =	sshll.u32 s1, $0xD;
	s1 =	sshrl.u32 s1, $0x2  }
0xb9: {  	s3 =	sand.u32 $0x4000, s31;
	s1 =	sadd.s32 s1, s30  }
0xba: {  	s0 =	sor.u32 s3, s0;
	s1 =	sshll.u32 s1, $0x11  }
0xbb: {  	s0 =	sor.u32 s1, s0  }
0xbc: {  	s0 =	sadd.s32 $0x8F2B, s0  }
0xbd: {  	[sflag:s0] =	ssyncadd.remote.s32 $0x1  }
0xbe: {  	_ =	sfence.sel $0xFFFF  }
0xbf: {  	[dreg:$0x0] =	wrdreg $0xFFFFFFFF;
	(pc) =	sbr.abs _section_cstart, $3  }
0xc0: {  	[dreg:$0x1] =	wrdreg $0xFFFFFFFF  }
0xc1: {  	_ =	task.clear_ibuf [dreg:s6], $0x2FFFF;
	_ =	strace $0x9FFFFFFF  }
0xc2: {  	(tm) =	ssettm $0x7FFFFFFF  }
0xc3: {  	_ =	shalt  }
tec
execute0_lowered:
.L_overlay_start_1:
0x0: {  	(tag) =	ssettag $0x1  }
0x1: {  	s0 =	rddreg [dreg:$0x0]  }
0x2: {  	s1 =	srdreg.scid;
	s2 =	rddreg [dreg:$0x1]  }
0x3: {  	s15 =	stileid.u32;
	s3 =	simm.s32 $0x0;
	s18 =	simm.s32 $0x100  }
0x4: {  	s19 =	simm.s32 $0x80;
	s21 =	simm.s32 $0x1;
	s1 =	sand.u32 $0x1, s1  }
0x5: {  	s5 =	smul.u32 $0x14000, s15;
	[smem:$0x7FF] =	sst s3;
	s13 =	sadd.s32 $0x2CCE00, s0  }
0x6: {  	s7 =	sshll.u32 s15, $0x1;
	s8 =	smul.u32 $0x50000, s15;
	s25 =	sshll.u32 s15, $0x6  }
0x7: {  	s30 =	sshll.u32 s15, $0xC;
	s15 =	sshll.u32 s15, $0x8;
	s4 =	smul.u32 $0x140000, s1  }
0x8: {  	_ =	strace $0x80000050;
	s6 =	ssub.s32 $0x2, s1;
	s10 =	sor.u32 s1, s7  }
0x9: {  	s7 =	sor.u32 $0x1C03, s25;
	s16 =	sshll.u32 s1, $0x7;
	s1 =	sshll.u32 s1, $0xB  }
0xa: {  	s22 =	sshrl.u32 s6, $0x1;
	s23 =	ssub.s32 $0x501, s10;
	s24 =	sshrl.u32 s8, $0x2  }
0xb: {  	s11 =	sshll.u32 s10, $0x7;
	s29 =	sshll.u32 s10, $0x4;
	s12 =	sshll.u32 s10, $0xB  }
0xc: {  	s15 =	sor.u32 s16, s15;
	s5 =	sadd.s32 s5, s4;
	s4 =	sadd.s32 $0x542E00, s0  }
0xd: {  	s9 =	ssub.s32 s6, s22;
	s17 =	sadd.s32 s24, s2;
	s28 =	sor.u32 $0x1000, s11  }
0xe: {  	s11 =	sadd.s32 s13, s12;
	s16 =	sor.u32 $0x3000, s15;
	s15 =	sor.u32 $0x2000, s15  }
0xf: {  	s22 =	simm.s32 $0x3;
	s5 =	sshrl.u32 s5, $0x3;
	s9 =	smax.u32 s9, $0x1  }
0x10: {  	s14 =	sshrl.u32 s28, $0x3;
	s10 =	sadd.s32 s4, s29;
	s31 =	sshrl.u32 s16, $0x3  }
0x11: {  	s17 =	sshrl.u32 s17, $0x3;
	s0 =	sadd.s32 s5, s0;
	s5 =	sshrl.u32 s23, $0x5  }
0x12: {  	s12 =	sadd.s32 s4, s14;
	s14 =	sadd.s32 s30, s13;
	s16 =	sadd.s32 s31, s4  }
0x13: {  	s23 =	simm.s32 $0x0;
	s26 =	sadd.s32 $0xF5BE00, s0;
	s0 =	sadd.s32 $0x3A00, s0  }
0x14: {  	s1 =	sadd.s32 s1, s14;
	[dreg:$0x4] =	wrdreg s0;
	s0 =	sshll.u32 s28, $0x4  }
0x15: {  	[dreg:$0x3] =	wrdreg s26;
	s14 =	sadd.s32 $0x20000, s1;
	s13 =	sadd.s32 s13, s0  }
.LBB2_1:
0x16: {  	s0 =	rddreg [dreg:$0x3]  }
0x17: {  	[spmem:s17], [sflag:s7] =	dma.local [hbm:s0], $0x2800  }
0x18: {  	_ =	swait.ge [sflag:s22], $0x2800  }
0x19: {  	[sflag:s22] =	ssyncset.done $0x0  }
0x1a: {  	[sflag:s22] =	ssyncadd.s32 $0xFFFFD800  }
0x1b: {  	[bflag:$0x0] =	sbarrier.arrive $0xFFFF  }
0x1c: {  	[tilespmem:s3], [sflag:$0x1] =	stream.linear.gather [hbm4b:s10+s3], $0x80, $0x38;
	[tilespmem:$0x1C100] =	vst v63  }
0x1d: {  	_ = 	snop  }
0x1e: {  	[tilespmem:s18], [sflag:$0x1] =	stream.linear.gather [hbm4b:s11+s3], $0x4000, $0x38;
	[tilespmem:$0x1C100] =	vst v63  }
0x1f: {  	_ = 	snop  }
0x20: {  	[tilespmem:s19], [sflag:$0x2] =	stream.linear.gather [hbm4b:s12+s3], $0x80, $0x38;
	[tilespmem:$0x1C100] =	vst v63  }
0x21: {  	s26 =	simm.s32 $0x4100  }
0x22: {  	[tilespmem:s26], [sflag:$0x2] =	stream.linear.gather [hbm4b:s13+s3], $0x4000, $0x38;
	[tilespmem:$0x1C100] =	vst v63  }
0x23: {  	_ =	swait.ge [sflag:s21], $0x80  }
0x24: {  	[sflag:s21] =	ssyncset.done $0x0  }
0x25: {  	[sflag:s21] =	ssyncadd.s32 $0xFFFFFF80  }
0x26: {  	_ =	swait.ge [sflag:s21], $0x4000  }
0x27: {  	[sflag:s21] =	ssyncset.done $0x0  }
0x28: {  	[sflag:s21] =	ssyncadd.s32 $0xFFFFC000  }
0x29: {  	[spmem:s2] =	stream.indirect.scatter.add.f32 [tilespmem:s18], [sflag:$0x3], $0x80, s3, s19, $0xb8;
	[tilespmem:$0x1C100] =	vst v63  }
0x2a: {  	p0 =	sle.u32 s5, $0x2;
	p1 =	slt.u32 s5, $0x2;
	_ =	swait.ge [sflag:s22], $0x4000  }
0x2b: {  	s0 =	sshrl.u32 @!p0 s15, $0x3;
	s1 =	simm.s32 @!p0 $0x0;
	[sflag:s22] =	ssyncset.done $0x0  }
0x2c: {  	s0 =	sadd.s32 @!p0 s4, s0;
	p0 =	por p0, p0;
	[sflag:s22] =	ssyncadd.s32 $0xFFFFC000  }
0x2d: {  	[tilespmem:s1], [sflag:$0x1] =	stream.linear.gather @!p0 [hbm4b:s0+s1], $0x80, $0x38;
	[tilespmem:$0x1C100] =	vst v63  }
0x2e: {  	s28 =	simm.s32 @!p0 $0x100;
	s0 =	simm.s32 @!p1 $0x2  }
0x2f: {  	[tilespmem:s28], [sflag:$0x1] =	stream.linear.gather @!p0 [hbm4b:s14+s1], $0x4000, $0x38;
	[tilespmem:$0x1C100] =	vst v63  }
0x30: {  	_ =	swait.ge @!p1 [sflag:s0], $0x80  }
0x31: {  	[sflag:s0] =	ssyncset.done @!p1 $0x0  }
0x32: {  	[sflag:s0] =	ssyncadd.s32 @!p1 $0xFFFFFF80  }
0x33: {  	_ =	swait.ge @!p1 [sflag:s0], $0x4000  }
0x34: {  	s24 =	simm.s32 @!p1 $0x4;
	[sflag:s0] =	ssyncset.done @!p1 $0x0  }
0x35: {  	s25 =	simm.s32 @!p1 $0x4100;
	[sflag:s0] =	ssyncadd.s32 @!p1 $0xFFFFC000;
	s0 =	simm.s32 @!p1 $0x80  }
0x36: {  	[spmem:s2] =	stream.indirect.scatter.add.f32 @!p1 [tilespmem:s25], [sflag:$0x4], $0x80, s0, s0, $0xb8;
	[tilespmem:$0x1C100] =	vst v63  }
0x37: {  	_ =	swait.ge @!p1 [sflag:s24], $0x4000  }
0x38: {  	p2 =	sle.u32 s5, $0x3;
	[sflag:s24] =	ssyncset.done @!p1 $0x0  }
0x39: {  	s0 =	simm.s32 @!p2 $0x0;
	[sflag:s24] =	ssyncadd.s32 @!p1 $0xFFFFC000;
	s24 =	simm.s32 @!p2 $0x80  }
0x3a: {  	[tilespmem:s24], [sflag:$0x2] =	stream.linear.gather @!p2 [hbm4b:s16+s0], $0x80, $0x38;
	[tilespmem:$0x1C100] =	vst v63  }
0x3b: {  	s30 =	simm.s32 @!p0 $0x1;
	s25 =	simm.s32 @!p2 $0x4100;
	s24 =	sadd.s32 @!p2 $0x10000, s14  }
0x3c: {  	[tilespmem:s25], [sflag:$0x2] =	stream.linear.gather @!p2 [hbm4b:s24+s0], $0x4000, $0x38;
	[tilespmem:$0x1C100] =	vst v63  }
0x3d: {  	_ =	swait.ge @!p0 [sflag:s30], $0x80  }
0x3e: {  	[sflag:s30] =	ssyncset.done @!p0 $0x0  }
0x3f: {  	s29 =	simm.s32 $0x7;
	[sflag:s30] =	ssyncadd.s32 @!p0 $0xFFFFFF80  }
0x40: {  	p3 =	sle.u32 s5, $0x4;
	s31 =	simm.s32 @!p0 $0x3;
	_ =	swait.ge @!p0 [sflag:s30], $0x4000  }
0x41: {  	s26 =	sadd.s32 $0x400, s16;
	s25 =	simm.s32 $0x5;
	[sflag:s30] =	ssyncset.done @!p0 $0x0  }
0x42: {  	s24 =	sadd.s32 $0x20000, s14;
	[sflag:s30] =	ssyncadd.s32 @!p0 $0xFFFFC000;
	s30 =	simm.s32 @!p0 $0x80  }
0x43: {  	[spmem:s2] =	stream.indirect.scatter.add.f32 @!p0 [tilespmem:s28], [sflag:$0x3], $0x80, s1, s30, $0xb8;
	[tilespmem:$0x1C100] =	vst v63  }
0x44: {  	s0 =	simm.s32 $0x4;
	s30 =	sadd.s32 $0x2000, s15;
	_ =	swait.ge @!p0 [sflag:s31], $0x4000  }
0x45: {  	s28 =	simm.s32 @!p3 $0x0;
	s1 =	sshrl.u32 @!p3 s30, $0x3;
	[sflag:s31] =	ssyncset.done @!p0 $0x0  }
.LBB2_2:
0x46: {  	s1 =	sadd.s32 @!p3 s4, s1;
	p2 =	sgt.u32 s0, s5  }
0x47: {  	[sflag:s31] =	ssyncadd.s32 @!p0 $0xFFFFC000;
	s0 =	smov.u32 s29;
	p0 =	por p3, p3  }
0x48: {  	[tilespmem:s28], [sflag:$0x1] =	stream.linear.gather @!p0 [hbm4b:s1+s28], $0x80, $0x38;
	[tilespmem:$0x1C100] =	vst v63  }
0x49: {  	s29 =	sadd.s32 $0x2, s29;
	s1 =	simm.s32 @!p0 $0x100;
	s31 =	simm.s32 @!p2 $0x2  }
0x4a: {  	[tilespmem:s1], [sflag:$0x1] =	stream.linear.gather @!p0 [hbm4b:s24+s28], $0x4000, $0x38;
	[tilespmem:$0x1C100] =	vst v63  }
0x4b: {  	p1 =	sne.s32 s29, $0x2B;
	_ =	swait.ge @!p2 [sflag:s31], $0x80  }
0x4c: {  	[sflag:s31] =	ssyncset.done @!p2 $0x0  }
0x4d: {  	[sflag:s31] =	ssyncadd.s32 @!p2 $0xFFFFFF80  }
0x4e: {  	_ =	swait.ge @!p2 [sflag:s31], $0x4000  }
0x4f: {  	s20 =	simm.s32 @!p2 $0x4;
	[sflag:s31] =	ssyncset.done @!p2 $0x0  }
0x50: {  	s6 =	simm.s32 @!p2 $0x4100;
	[sflag:s31] =	ssyncadd.s32 @!p2 $0xFFFFC000;
	s31 =	simm.s32 @!p2 $0x80  }
0x51: {  	[spmem:s2] =	stream.indirect.scatter.add.f32 @!p2 [tilespmem:s6], [sflag:$0x4], $0x80, s31, s31, $0xb8;
	[tilespmem:$0x1C100] =	vst v63  }
0x52: {  	_ =	swait.ge @!p2 [sflag:s20], $0x4000  }
0x53: {  	p3 =	sge.u32 s25, s5;
	s25 =	smov.u32 s0;
	[sflag:s20] =	ssyncset.done @!p2 $0x0  }
0x54: {  	s0 =	simm.s32 @!p3 $0x0;
	s6 =	simm.s32 @!p3 $0x80;
	[sflag:s20] =	ssyncadd.s32 @!p2 $0xFFFFC000  }
0x55: {  	[tilespmem:s6], [sflag:$0x2] =	stream.linear.gather @!p3 [hbm4b:s26+s0], $0x80, $0x38;
	[tilespmem:$0x1C100] =	vst v63  }
0x56: {  	s8 =	simm.s32 @!p0 $0x1;
	s20 =	simm.s32 @!p3 $0x4100;
	s6 =	sadd.s32 @!p3 $0x10000, s24  }
0x57: {  	[tilespmem:s20], [sflag:$0x2] =	stream.linear.gather @!p3 [hbm4b:s6+s0], $0x4000, $0x38;
	[tilespmem:$0x1C100] =	vst v63  }
0x58: {  	_ =	swait.ge @!p0 [sflag:s8], $0x80  }
0x59: {  	[sflag:s8] =	ssyncset.done @!p0 $0x0  }
0x5a: {  	[sflag:s8] =	ssyncadd.s32 @!p0 $0xFFFFFF80  }
0x5b: {  	s24 =	sadd.s32 $0x20000, s24;
	s26 =	sadd.s32 $0x400, s26;
	_ =	swait.ge @!p0 [sflag:s8], $0x4000  }
.Ltmp0:
0x5c: {  	s31 =	simm.s32 @!p0 $0x3;
	[sflag:s8] =	ssyncset.done @!p0 $0x0;
	(pc) =	sbr.rel @p1 .LBB2_2-.Ltmp0, $4  }
0x5d: {  	s0 =	sadd.s32 $0xFFFFFFFF, s25;
	s6 =	simm.s32 @!p0 $0x80;
	[sflag:s8] =	ssyncadd.s32 @!p0 $0xFFFFC000  }
0x5e: {  	[spmem:s2] =	stream.indirect.scatter.add.f32 @!p0 [tilespmem:s1], [sflag:$0x3], $0x80, s28, s6, $0xb8;
	[tilespmem:$0x1C100] =	vst v63  }
0x5f: {  	s30 =	sadd.s32 $0x2000, s30;
	p3 =	sge.u32 s0, s5;
	_ =	swait.ge @!p0 [sflag:s31], $0x4000  }
0x60: {  	s1 =	sshrl.u32 @!p3 s30, $0x3;
	s28 =	simm.s32 @!p3 $0x0;
	[sflag:s31] =	ssyncset.done @!p0 $0x0  }
0x61: {  	s1 =	sadd.s32 @!p3 s4, s1  }
0x62: {  	p1 =	sgt.u32 s0, s5;
	[sflag:s31] =	ssyncadd.s32 @!p0 $0xFFFFC000;
	p0 =	por p3, p3  }
0x63: {  	[tilespmem:s28], [sflag:$0x1] =	stream.linear.gather @!p0 [hbm4b:s1+s28], $0x80, $0x38;
	[tilespmem:$0x1C100] =	vst v63  }
0x64: {  	s0 =	simm.s32 @!p0 $0x100;
	s1 =	simm.s32 @!p1 $0x2  }
0x65: {  	[tilespmem:s0], [sflag:$0x1] =	stream.linear.gather @!p0 [hbm4b:s24+s28], $0x4000, $0x38;
	[tilespmem:$0x1C100] =	vst v63  }
0x66: {  	_ =	swait.ge @!p1 [sflag:s1], $0x80  }
0x67: {  	[sflag:s1] =	ssyncset.done @!p1 $0x0  }
0x68: {  	[sflag:s1] =	ssyncadd.s32 @!p1 $0xFFFFFF80  }
0x69: {  	_ =	swait.ge @!p1 [sflag:s1], $0x4000  }
0x6a: {  	s6 =	simm.s32 @!p1 $0x4;
	[sflag:s1] =	ssyncset.done @!p1 $0x0  }
0x6b: {  	s8 =	simm.s32 @!p1 $0x4100;
	[sflag:s1] =	ssyncadd.s32 @!p1 $0xFFFFC000;
	s1 =	simm.s32 @!p1 $0x80  }
0x6c: {  	[spmem:s2] =	stream.indirect.scatter.add.f32 @!p1 [tilespmem:s8], [sflag:$0x4], $0x80, s1, s1, $0xb8;
	[tilespmem:$0x1C100] =	vst v63  }
0x6d: {  	_ =	swait.ge @!p1 [sflag:s6], $0x4000  }
0x6e: {  	p2 =	sge.u32 s25, s5;
	[sflag:s6] =	ssyncset.done @!p1 $0x0  }
0x6f: {  	s1 =	simm.s32 @!p2 $0x0;
	[sflag:s6] =	ssyncadd.s32 @!p1 $0xFFFFC000;
	s6 =	simm.s32 @!p2 $0x80  }
0x70: {  	[tilespmem:s6], [sflag:$0x2] =	stream.linear.gather @!p2 [hbm4b:s26+s1], $0x80, $0x38;
	[tilespmem:$0x1C100] =	vst v63  }
0x71: {  	s20 =	simm.s32 @!p0 $0x1;
	s8 =	simm.s32 @!p2 $0x4100;
	s6 =	sadd.s32 @!p2 $0x10000, s24  }
0x72: {  	[tilespmem:s8], [sflag:$0x2] =	stream.linear.gather @!p2 [hbm4b:s6+s1], $0x4000, $0x38;
	[tilespmem:$0x1C100] =	vst v63  }
0x73: {  	_ =	swait.ge @!p0 [sflag:s20], $0x80  }
0x74: {  	[sflag:s20] =	ssyncset.done @!p0 $0x0  }
0x75: {  	[sflag:s20] =	ssyncadd.s32 @!p0 $0xFFFFFF80  }
0x76: {  	_ =	swait.ge @!p0 [sflag:s20], $0x4000  }
0x77: {  	[sflag:s20] =	ssyncset.done @!p0 $0x0  }
0x78: {  	s1 =	simm.s32 @!p0 $0x3;
	s6 =	simm.s32 @!p0 $0x80;
	[sflag:s20] =	ssyncadd.s32 @!p0 $0xFFFFC000  }
0x79: {  	[spmem:s2] =	stream.indirect.scatter.add.f32 @!p0 [tilespmem:s0], [sflag:$0x3], $0x80, s28, s6, $0xb8;
	[tilespmem:$0x1C100] =	vst v63  }
0x7a: {  	_ =	swait.ge @!p0 [sflag:s1], $0x4000  }
0x7b: {  	[sflag:s1] =	ssyncset.done @!p0 $0x0  }
0x7c: {  	s23 =	sadd.s32 $0x1, s23;
	[sflag:s1] =	ssyncadd.s32 @!p0 $0xFFFFC000  }
0x7d: {  	p0 =	sne.s32 s23, s9;
	[bflag:$0x0] =	sbarrier.arrive $0xFFFF  }
.Ltmp1:
0x7e: {  	s31 =	rddreg [dreg:$0x4];
	(pc) =	sbr.rel @p0 .LBB2_1-.Ltmp1, $4  }
0x7f: {  	[hbm:s31], [sflag:s7] =	dma.local [spmem:s17], $0x2800  }
0x80: {  	_ =	swait.ge [sflag:s22], $0x2800  }
0x81: {  	[sflag:s22] =	ssyncset.done $0x0  }
0x82: {  	[sflag:s22] =	ssyncadd.s32 $0xFFFFD800  }
0x83: {  	_ =	sfence.sel $0x180000  }
0x84: {  	[bflag:$0x0] =	sbarrier.arrive $0xFFFF  }
0x85: {  	_ =	strace $0x90000050  }
0x86: {  	s0 =	stileid.u32;
	[bflag:$0x2] =	sbarrier.arrive $0xFFFF  }
0x87: {  	p0 =	sne.s32 s0, $0x0;
	s0 =	rddreg [dreg:$0x2]  }
0x88: {  	s0 =	sadd.s32 @!p0 $0x100000, s0  }
0x89: {  	[sflag:s0] =	ssyncadd.tile.s32 @!p0 $0x1;
	_ =	shalt  }
.Lfunc_end2:
_tile_overlayer_lowered:
.L_overlay_start_2:
0x8a: {  	(tag) =	ssettag $0x2  }
0x8b: {  	s0 =	rddreg [dreg:$0x0];
	s2 =	stileid.u32  }
0x8c: {  	s1 =	rddreg [dreg:$0x1];
	p0 =	sne.s32 s2, $0x0  }
0x8d: {  	s3 =	rddreg [dreg:$0x2];
	[bflag:$0x3] =	sbarrier.arrive $0xFFFF;
	s2 =	simm.s32 @!p0 $0x1C03  }
0x8e: {  	[timem:s3], [sflag:s2] =	dma.local @!p0 [hbm:s0], s1  }
0x8f: {  	s0 =	simm.s32 @!p0 $0x3  }
0x90: {  	_ =	swait.ge @!p0 [sflag:s0], s1  }
0x91: {  	s1 =	ssub.s32 @!p0 $0x0, s1;
	[sflag:s0] =	ssyncset.done @!p0 $0x0  }
0x92: {  	[sflag:s0] =	ssyncadd.s32 @!p0 s1  }
0x93: {  	[bflag:$0x3] =	sbarrier.arrive $0xFFFF  }
0x94: {  	_ =	shalt  }

</sc_bundles>
